<compile_context>
chip_gen: v7x
topology: tpu7x:2x2x1
jax: 0.10.2.dev20260603
libtpu: 0.0.44.dev20260713+nightly
codegen_flags: <defaults>
</compile_context>

<pallas_src>
import functools

import jax
import jax.numpy as jnp
from jax import lax
from jax.experimental import pallas as pl
from jax.experimental.pallas import tpu as pltpu
from jax.experimental.pallas import tpu_sc as plsc

EPS = 1e-7
_CLAMP = 80.0
_TINY = 1e-20
_BN_EPS = 1e-5
_LANES = 16
_B = 128
_BN_BLK = 1000


def _uv(y):
  u = jnp.exp(jnp.minimum(y, _CLAMP))
  return u, u * y


def _store_w(w_ref, u, v):
  h = u.shape[-1] // 2
  w_ref[0, :, 0:h] = u[:, :h]
  w_ref[0, :, h:] = v[:, :h]
  w_ref[1, :, 0:h] = u[:, h:]
  w_ref[1, :, h:] = v[:, h:]


def _p_body(x_ref, w_ref):
  y = jnp.maximum(x_ref[...], 0.0) + EPS
  u, v = _uv(y)
  _store_w(w_ref, u, v)


def _make_w(x):
  n, d = x.shape
  grid = n // _BN_BLK
  return pl.pallas_call(
      _p_body,
      grid=(grid,),
      in_specs=[pl.BlockSpec((_BN_BLK, d), lambda i: (i, 0))],
      out_specs=pl.BlockSpec((2, _BN_BLK, d), lambda i: (0, i, 0)),
      out_shape=jax.ShapeDtypeStruct((2, n, d), jnp.float32),
  )(x)


def _sc_segsum(w, idx):
  _, n, dw = w.shape
  tiles, chunks, _, b = idx.shape
  zr = 632
  acc_rows = zr * _LANES

  mesh = plsc.VectorSubcoreMesh(core_axis_name="c", subcore_axis_name="s")

  @functools.partial(
      pl.kernel,
      out_type=jax.ShapeDtypeStruct((2, acc_rows, dw), jnp.float32),
      mesh=mesh,
      scratch_types=[
          [pltpu.VMEM((2, b), jnp.int32) for _ in range(3)],
          [pltpu.VMEM((b, dw), jnp.float32) for _ in range(3)],
          pltpu.VMEM_SHARED((acc_rows, dw), jnp.float32),
          [pltpu.SemaphoreType.DMA for _ in range(3)],
          [pltpu.SemaphoreType.DMA for _ in range(3)],
      ],
  )
  def k(w_hbm, idx_hbm, out_hbm, ib, gb, acc, isem, gsem):
    c = lax.axis_index("c")
    s = lax.axis_index("s")

    def zfill(r, carry):
      for q in range(dw // _LANES):
        gb[0][r, pl.ds(q * _LANES, _LANES)] = jnp.zeros((_LANES,),
                                                        jnp.float32)
      return carry

    lax.fori_loop(0, b, zfill, 0)
    for kk in range(zr // b):
      pltpu.sync_copy(gb[0], acc.at[pl.ds(s * zr + kk * b, b)])
    rem = zr % b
    if rem:
      pltpu.sync_copy(gb[0].at[pl.ds(0, rem)],
                      acc.at[pl.ds(s * zr + (zr // b) * b, rem)])
    plsc.subcore_barrier()

    def start_idx(i, bi):
      pltpu.async_copy(idx_hbm.at[s, i], ib[bi], isem[bi])

    def wait_idx(bi):
      pltpu.make_async_copy(idx_hbm.at[s, 0], ib[bi], isem[bi]).wait()

    def start_gather(i, bi):
      pltpu.async_copy(w_hbm.at[c].at[ib[bi].at[0]], gb[bi], gsem[bi])

    def wait_gather(bi):
      pltpu.make_async_copy(w_hbm.at[c].at[ib[0].at[0]], gb[bi],
                            gsem[bi]).wait()

    start_idx(0, 0)
    start_idx(1, 1)
    start_idx(2, 2)
    wait_idx(0)
    start_gather(0, 0)
    wait_idx(1)
    start_gather(1, 1)

    def body(g, carry):
      for u in range(3):
        j = g * 3 + u
        wait_gather(u)
        pltpu.sync_copy(gb[u], acc.at[ib[u].at[1]], add=True)

        @pl.when(j + 3 < chunks)
        def _():
          start_idx(j + 3, u)

        @pl.when(j + 2 < chunks)
        def _():
          wait_idx((u + 2) % 3)
          start_gather(j + 2, (u + 2) % 3)

      return carry

    lax.fori_loop(0, chunks // 3, body, 0)

    plsc.subcore_barrier()
    pltpu.sync_copy(acc.at[pl.ds(s * zr, zr)],
                    out_hbm.at[c].at[pl.ds(s * zr, zr)])

  return k(w, idx)


def _a_body(t_ref, x_ref, w1_ref, b1_ref, h_ref, st_ref):
  i = pl.program_id(0)
  t = t_ref[...]
  h2 = t.shape[-1] // 2
  t0 = jnp.concatenate([t[0, :, :h2], t[1, :, :h2]], axis=-1)
  t1 = jnp.concatenate([t[0, :, h2:], t[1, :, h2:]], axis=-1)
  aggr = t1 / (t0 + _TINY)
  out0 = aggr + x_ref[...]
  h = jnp.dot(out0, w1_ref[...], preferred_element_type=jnp.float32)
  h = h + b1_ref[...]
  h_ref[...] = h
  s0 = jnp.sum(h, axis=0, keepdims=True)
  s1 = jnp.sum(h * h, axis=0, keepdims=True)
  inc = jnp.concatenate([s0, s1], axis=0)

  @pl.when(i == 0)
  def _():
    st_ref[...] = inc

  @pl.when(i != 0)
  def _():
    st_ref[...] = st_ref[...] + inc


def _tc_a(t, x, w1, b1):
  n, d = x.shape
  hid = w1.shape[1]
  grid = n // _BN_BLK
  return pl.pallas_call(
      _a_body,
      grid=(grid,),
      in_specs=[
          pl.BlockSpec((2, _BN_BLK, d), lambda i: (0, i, 0)),
          pl.BlockSpec((_BN_BLK, d), lambda i: (i, 0)),
          pl.BlockSpec((d, hid), lambda i: (0, 0)),
          pl.BlockSpec((1, hid), lambda i: (0, 0)),
      ],
      out_specs=[
          pl.BlockSpec((_BN_BLK, hid), lambda i: (i, 0)),
          pl.BlockSpec((2, hid), lambda i: (0, 0)),
      ],
      out_shape=[
          jax.ShapeDtypeStruct((n, hid), jnp.float32),
          jax.ShapeDtypeStruct((2, hid), jnp.float32),
      ],
  )(t, x, w1, b1)


def _b_common(h_ref, st_ref, g_ref, be_ref, w2_ref, b2_ref, inv_n):
  st = st_ref[...]
  mu = st[0:1, :] * inv_n
  var = st[1:2, :] * inv_n - mu * mu
  inv = lax.rsqrt(var + _BN_EPS)
  scale = g_ref[...] * inv
  shift = be_ref[...] - mu * scale
  hn = jnp.maximum(h_ref[...] * scale + shift, 0.0)
  y2 = jnp.dot(hn, w2_ref[...], preferred_element_type=jnp.float32)
  return jnp.maximum(y2 + b2_ref[...], 0.0)


def _tc_b(h, st, g, be, w2, b2, inv_n, emit_w):
  n = h.shape[0]
  hid = h.shape[1]
  d = w2.shape[1]
  grid = n // _BN_BLK

  if emit_w:
    def body(h_ref, st_ref, g_ref, be_ref, w2_ref, b2_ref, lo_ref, w_ref):
      lo = _b_common(h_ref, st_ref, g_ref, be_ref, w2_ref, b2_ref, inv_n)
      lo_ref[...] = lo
      y = lo + EPS
      u, v = _uv(y)
      _store_w(w_ref, u, v)

    out_specs = [
        pl.BlockSpec((_BN_BLK, d), lambda i: (i, 0)),
        pl.BlockSpec((2, _BN_BLK, d), lambda i: (0, i, 0)),
    ]
    out_shape = [
        jax.ShapeDtypeStruct((n, d), jnp.float32),
        jax.ShapeDtypeStruct((2, n, d), jnp.float32),
    ]
  else:
    def body(h_ref, st_ref, g_ref, be_ref, w2_ref, b2_ref, lo_ref):
      lo_ref[...] = _b_common(h_ref, st_ref, g_ref, be_ref, w2_ref, b2_ref,
                              inv_n)

    out_specs = pl.BlockSpec((_BN_BLK, d), lambda i: (i, 0))
    out_shape = jax.ShapeDtypeStruct((n, d), jnp.float32)

  return pl.pallas_call(
      body,
      grid=(grid,),
      in_specs=[
          pl.BlockSpec((_BN_BLK, hid), lambda i: (i, 0)),
          pl.BlockSpec((2, hid), lambda i: (0, 0)),
          pl.BlockSpec((1, hid), lambda i: (0, 0)),
          pl.BlockSpec((1, hid), lambda i: (0, 0)),
          pl.BlockSpec((hid, d), lambda i: (0, 0)),
          pl.BlockSpec((1, d), lambda i: (0, 0)),
      ],
      out_specs=out_specs,
      out_shape=out_shape,
  )(h, st, g, be, w2, b2)


def kernel(batch_embedding_dict, batch_edge_index_dict, W1_1, b1_1, g_1, be_1,
           W2_1, b2_1, W1_2, b1_2, g_2, be_2, W2_2, b2_2, W1_3, b1_3, g_3,
           be_3, W2_3, b2_3):
  x = batch_embedding_dict
  n, d = x.shape
  e = batch_edge_index_dict.shape[1]

  per_tile = -(-e // _LANES)
  chunks = -(-per_tile // _B)
  chunks = -(-chunks // 3) * 3
  e_pad = _LANES * chunks * _B
  src = batch_edge_index_dict[0]
  dst = batch_edge_index_dict[1]
  srcs = jnp.pad(src, (0, e_pad - e)).reshape(_LANES, chunks, 1, _B)
  dsts = jnp.pad(dst, (0, e_pad - e),
                 constant_values=n).reshape(_LANES, chunks, 1, _B)
  idx = jnp.concatenate([srcs, dsts], axis=2)

  inv_n = 1.0 / n
  layers = (
      (W1_1, b1_1.reshape(1, -1), g_1.reshape(1, -1), be_1.reshape(1, -1),
       W2_1, b2_1.reshape(1, -1)),
      (W1_2, b1_2.reshape(1, -1), g_2.reshape(1, -1), be_2.reshape(1, -1),
       W2_2, b2_2.reshape(1, -1)),
      (W1_3, b1_3.reshape(1, -1), g_3.reshape(1, -1), be_3.reshape(1, -1),
       W2_3, b2_3.reshape(1, -1)),
  )

  w = _make_w(x)
  cur = x
  for li, (w1, b1, g, be, w2, b2) in enumerate(layers):
    t = _sc_segsum(w, idx)
    h, st = _tc_a(t, cur, w1, b1)
    if li < 2:
      cur, w = _tc_b(h, st, g, be, w2, b2, inv_n, True)
    else:
      cur = _tc_b(h, st, g, be, w2, b2, inv_n, False)
  return cur

# --- scband reference (transcript-rebuilt; emitter-appended) ---
"""Pipeline reference for scband-encoder-36953898615065 (READ-ONLY COPY).

The authoritative reference and input builder live on the scoring server;
editing this copy changes nothing except your own understanding.
"""

import jax, jax.numpy as jnp
import numpy as np

N = 10000
E = 320000
D = 128
HID = 256
EPS = 1e-7


def _init_params(key):
    params = {}
    k = key
    for i in (1, 2, 3):
        k, k1, k2 = jax.random.split(k, 3)
        s1 = 1.0 / np.sqrt(D)
        params["W1_%d" % i] = jax.random.uniform(k1, (D, HID), jnp.float32, -s1, s1)
        params["b1_%d" % i] = jnp.zeros((HID,), jnp.float32)
        params["g_%d" % i] = jnp.ones((HID,), jnp.float32)
        params["be_%d" % i] = jnp.zeros((HID,), jnp.float32)
        s2 = 1.0 / np.sqrt(HID)
        params["W2_%d" % i] = jax.random.uniform(k2, (HID, D), jnp.float32, -s2, s2)
        params["b2_%d" % i] = jnp.zeros((D,), jnp.float32)
    return params


def setup_inputs(seed: int = 0):
    key = jax.random.key(seed)
    kx, ke, kp = jax.random.split(key, 3)
    inp = {}
    inp["batch_embedding_dict"] = jax.random.normal(kx, (N, D), dtype=jnp.float32)
    inp["batch_edge_index_dict"] = jax.random.randint(ke, (2, E), 0, N, dtype=jnp.int32)
    inp.update(_init_params(kp))
    return inp


def _genconv(x, src, dst, W1, b1, g, be, W2, b2):
    # GENConv (DeeperGCN): message = relu(x_j) + eps, softmax aggregation (t=1),
    # out = MLP(aggr + x_i) with MLP = Linear(D,2D) -> BatchNorm -> ReLU -> Linear(2D,D)
    msg = jnp.maximum(x[src], 0.0) + EPS
    m_max = jax.ops.segment_max(msg, dst, num_segments=N)
    m_max = jax.lax.stop_gradient(jnp.where(jnp.isfinite(m_max), m_max, 0.0))
    e = jnp.exp(msg - m_max[dst])
    denom = jax.ops.segment_sum(e, dst, num_segments=N)
    alpha = e / (denom[dst] + 1e-16)
    aggr = jax.ops.segment_sum(alpha * msg, dst, num_segments=N)
    out = aggr + x
    h = out @ W1 + b1
    mu = jnp.mean(h, axis=0)
    var = jnp.var(h, axis=0)
    h = (h - mu) / jnp.sqrt(var + 1e-5) * g + be
    h = jnp.maximum(h, 0.0)
    return h @ W2 + b2


def reference(batch_embedding_dict, batch_edge_index_dict, W1_1, b1_1, g_1, be_1, W2_1, b2_1, W1_2, b1_2, g_2, be_2, W2_2, b2_2, W1_3, b1_3, g_3, be_3, W2_3, b2_3):
    src = batch_edge_index_dict[0]
    dst = batch_edge_index_dict[1]
    h = batch_embedding_dict
    h = jnp.maximum(_genconv(h, src, dst, W1_1, b1_1, g_1, be_1, W2_1, b2_1), 0.0)
    h = jnp.maximum(_genconv(h, src, dst, W1_2, b1_2, g_2, be_2, W2_2, b2_2), 0.0)
    h = jnp.maximum(_genconv(h, src, dst, W1_3, b1_3, g_3, be_3, W2_3, b2_3), 0.0)
    return h

if __name__ == "__main__":
    import jax
    _d = setup_inputs()
    print(jax.jit(kernel)(*tuple(_d.values())))

</pallas_src>

<mosaic_0001>
#map = affine_map<(d0, d1) -> (0, 0, 0)>
#map1 = affine_map<(d0, d1) -> (0, 0, 0, 0)>
module attributes {stable_mosaic.version = 14 : i64} {
  func.func @k(%arg0: i32, %arg1: i32, %arg2: memref<2x10000x128xf32, #tpu.memory_space<hbm>>, %arg3: memref<16x159x2x128xi32, #tpu.memory_space<hbm>>, %arg4: memref<2x10112x128xf32, #tpu.memory_space<hbm>>, %arg5: memref<2x128xi32, #tpu.memory_space<vmem>>, %arg6: memref<2x128xi32, #tpu.memory_space<vmem>>, %arg7: memref<2x128xi32, #tpu.memory_space<vmem>>, %arg8: memref<128x128xf32, #tpu.memory_space<vmem>>, %arg9: memref<128x128xf32, #tpu.memory_space<vmem>>, %arg10: memref<128x128xf32, #tpu.memory_space<vmem>>, %arg11: memref<10112x128xf32, #tpu.memory_space<vmem_shared>>, %arg12: memref<!tpu.dma_semaphore, #tpu.memory_space<semaphore_mem>>, %arg13: memref<!tpu.dma_semaphore, #tpu.memory_space<semaphore_mem>>, %arg14: memref<!tpu.dma_semaphore, #tpu.memory_space<semaphore_mem>>, %arg15: memref<!tpu.dma_semaphore, #tpu.memory_space<semaphore_mem>>, %arg16: memref<!tpu.dma_semaphore, #tpu.memory_space<semaphore_mem>>, %arg17: memref<!tpu.dma_semaphore, #tpu.memory_space<semaphore_mem>>) attributes {dimension_semantics = [#tpu.dimension_semantics<core_parallel>, #tpu.dimension_semantics<subcore_parallel>], iteration_bounds = array<i64: 2, 16>, scalar_prefetch = 0 : i64, scratch_operands = 13 : i64, tpu.core_type = #tpu.core_type<sc_vector_subcore>, window_params = [{transform_indices = #map}, {transform_indices = #map1}, {transform_indices = #map}]} {
    %scan3A = arith.constant 0 : i32
    %scan3A_0 = arith.constant 0 : i32
    %scan3A_1 = arith.constant 128 : i32
    %scan3A_2 = arith.addi %scan3A_0, %scan3A_1 : i32
    %scan3A_3 = arith.constant 1 : i32
    scf.for %scan3A_99 = %scan3A_0 to %scan3A_2 step %scan3A_3  : i32 {
      %broadcast_in_dim3A = arith.constant 0.000000e+00 : f32
      %broadcast_in_dim3A_100 = vector.broadcast %broadcast_in_dim3A : f32 to vector<16xf32>
      %swap3A = arith.index_cast %scan3A_99 : i32 to index
      %swap3A_101 = arith.constant 0 : index
      %swap3A_102 = tpu.vector_load %arg8[%swap3A, %swap3A_101] {strides = array<i32>} : memref<128x128xf32, #tpu.memory_space<vmem>>, vector<1x16xf32>,
      %swap3A_103 = vector.shape_cast %swap3A_102 : vector<1x16xf32> to vector<16xf32>
      %swap3A_104 = vector.shape_cast %broadcast_in_dim3A_100 : vector<16xf32> to vector<1x16xf32>
      tpu.vector_store %arg8[%swap3A, %swap3A_101], %swap3A_104 {strides = array<i32>} : memref<128x128xf32, #tpu.memory_space<vmem>>, vector<1x16xf32>,
      %broadcast_in_dim3A_105 = arith.constant 0.000000e+00 : f32
      %broadcast_in_dim3A_106 = vector.broadcast %broadcast_in_dim3A_105 : f32 to vector<16xf32>
      %swap3A_107 = arith.index_cast %scan3A_99 : i32 to index
      %swap3A_108 = arith.constant 16 : index
      %swap3A_109 = tpu.vector_load %arg8[%swap3A_107, %swap3A_108] {strides = array<i32>} : memref<128x128xf32, #tpu.memory_space<vmem>>, vector<1x16xf32>,
      %swap3A_110 = vector.shape_cast %swap3A_109 : vector<1x16xf32> to vector<16xf32>
      %swap3A_111 = vector.shape_cast %broadcast_in_dim3A_106 : vector<16xf32> to vector<1x16xf32>
      tpu.vector_store %arg8[%swap3A_107, %swap3A_108], %swap3A_111 {strides = array<i32>} : memref<128x128xf32, #tpu.memory_space<vmem>>, vector<1x16xf32>,
      %broadcast_in_dim3A_112 = arith.constant 0.000000e+00 : f32
      %broadcast_in_dim3A_113 = vector.broadcast %broadcast_in_dim3A_112 : f32 to vector<16xf32>
      %swap3A_114 = arith.index_cast %scan3A_99 : i32 to index
      %swap3A_115 = arith.constant 32 : index
      %swap3A_116 = tpu.vector_load %arg8[%swap3A_114, %swap3A_115] {strides = array<i32>} : memref<128x128xf32, #tpu.memory_space<vmem>>, vector<1x16xf32>,
      %swap3A_117 = vector.shape_cast %swap3A_116 : vector<1x16xf32> to vector<16xf32>
      %swap3A_118 = vector.shape_cast %broadcast_in_dim3A_113 : vector<16xf32> to vector<1x16xf32>
      tpu.vector_store %arg8[%swap3A_114, %swap3A_115], %swap3A_118 {strides = array<i32>} : memref<128x128xf32, #tpu.memory_space<vmem>>, vector<1x16xf32>,
      %broadcast_in_dim3A_119 = arith.constant 0.000000e+00 : f32
      %broadcast_in_dim3A_120 = vector.broadcast %broadcast_in_dim3A_119 : f32 to vector<16xf32>
      %swap3A_121 = arith.index_cast %scan3A_99 : i32 to index
      %swap3A_122 = arith.constant 48 : index
      %swap3A_123 = tpu.vector_load %arg8[%swap3A_121, %swap3A_122] {strides = array<i32>} : memref<128x128xf32, #tpu.memory_space<vmem>>, vector<1x16xf32>,
      %swap3A_124 = vector.shape_cast %swap3A_123 : vector<1x16xf32> to vector<16xf32>
      %swap3A_125 = vector.shape_cast %broadcast_in_dim3A_120 : vector<16xf32> to vector<1x16xf32>
      tpu.vector_store %arg8[%swap3A_121, %swap3A_122], %swap3A_125 {strides = array<i32>} : memref<128x128xf32, #tpu.memory_space<vmem>>, vector<1x16xf32>,
      %broadcast_in_dim3A_126 = arith.constant 0.000000e+00 : f32
      %broadcast_in_dim3A_127 = vector.broadcast %broadcast_in_dim3A_126 : f32 to vector<16xf32>
      %swap3A_128 = arith.index_cast %scan3A_99 : i32 to index
      %swap3A_129 = arith.constant 64 : index
      %swap3A_130 = tpu.vector_load %arg8[%swap3A_128, %swap3A_129] {strides = array<i32>} : memref<128x128xf32, #tpu.memory_space<vmem>>, vector<1x16xf32>,
      %swap3A_131 = vector.shape_cast %swap3A_130 : vector<1x16xf32> to vector<16xf32>
      %swap3A_132 = vector.shape_cast %broadcast_in_dim3A_127 : vector<16xf32> to vector<1x16xf32>
      tpu.vector_store %arg8[%swap3A_128, %swap3A_129], %swap3A_132 {strides = array<i32>} : memref<128x128xf32, #tpu.memory_space<vmem>>, vector<1x16xf32>,
      %broadcast_in_dim3A_133 = arith.constant 0.000000e+00 : f32
      %broadcast_in_dim3A_134 = vector.broadcast %broadcast_in_dim3A_133 : f32 to vector<16xf32>
      %swap3A_135 = arith.index_cast %scan3A_99 : i32 to index
      %swap3A_136 = arith.constant 80 : index
      %swap3A_137 = tpu.vector_load %arg8[%swap3A_135, %swap3A_136] {strides = array<i32>} : memref<128x128xf32, #tpu.memory_space<vmem>>, vector<1x16xf32>,
      %swap3A_138 = vector.shape_cast %swap3A_137 : vector<1x16xf32> to vector<16xf32>
      %swap3A_139 = vector.shape_cast %broadcast_in_dim3A_134 : vector<16xf32> to vector<1x16xf32>
      tpu.vector_store %arg8[%swap3A_135, %swap3A_136], %swap3A_139 {strides = array<i32>} : memref<128x128xf32, #tpu.memory_space<vmem>>, vector<1x16xf32>,
      %broadcast_in_dim3A_140 = arith.constant 0.000000e+00 : f32
      %broadcast_in_dim3A_141 = vector.broadcast %broadcast_in_dim3A_140 : f32 to vector<16xf32>
      %swap3A_142 = arith.index_cast %scan3A_99 : i32 to index
      %swap3A_143 = arith.constant 96 : index
      %swap3A_144 = tpu.vector_load %arg8[%swap3A_142, %swap3A_143] {strides = array<i32>} : memref<128x128xf32, #tpu.memory_space<vmem>>, vector<1x16xf32>,
      %swap3A_145 = vector.shape_cast %swap3A_144 : vector<1x16xf32> to vector<16xf32>
      %swap3A_146 = vector.shape_cast %broadcast_in_dim3A_141 : vector<16xf32> to vector<1x16xf32>
      tpu.vector_store %arg8[%swap3A_142, %swap3A_143], %swap3A_146 {strides = array<i32>} : memref<128x128xf32, #tpu.memory_space<vmem>>, vector<1x16xf32>,
      %broadcast_in_dim3A_147 = arith.constant 0.000000e+00 : f32
      %broadcast_in_dim3A_148 = vector.broadcast %broadcast_in_dim3A_147 : f32 to vector<16xf32>
      %swap3A_149 = arith.index_cast %scan3A_99 : i32 to index
      %swap3A_150 = arith.constant 112 : index
      %swap3A_151 = tpu.vector_load %arg8[%swap3A_149, %swap3A_150] {strides = array<i32>} : memref<128x128xf32, #tpu.memory_space<vmem>>, vector<1x16xf32>,
      %swap3A_152 = vector.shape_cast %swap3A_151 : vector<1x16xf32> to vector<16xf32>
      %swap3A_153 = vector.shape_cast %broadcast_in_dim3A_148 : vector<16xf32> to vector<1x16xf32>
      tpu.vector_store %arg8[%swap3A_149, %swap3A_150], %swap3A_153 {strides = array<i32>} : memref<128x128xf32, #tpu.memory_space<vmem>>, vector<1x16xf32>,
    }
    %scan3A_4 = arith.constant 128 : i32
    %mul3A = arith.constant 632 : i32
    %mul3A_5 = arith.muli %arg1, %mul3A : i32
    %add3A = arith.constant 0 : i32
    %add3A_6 = arith.addi %mul3A_5, %add3A : i32
    "tpu.region"() ({
      %run_scoped3A = tpu.sem_alloc : memref<!tpu.dma_semaphore, #tpu.memory_space<semaphore_mem>>
      %dma_start3A_99 = arith.constant 0 : i32
      %dma_start3A_100 = tpu.memref_slice %arg11[%add3A_6, %dma_start3A_99] : memref<10112x128xf32, #tpu.memory_space<vmem_shared>> -> memref<128x128xf32, #tpu.memory_space<vmem_shared>>
      %dma_start3A_101 = arith.constant 0 : i32
      %dma_start3A_102 = tpu.memref_slice %arg11[%add3A_6, %dma_start3A_101] : memref<10112x128xf32, #tpu.memory_space<vmem_shared>> -> memref<128x128xf32, #tpu.memory_space<vmem_shared>>
      tpu.enqueue_dma source(%arg8 : memref<128x128xf32, #tpu.memory_space<vmem>>) target(%dma_start3A_102 : memref<128x128xf32, #tpu.memory_space<vmem_shared>>) target_semaphore(%run_scoped3A : memref<!tpu.dma_semaphore, #tpu.memory_space<semaphore_mem>>)
      %dma_wait3A_103 = arith.constant 0 : i32
      %dma_wait3A_104 = tpu.memref_slice %arg11[%add3A_6, %dma_wait3A_103] : memref<10112x128xf32, #tpu.memory_space<vmem_shared>> -> memref<128x128xf32, #tpu.memory_space<vmem_shared>>
      %dma_wait3A_105 = arith.constant 0 : i32
      %dma_wait3A_106 = tpu.memref_slice %arg11[%add3A_6, %dma_wait3A_105] : memref<10112x128xf32, #tpu.memory_space<vmem_shared>> -> memref<128x128xf32, #tpu.memory_space<vmem_shared>>
      tpu.wait_dma2 semaphore(%run_scoped3A : memref<!tpu.dma_semaphore, #tpu.memory_space<semaphore_mem>>) src(%arg8 : memref<128x128xf32, #tpu.memory_space<vmem>>) dst(%dma_wait3A_106 : memref<128x128xf32, #tpu.memory_space<vmem_shared>>)
      tpu.yield
    }) : () -> ()
    %mul3A_7 = arith.constant 632 : i32
    %mul3A_8 = arith.muli %arg1, %mul3A_7 : i32
    %add3A_9 = arith.constant 128 : i32
    %add3A_10 = arith.addi %mul3A_8, %add3A_9 : i32
    "tpu.region"() ({
      %run_scoped3A = tpu.sem_alloc : memref<!tpu.dma_semaphore, #tpu.memory_space<semaphore_mem>>
      %dma_start3A_99 = arith.constant 0 : i32
      %dma_start3A_100 = tpu.memref_slice %arg11[%add3A_10, %dma_start3A_99] : memref<10112x128xf32, #tpu.memory_space<vmem_shared>> -> memref<128x128xf32, #tpu.memory_space<vmem_shared>>
      %dma_start3A_101 = arith.constant 0 : i32
      %dma_start3A_102 = tpu.memref_slice %arg11[%add3A_10, %dma_start3A_101] : memref<10112x128xf32, #tpu.memory_space<vmem_shared>> -> memref<128x128xf32, #tpu.memory_space<vmem_shared>>
      tpu.enqueue_dma source(%arg8 : memref<128x128xf32, #tpu.memory_space<vmem>>) target(%dma_start3A_102 : memref<128x128xf32, #tpu.memory_space<vmem_shared>>) target_semaphore(%run_scoped3A : memref<!tpu.dma_semaphore, #tpu.memory_space<semaphore_mem>>)
      %dma_wait3A_103 = arith.constant 0 : i32
      %dma_wait3A_104 = tpu.memref_slice %arg11[%add3A_10, %dma_wait3A_103] : memref<10112x128xf32, #tpu.memory_space<vmem_shared>> -> memref<128x128xf32, #tpu.memory_space<vmem_shared>>
      %dma_wait3A_105 = arith.constant 0 : i32
      %dma_wait3A_106 = tpu.memref_slice %arg11[%add3A_10, %dma_wait3A_105] : memref<10112x128xf32, #tpu.memory_space<vmem_shared>> -> memref<128x128xf32, #tpu.memory_space<vmem_shared>>
      tpu.wait_dma2 semaphore(%run_scoped3A : memref<!tpu.dma_semaphore, #tpu.memory_space<semaphore_mem>>) src(%arg8 : memref<128x128xf32, #tpu.memory_space<vmem>>) dst(%dma_wait3A_106 : memref<128x128xf32, #tpu.memory_space<vmem_shared>>)
      tpu.yield
    }) : () -> ()
    %mul3A_11 = arith.constant 632 : i32
    %mul3A_12 = arith.muli %arg1, %mul3A_11 : i32
    %add3A_13 = arith.constant 256 : i32
    %add3A_14 = arith.addi %mul3A_12, %add3A_13 : i32
    "tpu.region"() ({
      %run_scoped3A = tpu.sem_alloc : memref<!tpu.dma_semaphore, #tpu.memory_space<semaphore_mem>>
      %dma_start3A_99 = arith.constant 0 : i32
      %dma_start3A_100 = tpu.memref_slice %arg11[%add3A_14, %dma_start3A_99] : memref<10112x128xf32, #tpu.memory_space<vmem_shared>> -> memref<128x128xf32, #tpu.memory_space<vmem_shared>>
      %dma_start3A_101 = arith.constant 0 : i32
      %dma_start3A_102 = tpu.memref_slice %arg11[%add3A_14, %dma_start3A_101] : memref<10112x128xf32, #tpu.memory_space<vmem_shared>> -> memref<128x128xf32, #tpu.memory_space<vmem_shared>>
      tpu.enqueue_dma source(%arg8 : memref<128x128xf32, #tpu.memory_space<vmem>>) target(%dma_start3A_102 : memref<128x128xf32, #tpu.memory_space<vmem_shared>>) target_semaphore(%run_scoped3A : memref<!tpu.dma_semaphore, #tpu.memory_space<semaphore_mem>>)
      %dma_wait3A_103 = arith.constant 0 : i32
      %dma_wait3A_104 = tpu.memref_slice %arg11[%add3A_14, %dma_wait3A_103] : memref<10112x128xf32, #tpu.memory_space<vmem_shared>> -> memref<128x128xf32, #tpu.memory_space<vmem_shared>>
      %dma_wait3A_105 = arith.constant 0 : i32
      %dma_wait3A_106 = tpu.memref_slice %arg11[%add3A_14, %dma_wait3A_105] : memref<10112x128xf32, #tpu.memory_space<vmem_shared>> -> memref<128x128xf32, #tpu.memory_space<vmem_shared>>
      tpu.wait_dma2 semaphore(%run_scoped3A : memref<!tpu.dma_semaphore, #tpu.memory_space<semaphore_mem>>) src(%arg8 : memref<128x128xf32, #tpu.memory_space<vmem>>) dst(%dma_wait3A_106 : memref<128x128xf32, #tpu.memory_space<vmem_shared>>)
      tpu.yield
    }) : () -> ()
    %mul3A_15 = arith.constant 632 : i32
    %mul3A_16 = arith.muli %arg1, %mul3A_15 : i32
    %add3A_17 = arith.constant 384 : i32
    %add3A_18 = arith.addi %mul3A_16, %add3A_17 : i32
    "tpu.region"() ({
      %run_scoped3A = tpu.sem_alloc : memref<!tpu.dma_semaphore, #tpu.memory_space<semaphore_mem>>
      %dma_start3A_99 = arith.constant 0 : i32
      %dma_start3A_100 = tpu.memref_slice %arg11[%add3A_18, %dma_start3A_99] : memref<10112x128xf32, #tpu.memory_space<vmem_shared>> -> memref<128x128xf32, #tpu.memory_space<vmem_shared>>
      %dma_start3A_101 = arith.constant 0 : i32
      %dma_start3A_102 = tpu.memref_slice %arg11[%add3A_18, %dma_start3A_101] : memref<10112x128xf32, #tpu.memory_space<vmem_shared>> -> memref<128x128xf32, #tpu.memory_space<vmem_shared>>
      tpu.enqueue_dma source(%arg8 : memref<128x128xf32, #tpu.memory_space<vmem>>) target(%dma_start3A_102 : memref<128x128xf32, #tpu.memory_space<vmem_shared>>) target_semaphore(%run_scoped3A : memref<!tpu.dma_semaphore, #tpu.memory_space<semaphore_mem>>)
      %dma_wait3A_103 = arith.constant 0 : i32
      %dma_wait3A_104 = tpu.memref_slice %arg11[%add3A_18, %dma_wait3A_103] : memref<10112x128xf32, #tpu.memory_space<vmem_shared>> -> memref<128x128xf32, #tpu.memory_space<vmem_shared>>
      %dma_wait3A_105 = arith.constant 0 : i32
      %dma_wait3A_106 = tpu.memref_slice %arg11[%add3A_18, %dma_wait3A_105] : memref<10112x128xf32, #tpu.memory_space<vmem_shared>> -> memref<128x128xf32, #tpu.memory_space<vmem_shared>>
      tpu.wait_dma2 semaphore(%run_scoped3A : memref<!tpu.dma_semaphore, #tpu.memory_space<semaphore_mem>>) src(%arg8 : memref<128x128xf32, #tpu.memory_space<vmem>>) dst(%dma_wait3A_106 : memref<128x128xf32, #tpu.memory_space<vmem_shared>>)
      tpu.yield
    }) : () -> ()
    %mul3A_19 = arith.constant 632 : i32
    %mul3A_20 = arith.muli %arg1, %mul3A_19 : i32
    %add3A_21 = arith.constant 512 : i32
    %add3A_22 = arith.addi %mul3A_20, %add3A_21 : i32
    "tpu.region"() ({
      %run_scoped3A = tpu.sem_alloc : memref<!tpu.dma_semaphore, #tpu.memory_space<semaphore_mem>>
      %dma_start3A_99 = arith.constant 0 : i32
      %dma_start3A_100 = arith.constant 0 : i32
      %dma_start3A_101 = tpu.memref_slice %arg8[%dma_start3A_99, %dma_start3A_100] : memref<128x128xf32, #tpu.memory_space<vmem>> -> memref<120x128xf32, #tpu.memory_space<vmem>>
      %dma_start3A_102 = arith.constant 0 : i32
      %dma_start3A_103 = tpu.memref_slice %arg11[%add3A_22, %dma_start3A_102] : memref<10112x128xf32, #tpu.memory_space<vmem_shared>> -> memref<120x128xf32, #tpu.memory_space<vmem_shared>>
      %dma_start3A_104 = arith.constant 0 : i32
      %dma_start3A_105 = tpu.memref_slice %arg11[%add3A_22, %dma_start3A_104] : memref<10112x128xf32, #tpu.memory_space<vmem_shared>> -> memref<120x128xf32, #tpu.memory_space<vmem_shared>>
      %dma_start3A_106 = arith.constant 0 : i32
      %dma_start3A_107 = arith.constant 0 : i32
      %dma_start3A_108 = tpu.memref_slice %arg8[%dma_start3A_106, %dma_start3A_107] : memref<128x128xf32, #tpu.memory_space<vmem>> -> memref<120x128xf32, #tpu.memory_space<vmem>>
      tpu.enqueue_dma source(%dma_start3A_108 : memref<120x128xf32, #tpu.memory_space<vmem>>) target(%dma_start3A_105 : memref<120x128xf32, #tpu.memory_space<vmem_shared>>) target_semaphore(%run_scoped3A : memref<!tpu.dma_semaphore, #tpu.memory_space<semaphore_mem>>)
      %dma_wait3A_109 = arith.constant 0 : i32
      %dma_wait3A_110 = arith.constant 0 : i32
      %dma_wait3A_111 = tpu.memref_slice %arg8[%dma_wait3A_109, %dma_wait3A_110] : memref<128x128xf32, #tpu.memory_space<vmem>> -> memref<120x128xf32, #tpu.memory_space<vmem>>
      %dma_wait3A_112 = arith.constant 0 : i32
      %dma_wait3A_113 = tpu.memref_slice %arg11[%add3A_22, %dma_wait3A_112] : memref<10112x128xf32, #tpu.memory_space<vmem_shared>> -> memref<120x128xf32, #tpu.memory_space<vmem_shared>>
      %dma_wait3A_114 = arith.constant 0 : i32
      %dma_wait3A_115 = tpu.memref_slice %arg11[%add3A_22, %dma_wait3A_114] : memref<10112x128xf32, #tpu.memory_space<vmem_shared>> -> memref<120x128xf32, #tpu.memory_space<vmem_shared>>
      %dma_wait3A_116 = arith.constant 0 : i32
      %dma_wait3A_117 = arith.constant 0 : i32
      %dma_wait3A_118 = tpu.memref_slice %arg8[%dma_wait3A_116, %dma_wait3A_117] : memref<128x128xf32, #tpu.memory_space<vmem>> -> memref<120x128xf32, #tpu.memory_space<vmem>>
      tpu.wait_dma2 semaphore(%run_scoped3A : memref<!tpu.dma_semaphore, #tpu.memory_space<semaphore_mem>>) src(%dma_wait3A_118 : memref<120x128xf32, #tpu.memory_space<vmem>>) dst(%dma_wait3A_115 : memref<120x128xf32, #tpu.memory_space<vmem_shared>>)
      tpu.yield
    }) : () -> ()
    %barrier3A = arith.constant 0 : index
    tpu.barrier barrier_id(%barrier3A)
    %dma_start3A = arith.constant 0 : i32
    %dma_start3A_23 = arith.constant 0 : i32
    %dma_start3A_24 = arith.constant 0 : i32
    %dma_start3A_25 = tpu.memref_slice %arg3[%arg1, %dma_start3A, %dma_start3A_23, %dma_start3A_24] : memref<16x159x2x128xi32, #tpu.memory_space<hbm>> -> memref<1x1x2x128xi32, #tpu.memory_space<hbm>>
    %dma_start3A_26 = tpu.memref_squeeze %dma_start3A_25 : memref<1x1x2x128xi32, #tpu.memory_space<hbm>> -> memref<2x128xi32, #tpu.memory_space<hbm>>
    %dma_start3A_27 = arith.constant 0 : i32
    %dma_start3A_28 = arith.constant 0 : i32
    %dma_start3A_29 = tpu.memref_slice %arg3[%arg1, %dma_start3A, %dma_start3A_27, %dma_start3A_28] : memref<16x159x2x128xi32, #tpu.memory_space<hbm>> -> memref<1x1x2x128xi32, #tpu.memory_space<hbm>>
    %dma_start3A_30 = tpu.memref_squeeze %dma_start3A_29 : memref<1x1x2x128xi32, #tpu.memory_space<hbm>> -> memref<2x128xi32, #tpu.memory_space<hbm>>
    tpu.enqueue_dma source(%dma_start3A_30 : memref<2x128xi32, #tpu.memory_space<hbm>>) target(%arg5 : memref<2x128xi32, #tpu.memory_space<vmem>>) target_semaphore(%arg12 : memref<!tpu.dma_semaphore, #tpu.memory_space<semaphore_mem>>)
    %dma_start3A_31 = arith.constant 1 : i32
    %dma_start3A_32 = arith.constant 0 : i32
    %dma_start3A_33 = arith.constant 0 : i32
    %dma_start3A_34 = tpu.memref_slice %arg3[%arg1, %dma_start3A_31, %dma_start3A_32, %dma_start3A_33] : memref<16x159x2x128xi32, #tpu.memory_space<hbm>> -> memref<1x1x2x128xi32, #tpu.memory_space<hbm>>
    %dma_start3A_35 = tpu.memref_squeeze %dma_start3A_34 : memref<1x1x2x128xi32, #tpu.memory_space<hbm>> -> memref<2x128xi32, #tpu.memory_space<hbm>>
    %dma_start3A_36 = arith.constant 0 : i32
    %dma_start3A_37 = arith.constant 0 : i32
    %dma_start3A_38 = tpu.memref_slice %arg3[%arg1, %dma_start3A_31, %dma_start3A_36, %dma_start3A_37] : memref<16x159x2x128xi32, #tpu.memory_space<hbm>> -> memref<1x1x2x128xi32, #tpu.memory_space<hbm>>
    %dma_start3A_39 = tpu.memref_squeeze %dma_start3A_38 : memref<1x1x2x128xi32, #tpu.memory_space<hbm>> -> memref<2x128xi32, #tpu.memory_space<hbm>>
    tpu.enqueue_dma source(%dma_start3A_39 : memref<2x128xi32, #tpu.memory_space<hbm>>) target(%arg6 : memref<2x128xi32, #tpu.memory_space<vmem>>) target_semaphore(%arg13 : memref<!tpu.dma_semaphore, #tpu.memory_space<semaphore_mem>>)
    %dma_start3A_40 = arith.constant 2 : i32
    %dma_start3A_41 = arith.constant 0 : i32
    %dma_start3A_42 = arith.constant 0 : i32
    %dma_start3A_43 = tpu.memref_slice %arg3[%arg1, %dma_start3A_40, %dma_start3A_41, %dma_start3A_42] : memref<16x159x2x128xi32, #tpu.memory_space<hbm>> -> memref<1x1x2x128xi32, #tpu.memory_space<hbm>>
    %dma_start3A_44 = tpu.memref_squeeze %dma_start3A_43 : memref<1x1x2x128xi32, #tpu.memory_space<hbm>> -> memref<2x128xi32, #tpu.memory_space<hbm>>
    %dma_start3A_45 = arith.constant 0 : i32
    %dma_start3A_46 = arith.constant 0 : i32
    %dma_start3A_47 = tpu.memref_slice %arg3[%arg1, %dma_start3A_40, %dma_start3A_45, %dma_start3A_46] : memref<16x159x2x128xi32, #tpu.memory_space<hbm>> -> memref<1x1x2x128xi32, #tpu.memory_space<hbm>>
    %dma_start3A_48 = tpu.memref_squeeze %dma_start3A_47 : memref<1x1x2x128xi32, #tpu.memory_space<hbm>> -> memref<2x128xi32, #tpu.memory_space<hbm>>
    tpu.enqueue_dma source(%dma_start3A_48 : memref<2x128xi32, #tpu.memory_space<hbm>>) target(%arg7 : memref<2x128xi32, #tpu.memory_space<vmem>>) target_semaphore(%arg14 : memref<!tpu.dma_semaphore, #tpu.memory_space<semaphore_mem>>)
    %dma_wait3A = arith.constant 0 : i32
    %dma_wait3A_49 = arith.constant 0 : i32
    %dma_wait3A_50 = arith.constant 0 : i32
    %dma_wait3A_51 = tpu.memref_slice %arg3[%arg1, %dma_wait3A, %dma_wait3A_49, %dma_wait3A_50] : memref<16x159x2x128xi32, #tpu.memory_space<hbm>> -> memref<1x1x2x128xi32, #tpu.memory_space<hbm>>
    %dma_wait3A_52 = tpu.memref_squeeze %dma_wait3A_51 : memref<1x1x2x128xi32, #tpu.memory_space<hbm>> -> memref<2x128xi32, #tpu.memory_space<hbm>>
    %dma_wait3A_53 = arith.constant 0 : i32
    %dma_wait3A_54 = arith.constant 0 : i32
    %dma_wait3A_55 = tpu.memref_slice %arg3[%arg1, %dma_wait3A, %dma_wait3A_53, %dma_wait3A_54] : memref<16x159x2x128xi32, #tpu.memory_space<hbm>> -> memref<1x1x2x128xi32, #tpu.memory_space<hbm>>
    %dma_wait3A_56 = tpu.memref_squeeze %dma_wait3A_55 : memref<1x1x2x128xi32, #tpu.memory_space<hbm>> -> memref<2x128xi32, #tpu.memory_space<hbm>>
    tpu.wait_dma2 semaphore(%arg12 : memref<!tpu.dma_semaphore, #tpu.memory_space<semaphore_mem>>) src(%dma_wait3A_56 : memref<2x128xi32, #tpu.memory_space<hbm>>) dst(%arg5 : memref<2x128xi32, #tpu.memory_space<vmem>>)
    %dma_start3A_57 = arith.constant 0 : i32
    %dma_start3A_58 = arith.constant 0 : i32
    %dma_start3A_59 = tpu.memref_slice %arg5[%dma_start3A_57, %dma_start3A_58] : memref<2x128xi32, #tpu.memory_space<vmem>> -> memref<1x128xi32, #tpu.memory_space<vmem>>
    %dma_start3A_60 = tpu.memref_squeeze %dma_start3A_59 : memref<1x128xi32, #tpu.memory_space<vmem>> -> memref<128xi32, #tpu.memory_space<vmem>>
    %dma_start3A_61 = arith.constant 0 : i32
    %dma_start3A_62 = arith.constant 0 : i32
    %dma_start3A_63 = tpu.memref_slice %arg2[%arg0, %dma_start3A_61, %dma_start3A_62] : memref<2x10000x128xf32, #tpu.memory_space<hbm>> -> memref<1x10000x128xf32, #tpu.memory_space<hbm>>
    %dma_start3A_64 = tpu.memref_squeeze %dma_start3A_63 : memref<1x10000x128xf32, #tpu.memory_space<hbm>> -> memref<10000x128xf32, #tpu.memory_space<hbm>>
    %dma_start3A_65 = arith.constant 0 : i32
    %dma_start3A_66 = arith.constant 0 : i32
    %dma_start3A_67 = tpu.memref_slice %dma_start3A_64[%dma_start3A_65, %dma_start3A_66] : memref<10000x128xf32, #tpu.memory_space<hbm>> -> memref<10000x128xf32, #tpu.memory_space<hbm>>
    tpu.enqueue_indirect_dma source(%dma_start3A_67 : memref<10000x128xf32, #tpu.memory_space<hbm>>) target(%arg8 : memref<128x128xf32, #tpu.memory_space<vmem>>) offsets(%dma_start3A_60 : memref<128xi32, #tpu.memory_space<vmem>>) semaphore(%arg15 : memref<!tpu.dma_semaphore, #tpu.memory_space<semaphore_mem>>)
    %dma_wait3A_68 = arith.constant 0 : i32
    %dma_wait3A_69 = arith.constant 0 : i32
    %dma_wait3A_70 = arith.constant 0 : i32
    %dma_wait3A_71 = tpu.memref_slice %arg3[%arg1, %dma_wait3A_68, %dma_wait3A_69, %dma_wait3A_70] : memref<16x159x2x128xi32, #tpu.memory_space<hbm>> -> memref<1x1x2x128xi32, #tpu.memory_space<hbm>>
    %dma_wait3A_72 = tpu.memref_squeeze %dma_wait3A_71 : memref<1x1x2x128xi32, #tpu.memory_space<hbm>> -> memref<2x128xi32, #tpu.memory_space<hbm>>
    %dma_wait3A_73 = arith.constant 0 : i32
    %dma_wait3A_74 = arith.constant 0 : i32
    %dma_wait3A_75 = tpu.memref_slice %arg3[%arg1, %dma_wait3A_68, %dma_wait3A_73, %dma_wait3A_74] : memref<16x159x2x128xi32, #tpu.memory_space<hbm>> -> memref<1x1x2x128xi32, #tpu.memory_space<hbm>>
    %dma_wait3A_76 = tpu.memref_squeeze %dma_wait3A_75 : memref<1x1x2x128xi32, #tpu.memory_space<hbm>> -> memref<2x128xi32, #tpu.memory_space<hbm>>
    tpu.wait_dma2 semaphore(%arg13 : memref<!tpu.dma_semaphore, #tpu.memory_space<semaphore_mem>>) src(%dma_wait3A_76 : memref<2x128xi32, #tpu.memory_space<hbm>>) dst(%arg6 : memref<2x128xi32, #tpu.memory_space<vmem>>)
    %dma_start3A_77 = arith.constant 0 : i32
    %dma_start3A_78 = arith.constant 0 : i32
    %dma_start3A_79 = tpu.memref_slice %arg6[%dma_start3A_77, %dma_start3A_78] : memref<2x128xi32, #tpu.memory_space<vmem>> -> memref<1x128xi32, #tpu.memory_space<vmem>>
    %dma_start3A_80 = tpu.memref_squeeze %dma_start3A_79 : memref<1x128xi32, #tpu.memory_space<vmem>> -> memref<128xi32, #tpu.memory_space<vmem>>
    %dma_start3A_81 = arith.constant 0 : i32
    %dma_start3A_82 = arith.constant 0 : i32
    %dma_start3A_83 = tpu.memref_slice %arg2[%arg0, %dma_start3A_81, %dma_start3A_82] : memref<2x10000x128xf32, #tpu.memory_space<hbm>> -> memref<1x10000x128xf32, #tpu.memory_space<hbm>>
    %dma_start3A_84 = tpu.memref_squeeze %dma_start3A_83 : memref<1x10000x128xf32, #tpu.memory_space<hbm>> -> memref<10000x128xf32, #tpu.memory_space<hbm>>
    %dma_start3A_85 = arith.constant 0 : i32
    %dma_start3A_86 = arith.constant 0 : i32
    %dma_start3A_87 = tpu.memref_slice %dma_start3A_84[%dma_start3A_85, %dma_start3A_86] : memref<10000x128xf32, #tpu.memory_space<hbm>> -> memref<10000x128xf32, #tpu.memory_space<hbm>>
    tpu.enqueue_indirect_dma source(%dma_start3A_87 : memref<10000x128xf32, #tpu.memory_space<hbm>>) target(%arg9 : memref<128x128xf32, #tpu.memory_space<vmem>>) offsets(%dma_start3A_80 : memref<128xi32, #tpu.memory_space<vmem>>) semaphore(%arg16 : memref<!tpu.dma_semaphore, #tpu.memory_space<semaphore_mem>>)
    %scan3A_88 = arith.constant 0 : i32
    %scan3A_89 = arith.constant 0 : i32
    %scan3A_90 = arith.constant 53 : i32
    %scan3A_91 = arith.addi %scan3A_89, %scan3A_90 : i32
    %scan3A_92 = arith.constant 1 : i32
    scf.for %scan3A_99 = %scan3A_89 to %scan3A_91 step %scan3A_92  : i32 {
      %mul3A_100 = arith.constant 3 : i32
      %mul3A_101 = arith.muli %scan3A_99, %mul3A_100 : i32
      %add3A_102 = arith.constant 0 : i32
      %add3A_103 = arith.addi %mul3A_101, %add3A_102 : i32
      %dma_wait3A_104 = arith.constant 0 : i32
      %dma_wait3A_105 = arith.constant 0 : i32
      %dma_wait3A_106 = tpu.memref_slice %arg5[%dma_wait3A_104, %dma_wait3A_105] : memref<2x128xi32, #tpu.memory_space<vmem>> -> memref<1x128xi32, #tpu.memory_space<vmem>>
      %dma_wait3A_107 = tpu.memref_squeeze %dma_wait3A_106 : memref<1x128xi32, #tpu.memory_space<vmem>> -> memref<128xi32, #tpu.memory_space<vmem>>
      %dma_wait3A_108 = arith.constant 0 : i32
      %dma_wait3A_109 = arith.constant 0 : i32
      %dma_wait3A_110 = tpu.memref_slice %arg2[%arg0, %dma_wait3A_108, %dma_wait3A_109] : memref<2x10000x128xf32, #tpu.memory_space<hbm>> -> memref<1x10000x128xf32, #tpu.memory_space<hbm>>
      %dma_wait3A_111 = tpu.memref_squeeze %dma_wait3A_110 : memref<1x10000x128xf32, #tpu.memory_space<hbm>> -> memref<10000x128xf32, #tpu.memory_space<hbm>>
      %dma_wait3A_112 = arith.constant 0 : i32
      %dma_wait3A_113 = arith.constant 0 : i32
      %dma_wait3A_114 = tpu.memref_slice %dma_wait3A_111[%dma_wait3A_112, %dma_wait3A_113] : memref<10000x128xf32, #tpu.memory_space<hbm>> -> memref<10000x128xf32, #tpu.memory_space<hbm>>
      tpu.wait_indirect_dma semaphore(%arg15 : memref<!tpu.dma_semaphore, #tpu.memory_space<semaphore_mem>>) src(%dma_wait3A_114 : memref<10000x128xf32, #tpu.memory_space<hbm>>) dst(%arg8 : memref<128x128xf32, #tpu.memory_space<vmem>>)
      %run_scoped3A = arith.constant 1 : i32
      "tpu.region"() ({
        %run_scoped3A_186 = tpu.sem_alloc : memref<!tpu.dma_semaphore, #tpu.memory_space<semaphore_mem>>
        %dma_start3A_187 = arith.constant 0 : i32
        %dma_start3A_188 = tpu.memref_slice %arg5[%run_scoped3A, %dma_start3A_187] : memref<2x128xi32, #tpu.memory_space<vmem>> -> memref<1x128xi32, #tpu.memory_space<vmem>>
        %dma_start3A_189 = tpu.memref_squeeze %dma_start3A_188 : memref<1x128xi32, #tpu.memory_space<vmem>> -> memref<128xi32, #tpu.memory_space<vmem>>
        %dma_start3A_190 = arith.constant 0 : i32
        %dma_start3A_191 = arith.constant 0 : i32
        %dma_start3A_192 = tpu.memref_slice %arg11[%dma_start3A_190, %dma_start3A_191] : memref<10112x128xf32, #tpu.memory_space<vmem_shared>> -> memref<10112x128xf32, #tpu.memory_space<vmem_shared>>
        tpu.enqueue_indirect_dma source(%arg8 : memref<128x128xf32, #tpu.memory_space<vmem>>) target(%dma_start3A_192 : memref<10112x128xf32, #tpu.memory_space<vmem_shared>>) offsets(%dma_start3A_189 : memref<128xi32, #tpu.memory_space<vmem>>) semaphore(%run_scoped3A_186 : memref<!tpu.dma_semaphore, #tpu.memory_space<semaphore_mem>>) {add = true}
        %dma_wait3A_193 = arith.constant 0 : i32
        %dma_wait3A_194 = tpu.memref_slice %arg5[%run_scoped3A, %dma_wait3A_193] : memref<2x128xi32, #tpu.memory_space<vmem>> -> memref<1x128xi32, #tpu.memory_space<vmem>>
        %dma_wait3A_195 = tpu.memref_squeeze %dma_wait3A_194 : memref<1x128xi32, #tpu.memory_space<vmem>> -> memref<128xi32, #tpu.memory_space<vmem>>
        %dma_wait3A_196 = arith.constant 0 : i32
        %dma_wait3A_197 = arith.constant 0 : i32
        %dma_wait3A_198 = tpu.memref_slice %arg11[%dma_wait3A_196, %dma_wait3A_197] : memref<10112x128xf32, #tpu.memory_space<vmem_shared>> -> memref<10112x128xf32, #tpu.memory_space<vmem_shared>>
        tpu.wait_indirect_dma semaphore(%run_scoped3A_186 : memref<!tpu.dma_semaphore, #tpu.memory_space<semaphore_mem>>) src(%arg8 : memref<128x128xf32, #tpu.memory_space<vmem>>) dst(%dma_wait3A_198 : memref<10112x128xf32, #tpu.memory_space<vmem_shared>>)
        tpu.yield
      }) : () -> ()
      %add3A_115 = arith.constant 3 : i32
      %add3A_116 = arith.addi %add3A_103, %add3A_115 : i32
      %lt3A = arith.constant 159 : i32
      %lt3A_117 = arith.cmpi slt, %add3A_116, %lt3A : i32
      %convert_element_type3A = arith.extui %lt3A_117 : i1 to i32
      %cond3A = arith.constant 0 : i32
      %cond3A_118 = arith.cmpi ne, %convert_element_type3A, %cond3A : i32
      scf.if %cond3A_118 {
        %add3A_186 = arith.constant 3 : i32
        %add3A_187 = arith.addi %add3A_103, %add3A_186 : i32
        %dma_start3A_188 = arith.constant 0 : i32
        %dma_start3A_189 = arith.constant 0 : i32
        %dma_start3A_190 = tpu.memref_slice %arg3[%arg1, %add3A_187, %dma_start3A_188, %dma_start3A_189] : memref<16x159x2x128xi32, #tpu.memory_space<hbm>> -> memref<1x1x2x128xi32, #tpu.memory_space<hbm>>
        %dma_start3A_191 = tpu.memref_squeeze %dma_start3A_190 : memref<1x1x2x128xi32, #tpu.memory_space<hbm>> -> memref<2x128xi32, #tpu.memory_space<hbm>>
        %dma_start3A_192 = arith.constant 0 : i32
        %dma_start3A_193 = arith.constant 0 : i32
        %dma_start3A_194 = tpu.memref_slice %arg3[%arg1, %add3A_187, %dma_start3A_192, %dma_start3A_193] : memref<16x159x2x128xi32, #tpu.memory_space<hbm>> -> memref<1x1x2x128xi32, #tpu.memory_space<hbm>>
        %dma_start3A_195 = tpu.memref_squeeze %dma_start3A_194 : memref<1x1x2x128xi32, #tpu.memory_space<hbm>> -> memref<2x128xi32, #tpu.memory_space<hbm>>
        tpu.enqueue_dma source(%dma_start3A_195 : memref<2x128xi32, #tpu.memory_space<hbm>>) target(%arg5 : memref<2x128xi32, #tpu.memory_space<vmem>>) target_semaphore(%arg12 : memref<!tpu.dma_semaphore, #tpu.memory_space<semaphore_mem>>)
      } else {
      }
      %add3A_119 = arith.constant 2 : i32
      %add3A_120 = arith.addi %add3A_103, %add3A_119 : i32
      %lt3A_121 = arith.constant 159 : i32
      %lt3A_122 = arith.cmpi slt, %add3A_120, %lt3A_121 : i32
      %convert_element_type3A_123 = arith.extui %lt3A_122 : i1 to i32
      %cond3A_124 = arith.constant 0 : i32
      %cond3A_125 = arith.cmpi ne, %convert_element_type3A_123, %cond3A_124 : i32
      scf.if %cond3A_125 {
        %dma_wait3A_186 = arith.constant 0 : i32
        %dma_wait3A_187 = arith.constant 0 : i32
        %dma_wait3A_188 = arith.constant 0 : i32
        %dma_wait3A_189 = tpu.memref_slice %arg3[%arg1, %dma_wait3A_186, %dma_wait3A_187, %dma_wait3A_188] : memref<16x159x2x128xi32, #tpu.memory_space<hbm>> -> memref<1x1x2x128xi32, #tpu.memory_space<hbm>>
        %dma_wait3A_190 = tpu.memref_squeeze %dma_wait3A_189 : memref<1x1x2x128xi32, #tpu.memory_space<hbm>> -> memref<2x128xi32, #tpu.memory_space<hbm>>
        %dma_wait3A_191 = arith.constant 0 : i32
        %dma_wait3A_192 = arith.constant 0 : i32
        %dma_wait3A_193 = tpu.memref_slice %arg3[%arg1, %dma_wait3A_186, %dma_wait3A_191, %dma_wait3A_192] : memref<16x159x2x128xi32, #tpu.memory_space<hbm>> -> memref<1x1x2x128xi32, #tpu.memory_space<hbm>>
        %dma_wait3A_194 = tpu.memref_squeeze %dma_wait3A_193 : memref<1x1x2x128xi32, #tpu.memory_space<hbm>> -> memref<2x128xi32, #tpu.memory_space<hbm>>
        tpu.wait_dma2 semaphore(%arg14 : memref<!tpu.dma_semaphore, #tpu.memory_space<semaphore_mem>>) src(%dma_wait3A_194 : memref<2x128xi32, #tpu.memory_space<hbm>>) dst(%arg7 : memref<2x128xi32, #tpu.memory_space<vmem>>)
        %add3A_195 = arith.constant 2 : i32
        %add3A_196 = arith.addi %add3A_103, %add3A_195 : i32
        %dma_start3A_197 = arith.constant 0 : i32
        %dma_start3A_198 = arith.constant 0 : i32
        %dma_start3A_199 = tpu.memref_slice %arg7[%dma_start3A_197, %dma_start3A_198] : memref<2x128xi32, #tpu.memory_space<vmem>> -> memref<1x128xi32, #tpu.memory_space<vmem>>
        %dma_start3A_200 = tpu.memref_squeeze %dma_start3A_199 : memref<1x128xi32, #tpu.memory_space<vmem>> -> memref<128xi32, #tpu.memory_space<vmem>>
        %dma_start3A_201 = arith.constant 0 : i32
        %dma_start3A_202 = arith.constant 0 : i32
        %dma_start3A_203 = tpu.memref_slice %arg2[%arg0, %dma_start3A_201, %dma_start3A_202] : memref<2x10000x128xf32, #tpu.memory_space<hbm>> -> memref<1x10000x128xf32, #tpu.memory_space<hbm>>
        %dma_start3A_204 = tpu.memref_squeeze %dma_start3A_203 : memref<1x10000x128xf32, #tpu.memory_space<hbm>> -> memref<10000x128xf32, #tpu.memory_space<hbm>>
        %dma_start3A_205 = arith.constant 0 : i32
        %dma_start3A_206 = arith.constant 0 : i32
        %dma_start3A_207 = tpu.memref_slice %dma_start3A_204[%dma_start3A_205, %dma_start3A_206] : memref<10000x128xf32, #tpu.memory_space<hbm>> -> memref<10000x128xf32, #tpu.memory_space<hbm>>
        tpu.enqueue_indirect_dma source(%dma_start3A_207 : memref<10000x128xf32, #tpu.memory_space<hbm>>) target(%arg10 : memref<128x128xf32, #tpu.memory_space<vmem>>) offsets(%dma_start3A_200 : memref<128xi32, #tpu.memory_space<vmem>>) semaphore(%arg17 : memref<!tpu.dma_semaphore, #tpu.memory_space<semaphore_mem>>)
      } else {
      }
      %mul3A_126 = arith.constant 3 : i32
      %mul3A_127 = arith.muli %scan3A_99, %mul3A_126 : i32
      %add3A_128 = arith.constant 1 : i32
      %add3A_129 = arith.addi %mul3A_127, %add3A_128 : i32
      %dma_wait3A_130 = arith.constant 0 : i32
      %dma_wait3A_131 = arith.constant 0 : i32
      %dma_wait3A_132 = tpu.memref_slice %arg5[%dma_wait3A_130, %dma_wait3A_131] : memref<2x128xi32, #tpu.memory_space<vmem>> -> memref<1x128xi32, #tpu.memory_space<vmem>>
      %dma_wait3A_133 = tpu.memref_squeeze %dma_wait3A_132 : memref<1x128xi32, #tpu.memory_space<vmem>> -> memref<128xi32, #tpu.memory_space<vmem>>
      %dma_wait3A_134 = arith.constant 0 : i32
      %dma_wait3A_135 = arith.constant 0 : i32
      %dma_wait3A_136 = tpu.memref_slice %arg2[%arg0, %dma_wait3A_134, %dma_wait3A_135] : memref<2x10000x128xf32, #tpu.memory_space<hbm>> -> memref<1x10000x128xf32, #tpu.memory_space<hbm>>
      %dma_wait3A_137 = tpu.memref_squeeze %dma_wait3A_136 : memref<1x10000x128xf32, #tpu.memory_space<hbm>> -> memref<10000x128xf32, #tpu.memory_space<hbm>>
      %dma_wait3A_138 = arith.constant 0 : i32
      %dma_wait3A_139 = arith.constant 0 : i32
      %dma_wait3A_140 = tpu.memref_slice %dma_wait3A_137[%dma_wait3A_138, %dma_wait3A_139] : memref<10000x128xf32, #tpu.memory_space<hbm>> -> memref<10000x128xf32, #tpu.memory_space<hbm>>
      tpu.wait_indirect_dma semaphore(%arg16 : memref<!tpu.dma_semaphore, #tpu.memory_space<semaphore_mem>>) src(%dma_wait3A_140 : memref<10000x128xf32, #tpu.memory_space<hbm>>) dst(%arg9 : memref<128x128xf32, #tpu.memory_space<vmem>>)
      %run_scoped3A_141 = arith.constant 1 : i32
      "tpu.region"() ({
        %run_scoped3A_186 = tpu.sem_alloc : memref<!tpu.dma_semaphore, #tpu.memory_space<semaphore_mem>>
        %dma_start3A_187 = arith.constant 0 : i32
        %dma_start3A_188 = tpu.memref_slice %arg6[%run_scoped3A_141, %dma_start3A_187] : memref<2x128xi32, #tpu.memory_space<vmem>> -> memref<1x128xi32, #tpu.memory_space<vmem>>
        %dma_start3A_189 = tpu.memref_squeeze %dma_start3A_188 : memref<1x128xi32, #tpu.memory_space<vmem>> -> memref<128xi32, #tpu.memory_space<vmem>>
        %dma_start3A_190 = arith.constant 0 : i32
        %dma_start3A_191 = arith.constant 0 : i32
        %dma_start3A_192 = tpu.memref_slice %arg11[%dma_start3A_190, %dma_start3A_191] : memref<10112x128xf32, #tpu.memory_space<vmem_shared>> -> memref<10112x128xf32, #tpu.memory_space<vmem_shared>>
        tpu.enqueue_indirect_dma source(%arg9 : memref<128x128xf32, #tpu.memory_space<vmem>>) target(%dma_start3A_192 : memref<10112x128xf32, #tpu.memory_space<vmem_shared>>) offsets(%dma_start3A_189 : memref<128xi32, #tpu.memory_space<vmem>>) semaphore(%run_scoped3A_186 : memref<!tpu.dma_semaphore, #tpu.memory_space<semaphore_mem>>) {add = true}
        %dma_wait3A_193 = arith.constant 0 : i32
        %dma_wait3A_194 = tpu.memref_slice %arg6[%run_scoped3A_141, %dma_wait3A_193] : memref<2x128xi32, #tpu.memory_space<vmem>> -> memref<1x128xi32, #tpu.memory_space<vmem>>
        %dma_wait3A_195 = tpu.memref_squeeze %dma_wait3A_194 : memref<1x128xi32, #tpu.memory_space<vmem>> -> memref<128xi32, #tpu.memory_space<vmem>>
        %dma_wait3A_196 = arith.constant 0 : i32
        %dma_wait3A_197 = arith.constant 0 : i32
        %dma_wait3A_198 = tpu.memref_slice %arg11[%dma_wait3A_196, %dma_wait3A_197] : memref<10112x128xf32, #tpu.memory_space<vmem_shared>> -> memref<10112x128xf32, #tpu.memory_space<vmem_shared>>
        tpu.wait_indirect_dma semaphore(%run_scoped3A_186 : memref<!tpu.dma_semaphore, #tpu.memory_space<semaphore_mem>>) src(%arg9 : memref<128x128xf32, #tpu.memory_space<vmem>>) dst(%dma_wait3A_198 : memref<10112x128xf32, #tpu.memory_space<vmem_shared>>)
        tpu.yield
      }) : () -> ()
      %add3A_142 = arith.constant 3 : i32
      %add3A_143 = arith.addi %add3A_129, %add3A_142 : i32
      %lt3A_144 = arith.constant 159 : i32
      %lt3A_145 = arith.cmpi slt, %add3A_143, %lt3A_144 : i32
      %convert_element_type3A_146 = arith.extui %lt3A_145 : i1 to i32
      %cond3A_147 = arith.constant 0 : i32
      %cond3A_148 = arith.cmpi ne, %convert_element_type3A_146, %cond3A_147 : i32
      scf.if %cond3A_148 {
        %add3A_186 = arith.constant 3 : i32
        %add3A_187 = arith.addi %add3A_129, %add3A_186 : i32
        %dma_start3A_188 = arith.constant 0 : i32
        %dma_start3A_189 = arith.constant 0 : i32
        %dma_start3A_190 = tpu.memref_slice %arg3[%arg1, %add3A_187, %dma_start3A_188, %dma_start3A_189] : memref<16x159x2x128xi32, #tpu.memory_space<hbm>> -> memref<1x1x2x128xi32, #tpu.memory_space<hbm>>
        %dma_start3A_191 = tpu.memref_squeeze %dma_start3A_190 : memref<1x1x2x128xi32, #tpu.memory_space<hbm>> -> memref<2x128xi32, #tpu.memory_space<hbm>>
        %dma_start3A_192 = arith.constant 0 : i32
        %dma_start3A_193 = arith.constant 0 : i32
        %dma_start3A_194 = tpu.memref_slice %arg3[%arg1, %add3A_187, %dma_start3A_192, %dma_start3A_193] : memref<16x159x2x128xi32, #tpu.memory_space<hbm>> -> memref<1x1x2x128xi32, #tpu.memory_space<hbm>>
        %dma_start3A_195 = tpu.memref_squeeze %dma_start3A_194 : memref<1x1x2x128xi32, #tpu.memory_space<hbm>> -> memref<2x128xi32, #tpu.memory_space<hbm>>
        tpu.enqueue_dma source(%dma_start3A_195 : memref<2x128xi32, #tpu.memory_space<hbm>>) target(%arg6 : memref<2x128xi32, #tpu.memory_space<vmem>>) target_semaphore(%arg13 : memref<!tpu.dma_semaphore, #tpu.memory_space<semaphore_mem>>)
      } else {
      }
      %add3A_149 = arith.constant 2 : i32
      %add3A_150 = arith.addi %add3A_129, %add3A_149 : i32
      %lt3A_151 = arith.constant 159 : i32
      %lt3A_152 = arith.cmpi slt, %add3A_150, %lt3A_151 : i32
      %convert_element_type3A_153 = arith.extui %lt3A_152 : i1 to i32
      %cond3A_154 = arith.constant 0 : i32
      %cond3A_155 = arith.cmpi ne, %convert_element_type3A_153, %cond3A_154 : i32
      scf.if %cond3A_155 {
        %dma_wait3A_186 = arith.constant 0 : i32
        %dma_wait3A_187 = arith.constant 0 : i32
        %dma_wait3A_188 = arith.constant 0 : i32
        %dma_wait3A_189 = tpu.memref_slice %arg3[%arg1, %dma_wait3A_186, %dma_wait3A_187, %dma_wait3A_188] : memref<16x159x2x128xi32, #tpu.memory_space<hbm>> -> memref<1x1x2x128xi32, #tpu.memory_space<hbm>>
        %dma_wait3A_190 = tpu.memref_squeeze %dma_wait3A_189 : memref<1x1x2x128xi32, #tpu.memory_space<hbm>> -> memref<2x128xi32, #tpu.memory_space<hbm>>
        %dma_wait3A_191 = arith.constant 0 : i32
        %dma_wait3A_192 = arith.constant 0 : i32
        %dma_wait3A_193 = tpu.memref_slice %arg3[%arg1, %dma_wait3A_186, %dma_wait3A_191, %dma_wait3A_192] : memref<16x159x2x128xi32, #tpu.memory_space<hbm>> -> memref<1x1x2x128xi32, #tpu.memory_space<hbm>>
        %dma_wait3A_194 = tpu.memref_squeeze %dma_wait3A_193 : memref<1x1x2x128xi32, #tpu.memory_space<hbm>> -> memref<2x128xi32, #tpu.memory_space<hbm>>
        tpu.wait_dma2 semaphore(%arg12 : memref<!tpu.dma_semaphore, #tpu.memory_space<semaphore_mem>>) src(%dma_wait3A_194 : memref<2x128xi32, #tpu.memory_space<hbm>>) dst(%arg5 : memref<2x128xi32, #tpu.memory_space<vmem>>)
        %add3A_195 = arith.constant 2 : i32
        %add3A_196 = arith.addi %add3A_129, %add3A_195 : i32
        %dma_start3A_197 = arith.constant 0 : i32
        %dma_start3A_198 = arith.constant 0 : i32
        %dma_start3A_199 = tpu.memref_slice %arg5[%dma_start3A_197, %dma_start3A_198] : memref<2x128xi32, #tpu.memory_space<vmem>> -> memref<1x128xi32, #tpu.memory_space<vmem>>
        %dma_start3A_200 = tpu.memref_squeeze %dma_start3A_199 : memref<1x128xi32, #tpu.memory_space<vmem>> -> memref<128xi32, #tpu.memory_space<vmem>>
        %dma_start3A_201 = arith.constant 0 : i32
        %dma_start3A_202 = arith.constant 0 : i32
        %dma_start3A_203 = tpu.memref_slice %arg2[%arg0, %dma_start3A_201, %dma_start3A_202] : memref<2x10000x128xf32, #tpu.memory_space<hbm>> -> memref<1x10000x128xf32, #tpu.memory_space<hbm>>
        %dma_start3A_204 = tpu.memref_squeeze %dma_start3A_203 : memref<1x10000x128xf32, #tpu.memory_space<hbm>> -> memref<10000x128xf32, #tpu.memory_space<hbm>>
        %dma_start3A_205 = arith.constant 0 : i32
        %dma_start3A_206 = arith.constant 0 : i32
        %dma_start3A_207 = tpu.memref_slice %dma_start3A_204[%dma_start3A_205, %dma_start3A_206] : memref<10000x128xf32, #tpu.memory_space<hbm>> -> memref<10000x128xf32, #tpu.memory_space<hbm>>
        tpu.enqueue_indirect_dma source(%dma_start3A_207 : memref<10000x128xf32, #tpu.memory_space<hbm>>) target(%arg8 : memref<128x128xf32, #tpu.memory_space<vmem>>) offsets(%dma_start3A_200 : memref<128xi32, #tpu.memory_space<vmem>>) semaphore(%arg15 : memref<!tpu.dma_semaphore, #tpu.memory_space<semaphore_mem>>)
      } else {
      }
      %mul3A_156 = arith.constant 3 : i32
      %mul3A_157 = arith.muli %scan3A_99, %mul3A_156 : i32
      %add3A_158 = arith.constant 2 : i32
      %add3A_159 = arith.addi %mul3A_157, %add3A_158 : i32
      %dma_wait3A_160 = arith.constant 0 : i32
      %dma_wait3A_161 = arith.constant 0 : i32
      %dma_wait3A_162 = tpu.memref_slice %arg5[%dma_wait3A_160, %dma_wait3A_161] : memref<2x128xi32, #tpu.memory_space<vmem>> -> memref<1x128xi32, #tpu.memory_space<vmem>>
      %dma_wait3A_163 = tpu.memref_squeeze %dma_wait3A_162 : memref<1x128xi32, #tpu.memory_space<vmem>> -> memref<128xi32, #tpu.memory_space<vmem>>
      %dma_wait3A_164 = arith.constant 0 : i32
      %dma_wait3A_165 = arith.constant 0 : i32
      %dma_wait3A_166 = tpu.memref_slice %arg2[%arg0, %dma_wait3A_164, %dma_wait3A_165] : memref<2x10000x128xf32, #tpu.memory_space<hbm>> -> memref<1x10000x128xf32, #tpu.memory_space<hbm>>
      %dma_wait3A_167 = tpu.memref_squeeze %dma_wait3A_166 : memref<1x10000x128xf32, #tpu.memory_space<hbm>> -> memref<10000x128xf32, #tpu.memory_space<hbm>>
      %dma_wait3A_168 = arith.constant 0 : i32
      %dma_wait3A_169 = arith.constant 0 : i32
      %dma_wait3A_170 = tpu.memref_slice %dma_wait3A_167[%dma_wait3A_168, %dma_wait3A_169] : memref<10000x128xf32, #tpu.memory_space<hbm>> -> memref<10000x128xf32, #tpu.memory_space<hbm>>
      tpu.wait_indirect_dma semaphore(%arg17 : memref<!tpu.dma_semaphore, #tpu.memory_space<semaphore_mem>>) src(%dma_wait3A_170 : memref<10000x128xf32, #tpu.memory_space<hbm>>) dst(%arg10 : memref<128x128xf32, #tpu.memory_space<vmem>>)
      %run_scoped3A_171 = arith.constant 1 : i32
      "tpu.region"() ({
        %run_scoped3A_186 = tpu.sem_alloc : memref<!tpu.dma_semaphore, #tpu.memory_space<semaphore_mem>>
        %dma_start3A_187 = arith.constant 0 : i32
        %dma_start3A_188 = tpu.memref_slice %arg7[%run_scoped3A_171, %dma_start3A_187] : memref<2x128xi32, #tpu.memory_space<vmem>> -> memref<1x128xi32, #tpu.memory_space<vmem>>
        %dma_start3A_189 = tpu.memref_squeeze %dma_start3A_188 : memref<1x128xi32, #tpu.memory_space<vmem>> -> memref<128xi32, #tpu.memory_space<vmem>>
        %dma_start3A_190 = arith.constant 0 : i32
        %dma_start3A_191 = arith.constant 0 : i32
        %dma_start3A_192 = tpu.memref_slice %arg11[%dma_start3A_190, %dma_start3A_191] : memref<10112x128xf32, #tpu.memory_space<vmem_shared>> -> memref<10112x128xf32, #tpu.memory_space<vmem_shared>>
        tpu.enqueue_indirect_dma source(%arg10 : memref<128x128xf32, #tpu.memory_space<vmem>>) target(%dma_start3A_192 : memref<10112x128xf32, #tpu.memory_space<vmem_shared>>) offsets(%dma_start3A_189 : memref<128xi32, #tpu.memory_space<vmem>>) semaphore(%run_scoped3A_186 : memref<!tpu.dma_semaphore, #tpu.memory_space<semaphore_mem>>) {add = true}
        %dma_wait3A_193 = arith.constant 0 : i32
        %dma_wait3A_194 = tpu.memref_slice %arg7[%run_scoped3A_171, %dma_wait3A_193] : memref<2x128xi32, #tpu.memory_space<vmem>> -> memref<1x128xi32, #tpu.memory_space<vmem>>
        %dma_wait3A_195 = tpu.memref_squeeze %dma_wait3A_194 : memref<1x128xi32, #tpu.memory_space<vmem>> -> memref<128xi32, #tpu.memory_space<vmem>>
        %dma_wait3A_196 = arith.constant 0 : i32
        %dma_wait3A_197 = arith.constant 0 : i32
        %dma_wait3A_198 = tpu.memref_slice %arg11[%dma_wait3A_196, %dma_wait3A_197] : memref<10112x128xf32, #tpu.memory_space<vmem_shared>> -> memref<10112x128xf32, #tpu.memory_space<vmem_shared>>
        tpu.wait_indirect_dma semaphore(%run_scoped3A_186 : memref<!tpu.dma_semaphore, #tpu.memory_space<semaphore_mem>>) src(%arg10 : memref<128x128xf32, #tpu.memory_space<vmem>>) dst(%dma_wait3A_198 : memref<10112x128xf32, #tpu.memory_space<vmem_shared>>)
        tpu.yield
      }) : () -> ()
      %add3A_172 = arith.constant 3 : i32
      %add3A_173 = arith.addi %add3A_159, %add3A_172 : i32
      %lt3A_174 = arith.constant 159 : i32
      %lt3A_175 = arith.cmpi slt, %add3A_173, %lt3A_174 : i32
      %convert_element_type3A_176 = arith.extui %lt3A_175 : i1 to i32
      %cond3A_177 = arith.constant 0 : i32
      %cond3A_178 = arith.cmpi ne, %convert_element_type3A_176, %cond3A_177 : i32
      scf.if %cond3A_178 {
        %add3A_186 = arith.constant 3 : i32
        %add3A_187 = arith.addi %add3A_159, %add3A_186 : i32
        %dma_start3A_188 = arith.constant 0 : i32
        %dma_start3A_189 = arith.constant 0 : i32
        %dma_start3A_190 = tpu.memref_slice %arg3[%arg1, %add3A_187, %dma_start3A_188, %dma_start3A_189] : memref<16x159x2x128xi32, #tpu.memory_space<hbm>> -> memref<1x1x2x128xi32, #tpu.memory_space<hbm>>
        %dma_start3A_191 = tpu.memref_squeeze %dma_start3A_190 : memref<1x1x2x128xi32, #tpu.memory_space<hbm>> -> memref<2x128xi32, #tpu.memory_space<hbm>>
        %dma_start3A_192 = arith.constant 0 : i32
        %dma_start3A_193 = arith.constant 0 : i32
        %dma_start3A_194 = tpu.memref_slice %arg3[%arg1, %add3A_187, %dma_start3A_192, %dma_start3A_193] : memref<16x159x2x128xi32, #tpu.memory_space<hbm>> -> memref<1x1x2x128xi32, #tpu.memory_space<hbm>>
        %dma_start3A_195 = tpu.memref_squeeze %dma_start3A_194 : memref<1x1x2x128xi32, #tpu.memory_space<hbm>> -> memref<2x128xi32, #tpu.memory_space<hbm>>
        tpu.enqueue_dma source(%dma_start3A_195 : memref<2x128xi32, #tpu.memory_space<hbm>>) target(%arg7 : memref<2x128xi32, #tpu.memory_space<vmem>>) target_semaphore(%arg14 : memref<!tpu.dma_semaphore, #tpu.memory_space<semaphore_mem>>)
      } else {
      }
      %add3A_179 = arith.constant 2 : i32
      %add3A_180 = arith.addi %add3A_159, %add3A_179 : i32
      %lt3A_181 = arith.constant 159 : i32
      %lt3A_182 = arith.cmpi slt, %add3A_180, %lt3A_181 : i32
      %convert_element_type3A_183 = arith.extui %lt3A_182 : i1 to i32
      %cond3A_184 = arith.constant 0 : i32
      %cond3A_185 = arith.cmpi ne, %convert_element_type3A_183, %cond3A_184 : i32
      scf.if %cond3A_185 {
        %dma_wait3A_186 = arith.constant 0 : i32
        %dma_wait3A_187 = arith.constant 0 : i32
        %dma_wait3A_188 = arith.constant 0 : i32
        %dma_wait3A_189 = tpu.memref_slice %arg3[%arg1, %dma_wait3A_186, %dma_wait3A_187, %dma_wait3A_188] : memref<16x159x2x128xi32, #tpu.memory_space<hbm>> -> memref<1x1x2x128xi32, #tpu.memory_space<hbm>>
        %dma_wait3A_190 = tpu.memref_squeeze %dma_wait3A_189 : memref<1x1x2x128xi32, #tpu.memory_space<hbm>> -> memref<2x128xi32, #tpu.memory_space<hbm>>
        %dma_wait3A_191 = arith.constant 0 : i32
        %dma_wait3A_192 = arith.constant 0 : i32
        %dma_wait3A_193 = tpu.memref_slice %arg3[%arg1, %dma_wait3A_186, %dma_wait3A_191, %dma_wait3A_192] : memref<16x159x2x128xi32, #tpu.memory_space<hbm>> -> memref<1x1x2x128xi32, #tpu.memory_space<hbm>>
        %dma_wait3A_194 = tpu.memref_squeeze %dma_wait3A_193 : memref<1x1x2x128xi32, #tpu.memory_space<hbm>> -> memref<2x128xi32, #tpu.memory_space<hbm>>
        tpu.wait_dma2 semaphore(%arg13 : memref<!tpu.dma_semaphore, #tpu.memory_space<semaphore_mem>>) src(%dma_wait3A_194 : memref<2x128xi32, #tpu.memory_space<hbm>>) dst(%arg6 : memref<2x128xi32, #tpu.memory_space<vmem>>)
        %add3A_195 = arith.constant 2 : i32
        %add3A_196 = arith.addi %add3A_159, %add3A_195 : i32
        %dma_start3A_197 = arith.constant 0 : i32
        %dma_start3A_198 = arith.constant 0 : i32
        %dma_start3A_199 = tpu.memref_slice %arg6[%dma_start3A_197, %dma_start3A_198] : memref<2x128xi32, #tpu.memory_space<vmem>> -> memref<1x128xi32, #tpu.memory_space<vmem>>
        %dma_start3A_200 = tpu.memref_squeeze %dma_start3A_199 : memref<1x128xi32, #tpu.memory_space<vmem>> -> memref<128xi32, #tpu.memory_space<vmem>>
        %dma_start3A_201 = arith.constant 0 : i32
        %dma_start3A_202 = arith.constant 0 : i32
        %dma_start3A_203 = tpu.memref_slice %arg2[%arg0, %dma_start3A_201, %dma_start3A_202] : memref<2x10000x128xf32, #tpu.memory_space<hbm>> -> memref<1x10000x128xf32, #tpu.memory_space<hbm>>
        %dma_start3A_204 = tpu.memref_squeeze %dma_start3A_203 : memref<1x10000x128xf32, #tpu.memory_space<hbm>> -> memref<10000x128xf32, #tpu.memory_space<hbm>>
        %dma_start3A_205 = arith.constant 0 : i32
        %dma_start3A_206 = arith.constant 0 : i32
        %dma_start3A_207 = tpu.memref_slice %dma_start3A_204[%dma_start3A_205, %dma_start3A_206] : memref<10000x128xf32, #tpu.memory_space<hbm>> -> memref<10000x128xf32, #tpu.memory_space<hbm>>
        tpu.enqueue_indirect_dma source(%dma_start3A_207 : memref<10000x128xf32, #tpu.memory_space<hbm>>) target(%arg9 : memref<128x128xf32, #tpu.memory_space<vmem>>) offsets(%dma_start3A_200 : memref<128xi32, #tpu.memory_space<vmem>>) semaphore(%arg16 : memref<!tpu.dma_semaphore, #tpu.memory_space<semaphore_mem>>)
      } else {
      }
    }
    %scan3A_93 = arith.constant 53 : i32
    %barrier3A_94 = arith.constant 0 : index
    tpu.barrier barrier_id(%barrier3A_94)
    %mul3A_95 = arith.constant 632 : i32
    %mul3A_96 = arith.muli %arg1, %mul3A_95 : i32
    %mul3A_97 = arith.constant 632 : i32
    %mul3A_98 = arith.muli %arg1, %mul3A_97 : i32
    "tpu.region"() ({
      %run_scoped3A = tpu.sem_alloc : memref<!tpu.dma_semaphore, #tpu.memory_space<semaphore_mem>>
      %dma_start3A_99 = arith.constant 0 : i32
      %dma_start3A_100 = arith.constant 0 : i32
      %dma_start3A_101 = tpu.memref_slice %arg4[%arg0, %dma_start3A_99, %dma_start3A_100] : memref<2x10112x128xf32, #tpu.memory_space<hbm>> -> memref<1x10112x128xf32, #tpu.memory_space<hbm>>
      %dma_start3A_102 = tpu.memref_squeeze %dma_start3A_101 : memref<1x10112x128xf32, #tpu.memory_space<hbm>> -> memref<10112x128xf32, #tpu.memory_space<hbm>>
      %dma_start3A_103 = arith.constant 0 : i32
      %dma_start3A_104 = tpu.memref_slice %dma_start3A_102[%mul3A_98, %dma_start3A_103] : memref<10112x128xf32, #tpu.memory_space<hbm>> -> memref<632x128xf32, #tpu.memory_space<hbm>>
      %dma_start3A_105 = arith.constant 0 : i32
      %dma_start3A_106 = tpu.memref_slice %arg11[%mul3A_96, %dma_start3A_105] : memref<10112x128xf32, #tpu.memory_space<vmem_shared>> -> memref<632x128xf32, #tpu.memory_space<vmem_shared>>
      tpu.enqueue_dma source(%dma_start3A_106 : memref<632x128xf32, #tpu.memory_space<vmem_shared>>) target(%dma_start3A_104 : memref<632x128xf32, #tpu.memory_space<hbm>>) target_semaphore(%run_scoped3A : memref<!tpu.dma_semaphore, #tpu.memory_space<semaphore_mem>>)
      %dma_wait3A_107 = arith.constant 0 : i32
      %dma_wait3A_108 = arith.constant 0 : i32
      %dma_wait3A_109 = tpu.memref_slice %arg4[%arg0, %dma_wait3A_107, %dma_wait3A_108] : memref<2x10112x128xf32, #tpu.memory_space<hbm>> -> memref<1x10112x128xf32, #tpu.memory_space<hbm>>
      %dma_wait3A_110 = tpu.memref_squeeze %dma_wait3A_109 : memref<1x10112x128xf32, #tpu.memory_space<hbm>> -> memref<10112x128xf32, #tpu.memory_space<hbm>>
      %dma_wait3A_111 = arith.constant 0 : i32
      %dma_wait3A_112 = tpu.memref_slice %dma_wait3A_110[%mul3A_98, %dma_wait3A_111] : memref<10112x128xf32, #tpu.memory_space<hbm>> -> memref<632x128xf32, #tpu.memory_space<hbm>>
      %dma_wait3A_113 = arith.constant 0 : i32
      %dma_wait3A_114 = tpu.memref_slice %arg11[%mul3A_96, %dma_wait3A_113] : memref<10112x128xf32, #tpu.memory_space<vmem_shared>> -> memref<632x128xf32, #tpu.memory_space<vmem_shared>>
      tpu.wait_dma2 semaphore(%run_scoped3A : memref<!tpu.dma_semaphore, #tpu.memory_space<semaphore_mem>>) src(%dma_wait3A_114 : memref<632x128xf32, #tpu.memory_space<vmem_shared>>) dst(%dma_wait3A_112 : memref<632x128xf32, #tpu.memory_space<hbm>>)
      tpu.yield
    }) : () -> ()
    return
  }
}

#map = affine_map<(d0, d1) -> (0, 0, 0)>
#map1 = affine_map<(d0, d1) -> (0, 0, 0, 0)>
module attributes {stable_mosaic.version = 14 : i64} {
  func.func @k(%arg0: i32, %arg1: i32, %arg2: memref<2x10000x128xf32, #tpu.memory_space<hbm>>, %arg3: memref<16x159x2x128xi32, #tpu.memory_space<hbm>>, %arg4: memref<2x10112x128xf32, #tpu.memory_space<hbm>>, %arg5: memref<2x128xi32, #tpu.memory_space<vmem>>, %arg6: memref<2x128xi32, #tpu.memory_space<vmem>>, %arg7: memref<2x128xi32, #tpu.memory_space<vmem>>, %arg8: memref<128x128xf32, #tpu.memory_space<vmem>>, %arg9: memref<128x128xf32, #tpu.memory_space<vmem>>, %arg10: memref<128x128xf32, #tpu.memory_space<vmem>>, %arg11: memref<10112x128xf32, #tpu.memory_space<vmem_shared>>, %arg12: memref<!tpu.dma_semaphore, #tpu.memory_space<semaphore_mem>>, %arg13: memref<!tpu.dma_semaphore, #tpu.memory_space<semaphore_mem>>, %arg14: memref<!tpu.dma_semaphore, #tpu.memory_space<semaphore_mem>>, %arg15: memref<!tpu.dma_semaphore, #tpu.memory_space<semaphore_mem>>, %arg16: memref<!tpu.dma_semaphore, #tpu.memory_space<semaphore_mem>>, %arg17: memref<!tpu.dma_semaphore, #tpu.memory_space<semaphore_mem>>) attributes {dimension_semantics = [#tpu.dimension_semantics<core_parallel>, #tpu.dimension_semantics<subcore_parallel>], iteration_bounds = array<i64: 2, 16>, scalar_prefetch = 0 : i64, scratch_operands = 13 : i64, tpu.core_type = #tpu.core_type<sc_vector_subcore>, window_params = [{transform_indices = #map}, {transform_indices = #map1}, {transform_indices = #map}]} {
    %scan3A = arith.constant 0 : i32
    %scan3A_0 = arith.constant 0 : i32
    %scan3A_1 = arith.constant 128 : i32
    %scan3A_2 = arith.addi %scan3A_0, %scan3A_1 : i32
    %scan3A_3 = arith.constant 1 : i32
    scf.for %scan3A_99 = %scan3A_0 to %scan3A_2 step %scan3A_3  : i32 {
      %broadcast_in_dim3A = arith.constant 0.000000e+00 : f32
      %broadcast_in_dim3A_100 = vector.broadcast %broadcast_in_dim3A : f32 to vector<16xf32>
      %swap3A = arith.index_cast %scan3A_99 : i32 to index
      %swap3A_101 = arith.constant 0 : index
      %swap3A_102 = tpu.vector_load %arg8[%swap3A, %swap3A_101] {strides = array<i32>} : memref<128x128xf32, #tpu.memory_space<vmem>>, vector<1x16xf32>,
      %swap3A_103 = vector.shape_cast %swap3A_102 : vector<1x16xf32> to vector<16xf32>
      %swap3A_104 = vector.shape_cast %broadcast_in_dim3A_100 : vector<16xf32> to vector<1x16xf32>
      tpu.vector_store %arg8[%swap3A, %swap3A_101], %swap3A_104 {strides = array<i32>} : memref<128x128xf32, #tpu.memory_space<vmem>>, vector<1x16xf32>,
      %broadcast_in_dim3A_105 = arith.constant 0.000000e+00 : f32
      %broadcast_in_dim3A_106 = vector.broadcast %broadcast_in_dim3A_105 : f32 to vector<16xf32>
      %swap3A_107 = arith.index_cast %scan3A_99 : i32 to index
      %swap3A_108 = arith.constant 16 : index
      %swap3A_109 = tpu.vector_load %arg8[%swap3A_107, %swap3A_108] {strides = array<i32>} : memref<128x128xf32, #tpu.memory_space<vmem>>, vector<1x16xf32>,
      %swap3A_110 = vector.shape_cast %swap3A_109 : vector<1x16xf32> to vector<16xf32>
      %swap3A_111 = vector.shape_cast %broadcast_in_dim3A_106 : vector<16xf32> to vector<1x16xf32>
      tpu.vector_store %arg8[%swap3A_107, %swap3A_108], %swap3A_111 {strides = array<i32>} : memref<128x128xf32, #tpu.memory_space<vmem>>, vector<1x16xf32>,
      %broadcast_in_dim3A_112 = arith.constant 0.000000e+00 : f32
      %broadcast_in_dim3A_113 = vector.broadcast %broadcast_in_dim3A_112 : f32 to vector<16xf32>
      %swap3A_114 = arith.index_cast %scan3A_99 : i32 to index
      %swap3A_115 = arith.constant 32 : index
      %swap3A_116 = tpu.vector_load %arg8[%swap3A_114, %swap3A_115] {strides = array<i32>} : memref<128x128xf32, #tpu.memory_space<vmem>>, vector<1x16xf32>,
      %swap3A_117 = vector.shape_cast %swap3A_116 : vector<1x16xf32> to vector<16xf32>
      %swap3A_118 = vector.shape_cast %broadcast_in_dim3A_113 : vector<16xf32> to vector<1x16xf32>
      tpu.vector_store %arg8[%swap3A_114, %swap3A_115], %swap3A_118 {strides = array<i32>} : memref<128x128xf32, #tpu.memory_space<vmem>>, vector<1x16xf32>,
      %broadcast_in_dim3A_119 = arith.constant 0.000000e+00 : f32
      %broadcast_in_dim3A_120 = vector.broadcast %broadcast_in_dim3A_119 : f32 to vector<16xf32>
      %swap3A_121 = arith.index_cast %scan3A_99 : i32 to index
      %swap3A_122 = arith.constant 48 : index
      %swap3A_123 = tpu.vector_load %arg8[%swap3A_121, %swap3A_122] {strides = array<i32>} : memref<128x128xf32, #tpu.memory_space<vmem>>, vector<1x16xf32>,
      %swap3A_124 = vector.shape_cast %swap3A_123 : vector<1x16xf32> to vector<16xf32>
      %swap3A_125 = vector.shape_cast %broadcast_in_dim3A_120 : vector<16xf32> to vector<1x16xf32>
      tpu.vector_store %arg8[%swap3A_121, %swap3A_122], %swap3A_125 {strides = array<i32>} : memref<128x128xf32, #tpu.memory_space<vmem>>, vector<1x16xf32>,
      %broadcast_in_dim3A_126 = arith.constant 0.000000e+00 : f32
      %broadcast_in_dim3A_127 = vector.broadcast %broadcast_in_dim3A_126 : f32 to vector<16xf32>
      %swap3A_128 = arith.index_cast %scan3A_99 : i32 to index
      %swap3A_129 = arith.constant 64 : index
      %swap3A_130 = tpu.vector_load %arg8[%swap3A_128, %swap3A_129] {strides = array<i32>} : memref<128x128xf32, #tpu.memory_space<vmem>>, vector<1x16xf32>,
      %swap3A_131 = vector.shape_cast %swap3A_130 : vector<1x16xf32> to vector<16xf32>
      %swap3A_132 = vector.shape_cast %broadcast_in_dim3A_127 : vector<16xf32> to vector<1x16xf32>
      tpu.vector_store %arg8[%swap3A_128, %swap3A_129], %swap3A_132 {strides = array<i32>} : memref<128x128xf32, #tpu.memory_space<vmem>>, vector<1x16xf32>,
      %broadcast_in_dim3A_133 = arith.constant 0.000000e+00 : f32
      %broadcast_in_dim3A_134 = vector.broadcast %broadcast_in_dim3A_133 : f32 to vector<16xf32>
      %swap3A_135 = arith.index_cast %scan3A_99 : i32 to index
      %swap3A_136 = arith.constant 80 : index
      %swap3A_137 = tpu.vector_load %arg8[%swap3A_135, %swap3A_136] {strides = array<i32>} : memref<128x128xf32, #tpu.memory_space<vmem>>, vector<1x16xf32>,
      %swap3A_138 = vector.shape_cast %swap3A_137 : vector<1x16xf32> to vector<16xf32>
      %swap3A_139 = vector.shape_cast %broadcast_in_dim3A_134 : vector<16xf32> to vector<1x16xf32>
      tpu.vector_store %arg8[%swap3A_135, %swap3A_136], %swap3A_139 {strides = array<i32>} : memref<128x128xf32, #tpu.memory_space<vmem>>, vector<1x16xf32>,
      %broadcast_in_dim3A_140 = arith.constant 0.000000e+00 : f32
      %broadcast_in_dim3A_141 = vector.broadcast %broadcast_in_dim3A_140 : f32 to vector<16xf32>
      %swap3A_142 = arith.index_cast %scan3A_99 : i32 to index
      %swap3A_143 = arith.constant 96 : index
      %swap3A_144 = tpu.vector_load %arg8[%swap3A_142, %swap3A_143] {strides = array<i32>} : memref<128x128xf32, #tpu.memory_space<vmem>>, vector<1x16xf32>,
      %swap3A_145 = vector.shape_cast %swap3A_144 : vector<1x16xf32> to vector<16xf32>
      %swap3A_146 = vector.shape_cast %broadcast_in_dim3A_141 : vector<16xf32> to vector<1x16xf32>
      tpu.vector_store %arg8[%swap3A_142, %swap3A_143], %swap3A_146 {strides = array<i32>} : memref<128x128xf32, #tpu.memory_space<vmem>>, vector<1x16xf32>,
      %broadcast_in_dim3A_147 = arith.constant 0.000000e+00 : f32
      %broadcast_in_dim3A_148 = vector.broadcast %broadcast_in_dim3A_147 : f32 to vector<16xf32>
      %swap3A_149 = arith.index_cast %scan3A_99 : i32 to index
      %swap3A_150 = arith.constant 112 : index
      %swap3A_151 = tpu.vector_load %arg8[%swap3A_149, %swap3A_150] {strides = array<i32>} : memref<128x128xf32, #tpu.memory_space<vmem>>, vector<1x16xf32>,
      %swap3A_152 = vector.shape_cast %swap3A_151 : vector<1x16xf32> to vector<16xf32>
      %swap3A_153 = vector.shape_cast %broadcast_in_dim3A_148 : vector<16xf32> to vector<1x16xf32>
      tpu.vector_store %arg8[%swap3A_149, %swap3A_150], %swap3A_153 {strides = array<i32>} : memref<128x128xf32, #tpu.memory_space<vmem>>, vector<1x16xf32>,
    }
    %scan3A_4 = arith.constant 128 : i32
    %mul3A = arith.constant 632 : i32
    %mul3A_5 = arith.muli %arg1, %mul3A : i32
    %add3A = arith.constant 0 : i32
    %add3A_6 = arith.addi %mul3A_5, %add3A : i32
    "tpu.region"() ({
      %run_scoped3A = tpu.sem_alloc : memref<!tpu.dma_semaphore, #tpu.memory_space<semaphore_mem>>
      %dma_start3A_99 = arith.constant 0 : i32
      %dma_start3A_100 = tpu.memref_slice %arg11[%add3A_6, %dma_start3A_99] : memref<10112x128xf32, #tpu.memory_space<vmem_shared>> -> memref<128x128xf32, #tpu.memory_space<vmem_shared>>
      %dma_start3A_101 = arith.constant 0 : i32
      %dma_start3A_102 = tpu.memref_slice %arg11[%add3A_6, %dma_start3A_101] : memref<10112x128xf32, #tpu.memory_space<vmem_shared>> -> memref<128x128xf32, #tpu.memory_space<vmem_shared>>
      tpu.enqueue_dma source(%arg8 : memref<128x128xf32, #tpu.memory_space<vmem>>) target(%dma_start3A_102 : memref<128x128xf32, #tpu.memory_space<vmem_shared>>) target_semaphore(%run_scoped3A : memref<!tpu.dma_semaphore, #tpu.memory_space<semaphore_mem>>)
      %dma_wait3A_103 = arith.constant 0 : i32
      %dma_wait3A_104 = tpu.memref_slice %arg11[%add3A_6, %dma_wait3A_103] : memref<10112x128xf32, #tpu.memory_space<vmem_shared>> -> memref<128x128xf32, #tpu.memory_space<vmem_shared>>
      %dma_wait3A_105 = arith.constant 0 : i32
      %dma_wait3A_106 = tpu.memref_slice %arg11[%add3A_6, %dma_wait3A_105] : memref<10112x128xf32, #tpu.memory_space<vmem_shared>> -> memref<128x128xf32, #tpu.memory_space<vmem_shared>>
      tpu.wait_dma2 semaphore(%run_scoped3A : memref<!tpu.dma_semaphore, #tpu.memory_space<semaphore_mem>>) src(%arg8 : memref<128x128xf32, #tpu.memory_space<vmem>>) dst(%dma_wait3A_106 : memref<128x128xf32, #tpu.memory_space<vmem_shared>>)
      tpu.yield
    }) : () -> ()
    %mul3A_7 = arith.constant 632 : i32
    %mul3A_8 = arith.muli %arg1, %mul3A_7 : i32
    %add3A_9 = arith.constant 128 : i32
    %add3A_10 = arith.addi %mul3A_8, %add3A_9 : i32
    "tpu.region"() ({
      %run_scoped3A = tpu.sem_alloc : memref<!tpu.dma_semaphore, #tpu.memory_space<semaphore_mem>>
      %dma_start3A_99 = arith.constant 0 : i32
      %dma_start3A_100 = tpu.memref_slice %arg11[%add3A_10, %dma_start3A_99] : memref<10112x128xf32, #tpu.memory_space<vmem_shared>> -> memref<128x128xf32, #tpu.memory_space<vmem_shared>>
      %dma_start3A_101 = arith.constant 0 : i32
      %dma_start3A_102 = tpu.memref_slice %arg11[%add3A_10, %dma_start3A_101] : memref<10112x128xf32, #tpu.memory_space<vmem_shared>> -> memref<128x128xf32, #tpu.memory_space<vmem_shared>>
      tpu.enqueue_dma source(%arg8 : memref<128x128xf32, #tpu.memory_space<vmem>>) target(%dma_start3A_102 : memref<128x128xf32, #tpu.memory_space<vmem_shared>>) target_semaphore(%run_scoped3A : memref<!tpu.dma_semaphore, #tpu.memory_space<semaphore_mem>>)
      %dma_wait3A_103 = arith.constant 0 : i32
      %dma_wait3A_104 = tpu.memref_slice %arg11[%add3A_10, %dma_wait3A_103] : memref<10112x128xf32, #tpu.memory_space<vmem_shared>> -> memref<128x128xf32, #tpu.memory_space<vmem_shared>>
      %dma_wait3A_105 = arith.constant 0 : i32
      %dma_wait3A_106 = tpu.memref_slice %arg11[%add3A_10, %dma_wait3A_105] : memref<10112x128xf32, #tpu.memory_space<vmem_shared>> -> memref<128x128xf32, #tpu.memory_space<vmem_shared>>
      tpu.wait_dma2 semaphore(%run_scoped3A : memref<!tpu.dma_semaphore, #tpu.memory_space<semaphore_mem>>) src(%arg8 : memref<128x128xf32, #tpu.memory_space<vmem>>) dst(%dma_wait3A_106 : memref<128x128xf32, #tpu.memory_space<vmem_shared>>)
      tpu.yield
    }) : () -> ()
    %mul3A_11 = arith.constant 632 : i32
    %mul3A_12 = arith.muli %arg1, %mul3A_11 : i32
    %add3A_13 = arith.constant 256 : i32
    %add3A_14 = arith.addi %mul3A_12, %add3A_13 : i32
    "tpu.region"() ({
      %run_scoped3A = tpu.sem_alloc : memref<!tpu.dma_semaphore, #tpu.memory_space<semaphore_mem>>
      %dma_start3A_99 = arith.constant 0 : i32
      %dma_start3A_100 = tpu.memref_slice %arg11[%add3A_14, %dma_start3A_99] : memref<10112x128xf32, #tpu.memory_space<vmem_shared>> -> memref<128x128xf32, #tpu.memory_space<vmem_shared>>
      %dma_start3A_101 = arith.constant 0 : i32
      %dma_start3A_102 = tpu.memref_slice %arg11[%add3A_14, %dma_start3A_101] : memref<10112x128xf32, #tpu.memory_space<vmem_shared>> -> memref<128x128xf32, #tpu.memory_space<vmem_shared>>
      tpu.enqueue_dma source(%arg8 : memref<128x128xf32, #tpu.memory_space<vmem>>) target(%dma_start3A_102 : memref<128x128xf32, #tpu.memory_space<vmem_shared>>) target_semaphore(%run_scoped3A : memref<!tpu.dma_semaphore, #tpu.memory_space<semaphore_mem>>)
      %dma_wait3A_103 = arith.constant 0 : i32
      %dma_wait3A_104 = tpu.memref_slice %arg11[%add3A_14, %dma_wait3A_103] : memref<10112x128xf32, #tpu.memory_space<vmem_shared>> -> memref<128x128xf32, #tpu.memory_space<vmem_shared>>
      %dma_wait3A_105 = arith.constant 0 : i32
      %dma_wait3A_106 = tpu.memref_slice %arg11[%add3A_14, %dma_wait3A_105] : memref<10112x128xf32, #tpu.memory_space<vmem_shared>> -> memref<128x128xf32, #tpu.memory_space<vmem_shared>>
      tpu.wait_dma2 semaphore(%run_scoped3A : memref<!tpu.dma_semaphore, #tpu.memory_space<semaphore_mem>>) src(%arg8 : memref<128x128xf32, #tpu.memory_space<vmem>>) dst(%dma_wait3A_106 : memref<128x128xf32, #tpu.memory_space<vmem_shared>>)
      tpu.yield
    }) : () -> ()
    %mul3A_15 = arith.constant 632 : i32
    %mul3A_16 = arith.muli %arg1, %mul3A_15 : i32
    %add3A_17 = arith.constant 384 : i32
    %add3A_18 = arith.addi %mul3A_16, %add3A_17 : i32
    "tpu.region"() ({
      %run_scoped3A = tpu.sem_alloc : memref<!tpu.dma_semaphore, #tpu.memory_space<semaphore_mem>>
      %dma_start3A_99 = arith.constant 0 : i32
      %dma_start3A_100 = tpu.memref_slice %arg11[%add3A_18, %dma_start3A_99] : memref<10112x128xf32, #tpu.memory_space<vmem_shared>> -> memref<128x128xf32, #tpu.memory_space<vmem_shared>>
      %dma_start3A_101 = arith.constant 0 : i32
      %dma_start3A_102 = tpu.memref_slice %arg11[%add3A_18, %dma_start3A_101] : memref<10112x128xf32, #tpu.memory_space<vmem_shared>> -> memref<128x128xf32, #tpu.memory_space<vmem_shared>>
      tpu.enqueue_dma source(%arg8 : memref<128x128xf32, #tpu.memory_space<vmem>>) target(%dma_start3A_102 : memref<128x128xf32, #tpu.memory_space<vmem_shared>>) target_semaphore(%run_scoped3A : memref<!tpu.dma_semaphore, #tpu.memory_space<semaphore_mem>>)
      %dma_wait3A_103 = arith.constant 0 : i32
      %dma_wait3A_104 = tpu.memref_slice %arg11[%add3A_18, %dma_wait3A_103] : memref<10112x128xf32, #tpu.memory_space<vmem_shared>> -> memref<128x128xf32, #tpu.memory_space<vmem_shared>>
      %dma_wait3A_105 = arith.constant 0 : i32
      %dma_wait3A_106 = tpu.memref_slice %arg11[%add3A_18, %dma_wait3A_105] : memref<10112x128xf32, #tpu.memory_space<vmem_shared>> -> memref<128x128xf32, #tpu.memory_space<vmem_shared>>
      tpu.wait_dma2 semaphore(%run_scoped3A : memref<!tpu.dma_semaphore, #tpu.memory_space<semaphore_mem>>) src(%arg8 : memref<128x128xf32, #tpu.memory_space<vmem>>) dst(%dma_wait3A_106 : memref<128x128xf32, #tpu.memory_space<vmem_shared>>)
      tpu.yield
    }) : () -> ()
    %mul3A_19 = arith.constant 632 : i32
    %mul3A_20 = arith.muli %arg1, %mul3A_19 : i32
    %add3A_21 = arith.constant 512 : i32
    %add3A_22 = arith.addi %mul3A_20, %add3A_21 : i32
    "tpu.region"() ({
      %run_scoped3A = tpu.sem_alloc : memref<!tpu.dma_semaphore, #tpu.memory_space<semaphore_mem>>
      %dma_start3A_99 = arith.constant 0 : i32
      %dma_start3A_100 = arith.constant 0 : i32
      %dma_start3A_101 = tpu.memref_slice %arg8[%dma_start3A_99, %dma_start3A_100] : memref<128x128xf32, #tpu.memory_space<vmem>> -> memref<120x128xf32, #tpu.memory_space<vmem>>
      %dma_start3A_102 = arith.constant 0 : i32
      %dma_start3A_103 = tpu.memref_slice %arg11[%add3A_22, %dma_start3A_102] : memref<10112x128xf32, #tpu.memory_space<vmem_shared>> -> memref<120x128xf32, #tpu.memory_space<vmem_shared>>
      %dma_start3A_104 = arith.constant 0 : i32
      %dma_start3A_105 = tpu.memref_slice %arg11[%add3A_22, %dma_start3A_104] : memref<10112x128xf32, #tpu.memory_space<vmem_shared>> -> memref<120x128xf32, #tpu.memory_space<vmem_shared>>
      %dma_start3A_106 = arith.constant 0 : i32
      %dma_start3A_107 = arith.constant 0 : i32
      %dma_start3A_108 = tpu.memref_slice %arg8[%dma_start3A_106, %dma_start3A_107] : memref<128x128xf32, #tpu.memory_space<vmem>> -> memref<120x128xf32, #tpu.memory_space<vmem>>
      tpu.enqueue_dma source(%dma_start3A_108 : memref<120x128xf32, #tpu.memory_space<vmem>>) target(%dma_start3A_105 : memref<120x128xf32, #tpu.memory_space<vmem_shared>>) target_semaphore(%run_scoped3A : memref<!tpu.dma_semaphore, #tpu.memory_space<semaphore_mem>>)
      %dma_wait3A_109 = arith.constant 0 : i32
      %dma_wait3A_110 = arith.constant 0 : i32
      %dma_wait3A_111 = tpu.memref_slice %arg8[%dma_wait3A_109, %dma_wait3A_110] : memref<128x128xf32, #tpu.memory_space<vmem>> -> memref<120x128xf32, #tpu.memory_space<vmem>>
      %dma_wait3A_112 = arith.constant 0 : i32
      %dma_wait3A_113 = tpu.memref_slice %arg11[%add3A_22, %dma_wait3A_112] : memref<10112x128xf32, #tpu.memory_space<vmem_shared>> -> memref<120x128xf32, #tpu.memory_space<vmem_shared>>
      %dma_wait3A_114 = arith.constant 0 : i32
      %dma_wait3A_115 = tpu.memref_slice %arg11[%add3A_22, %dma_wait3A_114] : memref<10112x128xf32, #tpu.memory_space<vmem_shared>> -> memref<120x128xf32, #tpu.memory_space<vmem_shared>>
      %dma_wait3A_116 = arith.constant 0 : i32
      %dma_wait3A_117 = arith.constant 0 : i32
      %dma_wait3A_118 = tpu.memref_slice %arg8[%dma_wait3A_116, %dma_wait3A_117] : memref<128x128xf32, #tpu.memory_space<vmem>> -> memref<120x128xf32, #tpu.memory_space<vmem>>
      tpu.wait_dma2 semaphore(%run_scoped3A : memref<!tpu.dma_semaphore, #tpu.memory_space<semaphore_mem>>) src(%dma_wait3A_118 : memref<120x128xf32, #tpu.memory_space<vmem>>) dst(%dma_wait3A_115 : memref<120x128xf32, #tpu.memory_space<vmem_shared>>)
      tpu.yield
    }) : () -> ()
    %barrier3A = arith.constant 0 : index
    tpu.barrier barrier_id(%barrier3A)
    %dma_start3A = arith.constant 0 : i32
    %dma_start3A_23 = arith.constant 0 : i32
    %dma_start3A_24 = arith.constant 0 : i32
    %dma_start3A_25 = tpu.memref_slice %arg3[%arg1, %dma_start3A, %dma_start3A_23, %dma_start3A_24] : memref<16x159x2x128xi32, #tpu.memory_space<hbm>> -> memref<1x1x2x128xi32, #tpu.memory_space<hbm>>
    %dma_start3A_26 = tpu.memref_squeeze %dma_start3A_25 : memref<1x1x2x128xi32, #tpu.memory_space<hbm>> -> memref<2x128xi32, #tpu.memory_space<hbm>>
    %dma_start3A_27 = arith.constant 0 : i32
    %dma_start3A_28 = arith.constant 0 : i32
    %dma_start3A_29 = tpu.memref_slice %arg3[%arg1, %dma_start3A, %dma_start3A_27, %dma_start3A_28] : memref<16x159x2x128xi32, #tpu.memory_space<hbm>> -> memref<1x1x2x128xi32, #tpu.memory_space<hbm>>
    %dma_start3A_30 = tpu.memref_squeeze %dma_start3A_29 : memref<1x1x2x128xi32, #tpu.memory_space<hbm>> -> memref<2x128xi32, #tpu.memory_space<hbm>>
    tpu.enqueue_dma source(%dma_start3A_30 : memref<2x128xi32, #tpu.memory_space<hbm>>) target(%arg5 : memref<2x128xi32, #tpu.memory_space<vmem>>) target_semaphore(%arg12 : memref<!tpu.dma_semaphore, #tpu.memory_space<semaphore_mem>>)
    %dma_start3A_31 = arith.constant 1 : i32
    %dma_start3A_32 = arith.constant 0 : i32
    %dma_start3A_33 = arith.constant 0 : i32
    %dma_start3A_34 = tpu.memref_slice %arg3[%arg1, %dma_start3A_31, %dma_start3A_32, %dma_start3A_33] : memref<16x159x2x128xi32, #tpu.memory_space<hbm>> -> memref<1x1x2x128xi32, #tpu.memory_space<hbm>>
    %dma_start3A_35 = tpu.memref_squeeze %dma_start3A_34 : memref<1x1x2x128xi32, #tpu.memory_space<hbm>> -> memref<2x128xi32, #tpu.memory_space<hbm>>
    %dma_start3A_36 = arith.constant 0 : i32
    %dma_start3A_37 = arith.constant 0 : i32
    %dma_start3A_38 = tpu.memref_slice %arg3[%arg1, %dma_start3A_31, %dma_start3A_36, %dma_start3A_37] : memref<16x159x2x128xi32, #tpu.memory_space<hbm>> -> memref<1x1x2x128xi32, #tpu.memory_space<hbm>>
    %dma_start3A_39 = tpu.memref_squeeze %dma_start3A_38 : memref<1x1x2x128xi32, #tpu.memory_space<hbm>> -> memref<2x128xi32, #tpu.memory_space<hbm>>
    tpu.enqueue_dma source(%dma_start3A_39 : memref<2x128xi32, #tpu.memory_space<hbm>>) target(%arg6 : memref<2x128xi32, #tpu.memory_space<vmem>>) target_semaphore(%arg13 : memref<!tpu.dma_semaphore, #tpu.memory_space<semaphore_mem>>)
    %dma_start3A_40 = arith.constant 2 : i32
    %dma_start3A_41 = arith.constant 0 : i32
    %dma_start3A_42 = arith.constant 0 : i32
    %dma_start3A_43 = tpu.memref_slice %arg3[%arg1, %dma_start3A_40, %dma_start3A_41, %dma_start3A_42] : memref<16x159x2x128xi32, #tpu.memory_space<hbm>> -> memref<1x1x2x128xi32, #tpu.memory_space<hbm>>
    %dma_start3A_44 = tpu.memref_squeeze %dma_start3A_43 : memref<1x1x2x128xi32, #tpu.memory_space<hbm>> -> memref<2x128xi32, #tpu.memory_space<hbm>>
    %dma_start3A_45 = arith.constant 0 : i32
    %dma_start3A_46 = arith.constant 0 : i32
    %dma_start3A_47 = tpu.memref_slice %arg3[%arg1, %dma_start3A_40, %dma_start3A_45, %dma_start3A_46] : memref<16x159x2x128xi32, #tpu.memory_space<hbm>> -> memref<1x1x2x128xi32, #tpu.memory_space<hbm>>
    %dma_start3A_48 = tpu.memref_squeeze %dma_start3A_47 : memref<1x1x2x128xi32, #tpu.memory_space<hbm>> -> memref<2x128xi32, #tpu.memory_space<hbm>>
    tpu.enqueue_dma source(%dma_start3A_48 : memref<2x128xi32, #tpu.memory_space<hbm>>) target(%arg7 : memref<2x128xi32, #tpu.memory_space<vmem>>) target_semaphore(%arg14 : memref<!tpu.dma_semaphore, #tpu.memory_space<semaphore_mem>>)
    %dma_wait3A = arith.constant 0 : i32
    %dma_wait3A_49 = arith.constant 0 : i32
    %dma_wait3A_50 = arith.constant 0 : i32
    %dma_wait3A_51 = tpu.memref_slice %arg3[%arg1, %dma_wait3A, %dma_wait3A_49, %dma_wait3A_50] : memref<16x159x2x128xi32, #tpu.memory_space<hbm>> -> memref<1x1x2x128xi32, #tpu.memory_space<hbm>>
    %dma_wait3A_52 = tpu.memref_squeeze %dma_wait3A_51 : memref<1x1x2x128xi32, #tpu.memory_space<hbm>> -> memref<2x128xi32, #tpu.memory_space<hbm>>
    %dma_wait3A_53 = arith.constant 0 : i32
    %dma_wait3A_54 = arith.constant 0 : i32
    %dma_wait3A_55 = tpu.memref_slice %arg3[%arg1, %dma_wait3A, %dma_wait3A_53, %dma_wait3A_54] : memref<16x159x2x128xi32, #tpu.memory_space<hbm>> -> memref<1x1x2x128xi32, #tpu.memory_space<hbm>>
    %dma_wait3A_56 = tpu.memref_squeeze %dma_wait3A_55 : memref<1x1x2x128xi32, #tpu.memory_space<hbm>> -> memref<2x128xi32, #tpu.memory_space<hbm>>
    tpu.wait_dma2 semaphore(%arg12 : memref<!tpu.dma_semaphore, #tpu.memory_space<semaphore_mem>>) src(%dma_wait3A_56 : memref<2x128xi32, #tpu.memory_space<hbm>>) dst(%arg5 : memref<2x128xi32, #tpu.memory_space<vmem>>)
    %dma_start3A_57 = arith.constant 0 : i32
    %dma_start3A_58 = arith.constant 0 : i32
    %dma_start3A_59 = tpu.memref_slice %arg5[%dma_start3A_57, %dma_start3A_58] : memref<2x128xi32, #tpu.memory_space<vmem>> -> memref<1x128xi32, #tpu.memory_space<vmem>>
    %dma_start3A_60 = tpu.memref_squeeze %dma_start3A_59 : memref<1x128xi32, #tpu.memory_space<vmem>> -> memref<128xi32, #tpu.memory_space<vmem>>
    %dma_start3A_61 = arith.constant 0 : i32
    %dma_start3A_62 = arith.constant 0 : i32
    %dma_start3A_63 = tpu.memref_slice %arg2[%arg0, %dma_start3A_61, %dma_start3A_62] : memref<2x10000x128xf32, #tpu.memory_space<hbm>> -> memref<1x10000x128xf32, #tpu.memory_space<hbm>>
    %dma_start3A_64 = tpu.memref_squeeze %dma_start3A_63 : memref<1x10000x128xf32, #tpu.memory_space<hbm>> -> memref<10000x128xf32, #tpu.memory_space<hbm>>
    %dma_start3A_65 = arith.constant 0 : i32
    %dma_start3A_66 = arith.constant 0 : i32
    %dma_start3A_67 = tpu.memref_slice %dma_start3A_64[%dma_start3A_65, %dma_start3A_66] : memref<10000x128xf32, #tpu.memory_space<hbm>> -> memref<10000x128xf32, #tpu.memory_space<hbm>>
    tpu.enqueue_indirect_dma source(%dma_start3A_67 : memref<10000x128xf32, #tpu.memory_space<hbm>>) target(%arg8 : memref<128x128xf32, #tpu.memory_space<vmem>>) offsets(%dma_start3A_60 : memref<128xi32, #tpu.memory_space<vmem>>) semaphore(%arg15 : memref<!tpu.dma_semaphore, #tpu.memory_space<semaphore_mem>>)
    %dma_wait3A_68 = arith.constant 0 : i32
    %dma_wait3A_69 = arith.constant 0 : i32
    %dma_wait3A_70 = arith.constant 0 : i32
    %dma_wait3A_71 = tpu.memref_slice %arg3[%arg1, %dma_wait3A_68, %dma_wait3A_69, %dma_wait3A_70] : memref<16x159x2x128xi32, #tpu.memory_space<hbm>> -> memref<1x1x2x128xi32, #tpu.memory_space<hbm>>
    %dma_wait3A_72 = tpu.memref_squeeze %dma_wait3A_71 : memref<1x1x2x128xi32, #tpu.memory_space<hbm>> -> memref<2x128xi32, #tpu.memory_space<hbm>>
    %dma_wait3A_73 = arith.constant 0 : i32
    %dma_wait3A_74 = arith.constant 0 : i32
    %dma_wait3A_75 = tpu.memref_slice %arg3[%arg1, %dma_wait3A_68, %dma_wait3A_73, %dma_wait3A_74] : memref<16x159x2x128xi32, #tpu.memory_space<hbm>> -> memref<1x1x2x128xi32, #tpu.memory_space<hbm>>
    %dma_wait3A_76 = tpu.memref_squeeze %dma_wait3A_75 : memref<1x1x2x128xi32, #tpu.memory_space<hbm>> -> memref<2x128xi32, #tpu.memory_space<hbm>>
    tpu.wait_dma2 semaphore(%arg13 : memref<!tpu.dma_semaphore, #tpu.memory_space<semaphore_mem>>) src(%dma_wait3A_76 : memref<2x128xi32, #tpu.memory_space<hbm>>) dst(%arg6 : memref<2x128xi32, #tpu.memory_space<vmem>>)
    %dma_start3A_77 = arith.constant 0 : i32
    %dma_start3A_78 = arith.constant 0 : i32
    %dma_start3A_79 = tpu.memref_slice %arg6[%dma_start3A_77, %dma_start3A_78] : memref<2x128xi32, #tpu.memory_space<vmem>> -> memref<1x128xi32, #tpu.memory_space<vmem>>
    %dma_start3A_80 = tpu.memref_squeeze %dma_start3A_79 : memref<1x128xi32, #tpu.memory_space<vmem>> -> memref<128xi32, #tpu.memory_space<vmem>>
    %dma_start3A_81 = arith.constant 0 : i32
    %dma_start3A_82 = arith.constant 0 : i32
    %dma_start3A_83 = tpu.memref_slice %arg2[%arg0, %dma_start3A_81, %dma_start3A_82] : memref<2x10000x128xf32, #tpu.memory_space<hbm>> -> memref<1x10000x128xf32, #tpu.memory_space<hbm>>
    %dma_start3A_84 = tpu.memref_squeeze %dma_start3A_83 : memref<1x10000x128xf32, #tpu.memory_space<hbm>> -> memref<10000x128xf32, #tpu.memory_space<hbm>>
    %dma_start3A_85 = arith.constant 0 : i32
    %dma_start3A_86 = arith.constant 0 : i32
    %dma_start3A_87 = tpu.memref_slice %dma_start3A_84[%dma_start3A_85, %dma_start3A_86] : memref<10000x128xf32, #tpu.memory_space<hbm>> -> memref<10000x128xf32, #tpu.memory_space<hbm>>
    tpu.enqueue_indirect_dma source(%dma_start3A_87 : memref<10000x128xf32, #tpu.memory_space<hbm>>) target(%arg9 : memref<128x128xf32, #tpu.memory_space<vmem>>) offsets(%dma_start3A_80 : memref<128xi32, #tpu.memory_space<vmem>>) semaphore(%arg16 : memref<!tpu.dma_semaphore, #tpu.memory_space<semaphore_mem>>)
    %scan3A_88 = arith.constant 0 : i32
    %scan3A_89 = arith.constant 0 : i32
    %scan3A_90 = arith.constant 53 : i32
    %scan3A_91 = arith.addi %scan3A_89, %scan3A_90 : i32
    %scan3A_92 = arith.constant 1 : i32
    scf.for %scan3A_99 = %scan3A_89 to %scan3A_91 step %scan3A_92  : i32 {
      %mul3A_100 = arith.constant 3 : i32
      %mul3A_101 = arith.muli %scan3A_99, %mul3A_100 : i32
      %add3A_102 = arith.constant 0 : i32
      %add3A_103 = arith.addi %mul3A_101, %add3A_102 : i32
      %dma_wait3A_104 = arith.constant 0 : i32
      %dma_wait3A_105 = arith.constant 0 : i32
      %dma_wait3A_106 = tpu.memref_slice %arg5[%dma_wait3A_104, %dma_wait3A_105] : memref<2x128xi32, #tpu.memory_space<vmem>> -> memref<1x128xi32, #tpu.memory_space<vmem>>
      %dma_wait3A_107 = tpu.memref_squeeze %dma_wait3A_106 : memref<1x128xi32, #tpu.memory_space<vmem>> -> memref<128xi32, #tpu.memory_space<vmem>>
      %dma_wait3A_108 = arith.constant 0 : i32
      %dma_wait3A_109 = arith.constant 0 : i32
      %dma_wait3A_110 = tpu.memref_slice %arg2[%arg0, %dma_wait3A_108, %dma_wait3A_109] : memref<2x10000x128xf32, #tpu.memory_space<hbm>> -> memref<1x10000x128xf32, #tpu.memory_space<hbm>>
      %dma_wait3A_111 = tpu.memref_squeeze %dma_wait3A_110 : memref<1x10000x128xf32, #tpu.memory_space<hbm>> -> memref<10000x128xf32, #tpu.memory_space<hbm>>
      %dma_wait3A_112 = arith.constant 0 : i32
      %dma_wait3A_113 = arith.constant 0 : i32
      %dma_wait3A_114 = tpu.memref_slice %dma_wait3A_111[%dma_wait3A_112, %dma_wait3A_113] : memref<10000x128xf32, #tpu.memory_space<hbm>> -> memref<10000x128xf32, #tpu.memory_space<hbm>>
      tpu.wait_indirect_dma semaphore(%arg15 : memref<!tpu.dma_semaphore, #tpu.memory_space<semaphore_mem>>) src(%dma_wait3A_114 : memref<10000x128xf32, #tpu.memory_space<hbm>>) dst(%arg8 : memref<128x128xf32, #tpu.memory_space<vmem>>)
      %run_scoped3A = arith.constant 1 : i32
      "tpu.region"() ({
        %run_scoped3A_186 = tpu.sem_alloc : memref<!tpu.dma_semaphore, #tpu.memory_space<semaphore_mem>>
        %dma_start3A_187 = arith.constant 0 : i32
        %dma_start3A_188 = tpu.memref_slice %arg5[%run_scoped3A, %dma_start3A_187] : memref<2x128xi32, #tpu.memory_space<vmem>> -> memref<1x128xi32, #tpu.memory_space<vmem>>
        %dma_start3A_189 = tpu.memref_squeeze %dma_start3A_188 : memref<1x128xi32, #tpu.memory_space<vmem>> -> memref<128xi32, #tpu.memory_space<vmem>>
        %dma_start3A_190 = arith.constant 0 : i32
        %dma_start3A_191 = arith.constant 0 : i32
        %dma_start3A_192 = tpu.memref_slice %arg11[%dma_start3A_190, %dma_start3A_191] : memref<10112x128xf32, #tpu.memory_space<vmem_shared>> -> memref<10112x128xf32, #tpu.memory_space<vmem_shared>>
        tpu.enqueue_indirect_dma source(%arg8 : memref<128x128xf32, #tpu.memory_space<vmem>>) target(%dma_start3A_192 : memref<10112x128xf32, #tpu.memory_space<vmem_shared>>) offsets(%dma_start3A_189 : memref<128xi32, #tpu.memory_space<vmem>>) semaphore(%run_scoped3A_186 : memref<!tpu.dma_semaphore, #tpu.memory_space<semaphore_mem>>) {add = true}
        %dma_wait3A_193 = arith.constant 0 : i32
        %dma_wait3A_194 = tpu.memref_slice %arg5[%run_scoped3A, %dma_wait3A_193] : memref<2x128xi32, #tpu.memory_space<vmem>> -> memref<1x128xi32, #tpu.memory_space<vmem>>
        %dma_wait3A_195 = tpu.memref_squeeze %dma_wait3A_194 : memref<1x128xi32, #tpu.memory_space<vmem>> -> memref<128xi32, #tpu.memory_space<vmem>>
        %dma_wait3A_196 = arith.constant 0 : i32
        %dma_wait3A_197 = arith.constant 0 : i32
        %dma_wait3A_198 = tpu.memref_slice %arg11[%dma_wait3A_196, %dma_wait3A_197] : memref<10112x128xf32, #tpu.memory_space<vmem_shared>> -> memref<10112x128xf32, #tpu.memory_space<vmem_shared>>
        tpu.wait_indirect_dma semaphore(%run_scoped3A_186 : memref<!tpu.dma_semaphore, #tpu.memory_space<semaphore_mem>>) src(%arg8 : memref<128x128xf32, #tpu.memory_space<vmem>>) dst(%dma_wait3A_198 : memref<10112x128xf32, #tpu.memory_space<vmem_shared>>)
        tpu.yield
      }) : () -> ()
      %add3A_115 = arith.constant 3 : i32
      %add3A_116 = arith.addi %add3A_103, %add3A_115 : i32
      %lt3A = arith.constant 159 : i32
      %lt3A_117 = arith.cmpi slt, %add3A_116, %lt3A : i32
      %convert_element_type3A = arith.extui %lt3A_117 : i1 to i32
      %cond3A = arith.constant 0 : i32
      %cond3A_118 = arith.cmpi ne, %convert_element_type3A, %cond3A : i32
      scf.if %cond3A_118 {
        %add3A_186 = arith.constant 3 : i32
        %add3A_187 = arith.addi %add3A_103, %add3A_186 : i32
        %dma_start3A_188 = arith.constant 0 : i32
        %dma_start3A_189 = arith.constant 0 : i32
        %dma_start3A_190 = tpu.memref_slice %arg3[%arg1, %add3A_187, %dma_start3A_188, %dma_start3A_189] : memref<16x159x2x128xi32, #tpu.memory_space<hbm>> -> memref<1x1x2x128xi32, #tpu.memory_space<hbm>>
        %dma_start3A_191 = tpu.memref_squeeze %dma_start3A_190 : memref<1x1x2x128xi32, #tpu.memory_space<hbm>> -> memref<2x128xi32, #tpu.memory_space<hbm>>
        %dma_start3A_192 = arith.constant 0 : i32
        %dma_start3A_193 = arith.constant 0 : i32
        %dma_start3A_194 = tpu.memref_slice %arg3[%arg1, %add3A_187, %dma_start3A_192, %dma_start3A_193] : memref<16x159x2x128xi32, #tpu.memory_space<hbm>> -> memref<1x1x2x128xi32, #tpu.memory_space<hbm>>
        %dma_start3A_195 = tpu.memref_squeeze %dma_start3A_194 : memref<1x1x2x128xi32, #tpu.memory_space<hbm>> -> memref<2x128xi32, #tpu.memory_space<hbm>>
        tpu.enqueue_dma source(%dma_start3A_195 : memref<2x128xi32, #tpu.memory_space<hbm>>) target(%arg5 : memref<2x128xi32, #tpu.memory_space<vmem>>) target_semaphore(%arg12 : memref<!tpu.dma_semaphore, #tpu.memory_space<semaphore_mem>>)
      } else {
      }
      %add3A_119 = arith.constant 2 : i32
      %add3A_120 = arith.addi %add3A_103, %add3A_119 : i32
      %lt3A_121 = arith.constant 159 : i32
      %lt3A_122 = arith.cmpi slt, %add3A_120, %lt3A_121 : i32
      %convert_element_type3A_123 = arith.extui %lt3A_122 : i1 to i32
      %cond3A_124 = arith.constant 0 : i32
      %cond3A_125 = arith.cmpi ne, %convert_element_type3A_123, %cond3A_124 : i32
      scf.if %cond3A_125 {
        %dma_wait3A_186 = arith.constant 0 : i32
        %dma_wait3A_187 = arith.constant 0 : i32
        %dma_wait3A_188 = arith.constant 0 : i32
        %dma_wait3A_189 = tpu.memref_slice %arg3[%arg1, %dma_wait3A_186, %dma_wait3A_187, %dma_wait3A_188] : memref<16x159x2x128xi32, #tpu.memory_space<hbm>> -> memref<1x1x2x128xi32, #tpu.memory_space<hbm>>
        %dma_wait3A_190 = tpu.memref_squeeze %dma_wait3A_189 : memref<1x1x2x128xi32, #tpu.memory_space<hbm>> -> memref<2x128xi32, #tpu.memory_space<hbm>>
        %dma_wait3A_191 = arith.constant 0 : i32
        %dma_wait3A_192 = arith.constant 0 : i32
        %dma_wait3A_193 = tpu.memref_slice %arg3[%arg1, %dma_wait3A_186, %dma_wait3A_191, %dma_wait3A_192] : memref<16x159x2x128xi32, #tpu.memory_space<hbm>> -> memref<1x1x2x128xi32, #tpu.memory_space<hbm>>
        %dma_wait3A_194 = tpu.memref_squeeze %dma_wait3A_193 : memref<1x1x2x128xi32, #tpu.memory_space<hbm>> -> memref<2x128xi32, #tpu.memory_space<hbm>>
        tpu.wait_dma2 semaphore(%arg14 : memref<!tpu.dma_semaphore, #tpu.memory_space<semaphore_mem>>) src(%dma_wait3A_194 : memref<2x128xi32, #tpu.memory_space<hbm>>) dst(%arg7 : memref<2x128xi32, #tpu.memory_space<vmem>>)
        %add3A_195 = arith.constant 2 : i32
        %add3A_196 = arith.addi %add3A_103, %add3A_195 : i32
        %dma_start3A_197 = arith.constant 0 : i32
        %dma_start3A_198 = arith.constant 0 : i32
        %dma_start3A_199 = tpu.memref_slice %arg7[%dma_start3A_197, %dma_start3A_198] : memref<2x128xi32, #tpu.memory_space<vmem>> -> memref<1x128xi32, #tpu.memory_space<vmem>>
        %dma_start3A_200 = tpu.memref_squeeze %dma_start3A_199 : memref<1x128xi32, #tpu.memory_space<vmem>> -> memref<128xi32, #tpu.memory_space<vmem>>
        %dma_start3A_201 = arith.constant 0 : i32
        %dma_start3A_202 = arith.constant 0 : i32
        %dma_start3A_203 = tpu.memref_slice %arg2[%arg0, %dma_start3A_201, %dma_start3A_202] : memref<2x10000x128xf32, #tpu.memory_space<hbm>> -> memref<1x10000x128xf32, #tpu.memory_space<hbm>>
        %dma_start3A_204 = tpu.memref_squeeze %dma_start3A_203 : memref<1x10000x128xf32, #tpu.memory_space<hbm>> -> memref<10000x128xf32, #tpu.memory_space<hbm>>
        %dma_start3A_205 = arith.constant 0 : i32
        %dma_start3A_206 = arith.constant 0 : i32
        %dma_start3A_207 = tpu.memref_slice %dma_start3A_204[%dma_start3A_205, %dma_start3A_206] : memref<10000x128xf32, #tpu.memory_space<hbm>> -> memref<10000x128xf32, #tpu.memory_space<hbm>>
        tpu.enqueue_indirect_dma source(%dma_start3A_207 : memref<10000x128xf32, #tpu.memory_space<hbm>>) target(%arg10 : memref<128x128xf32, #tpu.memory_space<vmem>>) offsets(%dma_start3A_200 : memref<128xi32, #tpu.memory_space<vmem>>) semaphore(%arg17 : memref<!tpu.dma_semaphore, #tpu.memory_space<semaphore_mem>>)
      } else {
      }
      %mul3A_126 = arith.constant 3 : i32
      %mul3A_127 = arith.muli %scan3A_99, %mul3A_126 : i32
      %add3A_128 = arith.constant 1 : i32
      %add3A_129 = arith.addi %mul3A_127, %add3A_128 : i32
      %dma_wait3A_130 = arith.constant 0 : i32
      %dma_wait3A_131 = arith.constant 0 : i32
      %dma_wait3A_132 = tpu.memref_slice %arg5[%dma_wait3A_130, %dma_wait3A_131] : memref<2x128xi32, #tpu.memory_space<vmem>> -> memref<1x128xi32, #tpu.memory_space<vmem>>
      %dma_wait3A_133 = tpu.memref_squeeze %dma_wait3A_132 : memref<1x128xi32, #tpu.memory_space<vmem>> -> memref<128xi32, #tpu.memory_space<vmem>>
      %dma_wait3A_134 = arith.constant 0 : i32
      %dma_wait3A_135 = arith.constant 0 : i32
      %dma_wait3A_136 = tpu.memref_slice %arg2[%arg0, %dma_wait3A_134, %dma_wait3A_135] : memref<2x10000x128xf32, #tpu.memory_space<hbm>> -> memref<1x10000x128xf32, #tpu.memory_space<hbm>>
      %dma_wait3A_137 = tpu.memref_squeeze %dma_wait3A_136 : memref<1x10000x128xf32, #tpu.memory_space<hbm>> -> memref<10000x128xf32, #tpu.memory_space<hbm>>
      %dma_wait3A_138 = arith.constant 0 : i32
      %dma_wait3A_139 = arith.constant 0 : i32
      %dma_wait3A_140 = tpu.memref_slice %dma_wait3A_137[%dma_wait3A_138, %dma_wait3A_139] : memref<10000x128xf32, #tpu.memory_space<hbm>> -> memref<10000x128xf32, #tpu.memory_space<hbm>>
      tpu.wait_indirect_dma semaphore(%arg16 : memref<!tpu.dma_semaphore, #tpu.memory_space<semaphore_mem>>) src(%dma_wait3A_140 : memref<10000x128xf32, #tpu.memory_space<hbm>>) dst(%arg9 : memref<128x128xf32, #tpu.memory_space<vmem>>)
      %run_scoped3A_141 = arith.constant 1 : i32
      "tpu.region"() ({
        %run_scoped3A_186 = tpu.sem_alloc : memref<!tpu.dma_semaphore, #tpu.memory_space<semaphore_mem>>
        %dma_start3A_187 = arith.constant 0 : i32
        %dma_start3A_188 = tpu.memref_slice %arg6[%run_scoped3A_141, %dma_start3A_187] : memref<2x128xi32, #tpu.memory_space<vmem>> -> memref<1x128xi32, #tpu.memory_space<vmem>>
        %dma_start3A_189 = tpu.memref_squeeze %dma_start3A_188 : memref<1x128xi32, #tpu.memory_space<vmem>> -> memref<128xi32, #tpu.memory_space<vmem>>
        %dma_start3A_190 = arith.constant 0 : i32
        %dma_start3A_191 = arith.constant 0 : i32
        %dma_start3A_192 = tpu.memref_slice %arg11[%dma_start3A_190, %dma_start3A_191] : memref<10112x128xf32, #tpu.memory_space<vmem_shared>> -> memref<10112x128xf32, #tpu.memory_space<vmem_shared>>
        tpu.enqueue_indirect_dma source(%arg9 : memref<128x128xf32, #tpu.memory_space<vmem>>) target(%dma_start3A_192 : memref<10112x128xf32, #tpu.memory_space<vmem_shared>>) offsets(%dma_start3A_189 : memref<128xi32, #tpu.memory_space<vmem>>) semaphore(%run_scoped3A_186 : memref<!tpu.dma_semaphore, #tpu.memory_space<semaphore_mem>>) {add = true}
        %dma_wait3A_193 = arith.constant 0 : i32
        %dma_wait3A_194 = tpu.memref_slice %arg6[%run_scoped3A_141, %dma_wait3A_193] : memref<2x128xi32, #tpu.memory_space<vmem>> -> memref<1x128xi32, #tpu.memory_space<vmem>>
        %dma_wait3A_195 = tpu.memref_squeeze %dma_wait3A_194 : memref<1x128xi32, #tpu.memory_space<vmem>> -> memref<128xi32, #tpu.memory_space<vmem>>
        %dma_wait3A_196 = arith.constant 0 : i32
        %dma_wait3A_197 = arith.constant 0 : i32
        %dma_wait3A_198 = tpu.memref_slice %arg11[%dma_wait3A_196, %dma_wait3A_197] : memref<10112x128xf32, #tpu.memory_space<vmem_shared>> -> memref<10112x128xf32, #tpu.memory_space<vmem_shared>>
        tpu.wait_indirect_dma semaphore(%run_scoped3A_186 : memref<!tpu.dma_semaphore, #tpu.memory_space<semaphore_mem>>) src(%arg9 : memref<128x128xf32, #tpu.memory_space<vmem>>) dst(%dma_wait3A_198 : memref<10112x128xf32, #tpu.memory_space<vmem_shared>>)
        tpu.yield
      }) : () -> ()
      %add3A_142 = arith.constant 3 : i32
      %add3A_143 = arith.addi %add3A_129, %add3A_142 : i32
      %lt3A_144 = arith.constant 159 : i32
      %lt3A_145 = arith.cmpi slt, %add3A_143, %lt3A_144 : i32
      %convert_element_type3A_146 = arith.extui %lt3A_145 : i1 to i32
      %cond3A_147 = arith.constant 0 : i32
      %cond3A_148 = arith.cmpi ne, %convert_element_type3A_146, %cond3A_147 : i32
      scf.if %cond3A_148 {
        %add3A_186 = arith.constant 3 : i32
        %add3A_187 = arith.addi %add3A_129, %add3A_186 : i32
        %dma_start3A_188 = arith.constant 0 : i32
        %dma_start3A_189 = arith.constant 0 : i32
        %dma_start3A_190 = tpu.memref_slice %arg3[%arg1, %add3A_187, %dma_start3A_188, %dma_start3A_189] : memref<16x159x2x128xi32, #tpu.memory_space<hbm>> -> memref<1x1x2x128xi32, #tpu.memory_space<hbm>>
        %dma_start3A_191 = tpu.memref_squeeze %dma_start3A_190 : memref<1x1x2x128xi32, #tpu.memory_space<hbm>> -> memref<2x128xi32, #tpu.memory_space<hbm>>
        %dma_start3A_192 = arith.constant 0 : i32
        %dma_start3A_193 = arith.constant 0 : i32
        %dma_start3A_194 = tpu.memref_slice %arg3[%arg1, %add3A_187, %dma_start3A_192, %dma_start3A_193] : memref<16x159x2x128xi32, #tpu.memory_space<hbm>> -> memref<1x1x2x128xi32, #tpu.memory_space<hbm>>
        %dma_start3A_195 = tpu.memref_squeeze %dma_start3A_194 : memref<1x1x2x128xi32, #tpu.memory_space<hbm>> -> memref<2x128xi32, #tpu.memory_space<hbm>>
        tpu.enqueue_dma source(%dma_start3A_195 : memref<2x128xi32, #tpu.memory_space<hbm>>) target(%arg6 : memref<2x128xi32, #tpu.memory_space<vmem>>) target_semaphore(%arg13 : memref<!tpu.dma_semaphore, #tpu.memory_space<semaphore_mem>>)
      } else {
      }
      %add3A_149 = arith.constant 2 : i32
      %add3A_150 = arith.addi %add3A_129, %add3A_149 : i32
      %lt3A_151 = arith.constant 159 : i32
      %lt3A_152 = arith.cmpi slt, %add3A_150, %lt3A_151 : i32
      %convert_element_type3A_153 = arith.extui %lt3A_152 : i1 to i32
      %cond3A_154 = arith.constant 0 : i32
      %cond3A_155 = arith.cmpi ne, %convert_element_type3A_153, %cond3A_154 : i32
      scf.if %cond3A_155 {
        %dma_wait3A_186 = arith.constant 0 : i32
        %dma_wait3A_187 = arith.constant 0 : i32
        %dma_wait3A_188 = arith.constant 0 : i32
        %dma_wait3A_189 = tpu.memref_slice %arg3[%arg1, %dma_wait3A_186, %dma_wait3A_187, %dma_wait3A_188] : memref<16x159x2x128xi32, #tpu.memory_space<hbm>> -> memref<1x1x2x128xi32, #tpu.memory_space<hbm>>
        %dma_wait3A_190 = tpu.memref_squeeze %dma_wait3A_189 : memref<1x1x2x128xi32, #tpu.memory_space<hbm>> -> memref<2x128xi32, #tpu.memory_space<hbm>>
        %dma_wait3A_191 = arith.constant 0 : i32
        %dma_wait3A_192 = arith.constant 0 : i32
        %dma_wait3A_193 = tpu.memref_slice %arg3[%arg1, %dma_wait3A_186, %dma_wait3A_191, %dma_wait3A_192] : memref<16x159x2x128xi32, #tpu.memory_space<hbm>> -> memref<1x1x2x128xi32, #tpu.memory_space<hbm>>
        %dma_wait3A_194 = tpu.memref_squeeze %dma_wait3A_193 : memref<1x1x2x128xi32, #tpu.memory_space<hbm>> -> memref<2x128xi32, #tpu.memory_space<hbm>>
        tpu.wait_dma2 semaphore(%arg12 : memref<!tpu.dma_semaphore, #tpu.memory_space<semaphore_mem>>) src(%dma_wait3A_194 : memref<2x128xi32, #tpu.memory_space<hbm>>) dst(%arg5 : memref<2x128xi32, #tpu.memory_space<vmem>>)
        %add3A_195 = arith.constant 2 : i32
        %add3A_196 = arith.addi %add3A_129, %add3A_195 : i32
        %dma_start3A_197 = arith.constant 0 : i32
        %dma_start3A_198 = arith.constant 0 : i32
        %dma_start3A_199 = tpu.memref_slice %arg5[%dma_start3A_197, %dma_start3A_198] : memref<2x128xi32, #tpu.memory_space<vmem>> -> memref<1x128xi32, #tpu.memory_space<vmem>>
        %dma_start3A_200 = tpu.memref_squeeze %dma_start3A_199 : memref<1x128xi32, #tpu.memory_space<vmem>> -> memref<128xi32, #tpu.memory_space<vmem>>
        %dma_start3A_201 = arith.constant 0 : i32
        %dma_start3A_202 = arith.constant 0 : i32
        %dma_start3A_203 = tpu.memref_slice %arg2[%arg0, %dma_start3A_201, %dma_start3A_202] : memref<2x10000x128xf32, #tpu.memory_space<hbm>> -> memref<1x10000x128xf32, #tpu.memory_space<hbm>>
        %dma_start3A_204 = tpu.memref_squeeze %dma_start3A_203 : memref<1x10000x128xf32, #tpu.memory_space<hbm>> -> memref<10000x128xf32, #tpu.memory_space<hbm>>
        %dma_start3A_205 = arith.constant 0 : i32
        %dma_start3A_206 = arith.constant 0 : i32
        %dma_start3A_207 = tpu.memref_slice %dma_start3A_204[%dma_start3A_205, %dma_start3A_206] : memref<10000x128xf32, #tpu.memory_space<hbm>> -> memref<10000x128xf32, #tpu.memory_space<hbm>>
        tpu.enqueue_indirect_dma source(%dma_start3A_207 : memref<10000x128xf32, #tpu.memory_space<hbm>>) target(%arg8 : memref<128x128xf32, #tpu.memory_space<vmem>>) offsets(%dma_start3A_200 : memref<128xi32, #tpu.memory_space<vmem>>) semaphore(%arg15 : memref<!tpu.dma_semaphore, #tpu.memory_space<semaphore_mem>>)
      } else {
      }
      %mul3A_156 = arith.constant 3 : i32
      %mul3A_157 = arith.muli %scan3A_99, %mul3A_156 : i32
      %add3A_158 = arith.constant 2 : i32
      %add3A_159 = arith.addi %mul3A_157, %add3A_158 : i32
      %dma_wait3A_160 = arith.constant 0 : i32
      %dma_wait3A_161 = arith.constant 0 : i32
      %dma_wait3A_162 = tpu.memref_slice %arg5[%dma_wait3A_160, %dma_wait3A_161] : memref<2x128xi32, #tpu.memory_space<vmem>> -> memref<1x128xi32, #tpu.memory_space<vmem>>
      %dma_wait3A_163 = tpu.memref_squeeze %dma_wait3A_162 : memref<1x128xi32, #tpu.memory_space<vmem>> -> memref<128xi32, #tpu.memory_space<vmem>>
      %dma_wait3A_164 = arith.constant 0 : i32
      %dma_wait3A_165 = arith.constant 0 : i32
      %dma_wait3A_166 = tpu.memref_slice %arg2[%arg0, %dma_wait3A_164, %dma_wait3A_165] : memref<2x10000x128xf32, #tpu.memory_space<hbm>> -> memref<1x10000x128xf32, #tpu.memory_space<hbm>>
      %dma_wait3A_167 = tpu.memref_squeeze %dma_wait3A_166 : memref<1x10000x128xf32, #tpu.memory_space<hbm>> -> memref<10000x128xf32, #tpu.memory_space<hbm>>
      %dma_wait3A_168 = arith.constant 0 : i32
      %dma_wait3A_169 = arith.constant 0 : i32
      %dma_wait3A_170 = tpu.memref_slice %dma_wait3A_167[%dma_wait3A_168, %dma_wait3A_169] : memref<10000x128xf32, #tpu.memory_space<hbm>> -> memref<10000x128xf32, #tpu.memory_space<hbm>>
      tpu.wait_indirect_dma semaphore(%arg17 : memref<!tpu.dma_semaphore, #tpu.memory_space<semaphore_mem>>) src(%dma_wait3A_170 : memref<10000x128xf32, #tpu.memory_space<hbm>>) dst(%arg10 : memref<128x128xf32, #tpu.memory_space<vmem>>)
      %run_scoped3A_171 = arith.constant 1 : i32
      "tpu.region"() ({
        %run_scoped3A_186 = tpu.sem_alloc : memref<!tpu.dma_semaphore, #tpu.memory_space<semaphore_mem>>
        %dma_start3A_187 = arith.constant 0 : i32
        %dma_start3A_188 = tpu.memref_slice %arg7[%run_scoped3A_171, %dma_start3A_187] : memref<2x128xi32, #tpu.memory_space<vmem>> -> memref<1x128xi32, #tpu.memory_space<vmem>>
        %dma_start3A_189 = tpu.memref_squeeze %dma_start3A_188 : memref<1x128xi32, #tpu.memory_space<vmem>> -> memref<128xi32, #tpu.memory_space<vmem>>
        %dma_start3A_190 = arith.constant 0 : i32
        %dma_start3A_191 = arith.constant 0 : i32
        %dma_start3A_192 = tpu.memref_slice %arg11[%dma_start3A_190, %dma_start3A_191] : memref<10112x128xf32, #tpu.memory_space<vmem_shared>> -> memref<10112x128xf32, #tpu.memory_space<vmem_shared>>
        tpu.enqueue_indirect_dma source(%arg10 : memref<128x128xf32, #tpu.memory_space<vmem>>) target(%dma_start3A_192 : memref<10112x128xf32, #tpu.memory_space<vmem_shared>>) offsets(%dma_start3A_189 : memref<128xi32, #tpu.memory_space<vmem>>) semaphore(%run_scoped3A_186 : memref<!tpu.dma_semaphore, #tpu.memory_space<semaphore_mem>>) {add = true}
        %dma_wait3A_193 = arith.constant 0 : i32
        %dma_wait3A_194 = tpu.memref_slice %arg7[%run_scoped3A_171, %dma_wait3A_193] : memref<2x128xi32, #tpu.memory_space<vmem>> -> memref<1x128xi32, #tpu.memory_space<vmem>>
        %dma_wait3A_195 = tpu.memref_squeeze %dma_wait3A_194 : memref<1x128xi32, #tpu.memory_space<vmem>> -> memref<128xi32, #tpu.memory_space<vmem>>
        %dma_wait3A_196 = arith.constant 0 : i32
        %dma_wait3A_197 = arith.constant 0 : i32
        %dma_wait3A_198 = tpu.memref_slice %arg11[%dma_wait3A_196, %dma_wait3A_197] : memref<10112x128xf32, #tpu.memory_space<vmem_shared>> -> memref<10112x128xf32, #tpu.memory_space<vmem_shared>>
        tpu.wait_indirect_dma semaphore(%run_scoped3A_186 : memref<!tpu.dma_semaphore, #tpu.memory_space<semaphore_mem>>) src(%arg10 : memref<128x128xf32, #tpu.memory_space<vmem>>) dst(%dma_wait3A_198 : memref<10112x128xf32, #tpu.memory_space<vmem_shared>>)
        tpu.yield
      }) : () -> ()
      %add3A_172 = arith.constant 3 : i32
      %add3A_173 = arith.addi %add3A_159, %add3A_172 : i32
      %lt3A_174 = arith.constant 159 : i32
      %lt3A_175 = arith.cmpi slt, %add3A_173, %lt3A_174 : i32
      %convert_element_type3A_176 = arith.extui %lt3A_175 : i1 to i32
      %cond3A_177 = arith.constant 0 : i32
      %cond3A_178 = arith.cmpi ne, %convert_element_type3A_176, %cond3A_177 : i32
      scf.if %cond3A_178 {
        %add3A_186 = arith.constant 3 : i32
        %add3A_187 = arith.addi %add3A_159, %add3A_186 : i32
        %dma_start3A_188 = arith.constant 0 : i32
        %dma_start3A_189 = arith.constant 0 : i32
        %dma_start3A_190 = tpu.memref_slice %arg3[%arg1, %add3A_187, %dma_start3A_188, %dma_start3A_189] : memref<16x159x2x128xi32, #tpu.memory_space<hbm>> -> memref<1x1x2x128xi32, #tpu.memory_space<hbm>>
        %dma_start3A_191 = tpu.memref_squeeze %dma_start3A_190 : memref<1x1x2x128xi32, #tpu.memory_space<hbm>> -> memref<2x128xi32, #tpu.memory_space<hbm>>
        %dma_start3A_192 = arith.constant 0 : i32
        %dma_start3A_193 = arith.constant 0 : i32
        %dma_start3A_194 = tpu.memref_slice %arg3[%arg1, %add3A_187, %dma_start3A_192, %dma_start3A_193] : memref<16x159x2x128xi32, #tpu.memory_space<hbm>> -> memref<1x1x2x128xi32, #tpu.memory_space<hbm>>
        %dma_start3A_195 = tpu.memref_squeeze %dma_start3A_194 : memref<1x1x2x128xi32, #tpu.memory_space<hbm>> -> memref<2x128xi32, #tpu.memory_space<hbm>>
        tpu.enqueue_dma source(%dma_start3A_195 : memref<2x128xi32, #tpu.memory_space<hbm>>) target(%arg7 : memref<2x128xi32, #tpu.memory_space<vmem>>) target_semaphore(%arg14 : memref<!tpu.dma_semaphore, #tpu.memory_space<semaphore_mem>>)
      } else {
      }
      %add3A_179 = arith.constant 2 : i32
      %add3A_180 = arith.addi %add3A_159, %add3A_179 : i32
      %lt3A_181 = arith.constant 159 : i32
      %lt3A_182 = arith.cmpi slt, %add3A_180, %lt3A_181 : i32
      %convert_element_type3A_183 = arith.extui %lt3A_182 : i1 to i32
      %cond3A_184 = arith.constant 0 : i32
      %cond3A_185 = arith.cmpi ne, %convert_element_type3A_183, %cond3A_184 : i32
      scf.if %cond3A_185 {
        %dma_wait3A_186 = arith.constant 0 : i32
        %dma_wait3A_187 = arith.constant 0 : i32
        %dma_wait3A_188 = arith.constant 0 : i32
        %dma_wait3A_189 = tpu.memref_slice %arg3[%arg1, %dma_wait3A_186, %dma_wait3A_187, %dma_wait3A_188] : memref<16x159x2x128xi32, #tpu.memory_space<hbm>> -> memref<1x1x2x128xi32, #tpu.memory_space<hbm>>
        %dma_wait3A_190 = tpu.memref_squeeze %dma_wait3A_189 : memref<1x1x2x128xi32, #tpu.memory_space<hbm>> -> memref<2x128xi32, #tpu.memory_space<hbm>>
        %dma_wait3A_191 = arith.constant 0 : i32
        %dma_wait3A_192 = arith.constant 0 : i32
        %dma_wait3A_193 = tpu.memref_slice %arg3[%arg1, %dma_wait3A_186, %dma_wait3A_191, %dma_wait3A_192] : memref<16x159x2x128xi32, #tpu.memory_space<hbm>> -> memref<1x1x2x128xi32, #tpu.memory_space<hbm>>
        %dma_wait3A_194 = tpu.memref_squeeze %dma_wait3A_193 : memref<1x1x2x128xi32, #tpu.memory_space<hbm>> -> memref<2x128xi32, #tpu.memory_space<hbm>>
        tpu.wait_dma2 semaphore(%arg13 : memref<!tpu.dma_semaphore, #tpu.memory_space<semaphore_mem>>) src(%dma_wait3A_194 : memref<2x128xi32, #tpu.memory_space<hbm>>) dst(%arg6 : memref<2x128xi32, #tpu.memory_space<vmem>>)
        %add3A_195 = arith.constant 2 : i32
        %add3A_196 = arith.addi %add3A_159, %add3A_195 : i32
        %dma_start3A_197 = arith.constant 0 : i32
        %dma_start3A_198 = arith.constant 0 : i32
        %dma_start3A_199 = tpu.memref_slice %arg6[%dma_start3A_197, %dma_start3A_198] : memref<2x128xi32, #tpu.memory_space<vmem>> -> memref<1x128xi32, #tpu.memory_space<vmem>>
        %dma_start3A_200 = tpu.memref_squeeze %dma_start3A_199 : memref<1x128xi32, #tpu.memory_space<vmem>> -> memref<128xi32, #tpu.memory_space<vmem>>
        %dma_start3A_201 = arith.constant 0 : i32
        %dma_start3A_202 = arith.constant 0 : i32
        %dma_start3A_203 = tpu.memref_slice %arg2[%arg0, %dma_start3A_201, %dma_start3A_202] : memref<2x10000x128xf32, #tpu.memory_space<hbm>> -> memref<1x10000x128xf32, #tpu.memory_space<hbm>>
        %dma_start3A_204 = tpu.memref_squeeze %dma_start3A_203 : memref<1x10000x128xf32, #tpu.memory_space<hbm>> -> memref<10000x128xf32, #tpu.memory_space<hbm>>
        %dma_start3A_205 = arith.constant 0 : i32
        %dma_start3A_206 = arith.constant 0 : i32
        %dma_start3A_207 = tpu.memref_slice %dma_start3A_204[%dma_start3A_205, %dma_start3A_206] : memref<10000x128xf32, #tpu.memory_space<hbm>> -> memref<10000x128xf32, #tpu.memory_space<hbm>>
        tpu.enqueue_indirect_dma source(%dma_start3A_207 : memref<10000x128xf32, #tpu.memory_space<hbm>>) target(%arg9 : memref<128x128xf32, #tpu.memory_space<vmem>>) offsets(%dma_start3A_200 : memref<128xi32, #tpu.memory_space<vmem>>) semaphore(%arg16 : memref<!tpu.dma_semaphore, #tpu.memory_space<semaphore_mem>>)
      } else {
      }
    }
    %scan3A_93 = arith.constant 53 : i32
    %barrier3A_94 = arith.constant 0 : index
    tpu.barrier barrier_id(%barrier3A_94)
    %mul3A_95 = arith.constant 632 : i32
    %mul3A_96 = arith.muli %arg1, %mul3A_95 : i32
    %mul3A_97 = arith.constant 632 : i32
    %mul3A_98 = arith.muli %arg1, %mul3A_97 : i32
    "tpu.region"() ({
      %run_scoped3A = tpu.sem_alloc : memref<!tpu.dma_semaphore, #tpu.memory_space<semaphore_mem>>
      %dma_start3A_99 = arith.constant 0 : i32
      %dma_start3A_100 = arith.constant 0 : i32
      %dma_start3A_101 = tpu.memref_slice %arg4[%arg0, %dma_start3A_99, %dma_start3A_100] : memref<2x10112x128xf32, #tpu.memory_space<hbm>> -> memref<1x10112x128xf32, #tpu.memory_space<hbm>>
      %dma_start3A_102 = tpu.memref_squeeze %dma_start3A_101 : memref<1x10112x128xf32, #tpu.memory_space<hbm>> -> memref<10112x128xf32, #tpu.memory_space<hbm>>
      %dma_start3A_103 = arith.constant 0 : i32
      %dma_start3A_104 = tpu.memref_slice %dma_start3A_102[%mul3A_98, %dma_start3A_103] : memref<10112x128xf32, #tpu.memory_space<hbm>> -> memref<632x128xf32, #tpu.memory_space<hbm>>
      %dma_start3A_105 = arith.constant 0 : i32
      %dma_start3A_106 = tpu.memref_slice %arg11[%mul3A_96, %dma_start3A_105] : memref<10112x128xf32, #tpu.memory_space<vmem_shared>> -> memref<632x128xf32, #tpu.memory_space<vmem_shared>>
      tpu.enqueue_dma source(%dma_start3A_106 : memref<632x128xf32, #tpu.memory_space<vmem_shared>>) target(%dma_start3A_104 : memref<632x128xf32, #tpu.memory_space<hbm>>) target_semaphore(%run_scoped3A : memref<!tpu.dma_semaphore, #tpu.memory_space<semaphore_mem>>)
      %dma_wait3A_107 = arith.constant 0 : i32
      %dma_wait3A_108 = arith.constant 0 : i32
      %dma_wait3A_109 = tpu.memref_slice %arg4[%arg0, %dma_wait3A_107, %dma_wait3A_108] : memref<2x10112x128xf32, #tpu.memory_space<hbm>> -> memref<1x10112x128xf32, #tpu.memory_space<hbm>>
      %dma_wait3A_110 = tpu.memref_squeeze %dma_wait3A_109 : memref<1x10112x128xf32, #tpu.memory_space<hbm>> -> memref<10112x128xf32, #tpu.memory_space<hbm>>
      %dma_wait3A_111 = arith.constant 0 : i32
      %dma_wait3A_112 = tpu.memref_slice %dma_wait3A_110[%mul3A_98, %dma_wait3A_111] : memref<10112x128xf32, #tpu.memory_space<hbm>> -> memref<632x128xf32, #tpu.memory_space<hbm>>
      %dma_wait3A_113 = arith.constant 0 : i32
      %dma_wait3A_114 = tpu.memref_slice %arg11[%mul3A_96, %dma_wait3A_113] : memref<10112x128xf32, #tpu.memory_space<vmem_shared>> -> memref<632x128xf32, #tpu.memory_space<vmem_shared>>
      tpu.wait_dma2 semaphore(%run_scoped3A : memref<!tpu.dma_semaphore, #tpu.memory_space<semaphore_mem>>) src(%dma_wait3A_114 : memref<632x128xf32, #tpu.memory_space<vmem_shared>>) dst(%dma_wait3A_112 : memref<632x128xf32, #tpu.memory_space<hbm>>)
      tpu.yield
    }) : () -> ()
    return
  }
}

#map = affine_map<(d0, d1) -> (0, 0, 0)>
#map1 = affine_map<(d0, d1) -> (0, 0, 0, 0)>
module attributes {stable_mosaic.version = 14 : i64} {
  func.func @k(%arg0: i32, %arg1: i32, %arg2: memref<2x10000x128xf32, #tpu.memory_space<hbm>>, %arg3: memref<16x159x2x128xi32, #tpu.memory_space<hbm>>, %arg4: memref<2x10112x128xf32, #tpu.memory_space<hbm>>, %arg5: memref<2x128xi32, #tpu.memory_space<vmem>>, %arg6: memref<2x128xi32, #tpu.memory_space<vmem>>, %arg7: memref<2x128xi32, #tpu.memory_space<vmem>>, %arg8: memref<128x128xf32, #tpu.memory_space<vmem>>, %arg9: memref<128x128xf32, #tpu.memory_space<vmem>>, %arg10: memref<128x128xf32, #tpu.memory_space<vmem>>, %arg11: memref<10112x128xf32, #tpu.memory_space<vmem_shared>>, %arg12: memref<!tpu.dma_semaphore, #tpu.memory_space<semaphore_mem>>, %arg13: memref<!tpu.dma_semaphore, #tpu.memory_space<semaphore_mem>>, %arg14: memref<!tpu.dma_semaphore, #tpu.memory_space<semaphore_mem>>, %arg15: memref<!tpu.dma_semaphore, #tpu.memory_space<semaphore_mem>>, %arg16: memref<!tpu.dma_semaphore, #tpu.memory_space<semaphore_mem>>, %arg17: memref<!tpu.dma_semaphore, #tpu.memory_space<semaphore_mem>>) attributes {dimension_semantics = [#tpu.dimension_semantics<core_parallel>, #tpu.dimension_semantics<subcore_parallel>], iteration_bounds = array<i64: 2, 16>, scalar_prefetch = 0 : i64, scratch_operands = 13 : i64, tpu.core_type = #tpu.core_type<sc_vector_subcore>, window_params = [{transform_indices = #map}, {transform_indices = #map1}, {transform_indices = #map}]} {
    %scan3A = arith.constant 0 : i32
    %scan3A_0 = arith.constant 0 : i32
    %scan3A_1 = arith.constant 128 : i32
    %scan3A_2 = arith.addi %scan3A_0, %scan3A_1 : i32
    %scan3A_3 = arith.constant 1 : i32
    scf.for %scan3A_99 = %scan3A_0 to %scan3A_2 step %scan3A_3  : i32 {
      %broadcast_in_dim3A = arith.constant 0.000000e+00 : f32
      %broadcast_in_dim3A_100 = vector.broadcast %broadcast_in_dim3A : f32 to vector<16xf32>
      %swap3A = arith.index_cast %scan3A_99 : i32 to index
      %swap3A_101 = arith.constant 0 : index
      %swap3A_102 = tpu.vector_load %arg8[%swap3A, %swap3A_101] {strides = array<i32>} : memref<128x128xf32, #tpu.memory_space<vmem>>, vector<1x16xf32>,
      %swap3A_103 = vector.shape_cast %swap3A_102 : vector<1x16xf32> to vector<16xf32>
      %swap3A_104 = vector.shape_cast %broadcast_in_dim3A_100 : vector<16xf32> to vector<1x16xf32>
      tpu.vector_store %arg8[%swap3A, %swap3A_101], %swap3A_104 {strides = array<i32>} : memref<128x128xf32, #tpu.memory_space<vmem>>, vector<1x16xf32>,
      %broadcast_in_dim3A_105 = arith.constant 0.000000e+00 : f32
      %broadcast_in_dim3A_106 = vector.broadcast %broadcast_in_dim3A_105 : f32 to vector<16xf32>
      %swap3A_107 = arith.index_cast %scan3A_99 : i32 to index
      %swap3A_108 = arith.constant 16 : index
      %swap3A_109 = tpu.vector_load %arg8[%swap3A_107, %swap3A_108] {strides = array<i32>} : memref<128x128xf32, #tpu.memory_space<vmem>>, vector<1x16xf32>,
      %swap3A_110 = vector.shape_cast %swap3A_109 : vector<1x16xf32> to vector<16xf32>
      %swap3A_111 = vector.shape_cast %broadcast_in_dim3A_106 : vector<16xf32> to vector<1x16xf32>
      tpu.vector_store %arg8[%swap3A_107, %swap3A_108], %swap3A_111 {strides = array<i32>} : memref<128x128xf32, #tpu.memory_space<vmem>>, vector<1x16xf32>,
      %broadcast_in_dim3A_112 = arith.constant 0.000000e+00 : f32
      %broadcast_in_dim3A_113 = vector.broadcast %broadcast_in_dim3A_112 : f32 to vector<16xf32>
      %swap3A_114 = arith.index_cast %scan3A_99 : i32 to index
      %swap3A_115 = arith.constant 32 : index
      %swap3A_116 = tpu.vector_load %arg8[%swap3A_114, %swap3A_115] {strides = array<i32>} : memref<128x128xf32, #tpu.memory_space<vmem>>, vector<1x16xf32>,
      %swap3A_117 = vector.shape_cast %swap3A_116 : vector<1x16xf32> to vector<16xf32>
      %swap3A_118 = vector.shape_cast %broadcast_in_dim3A_113 : vector<16xf32> to vector<1x16xf32>
      tpu.vector_store %arg8[%swap3A_114, %swap3A_115], %swap3A_118 {strides = array<i32>} : memref<128x128xf32, #tpu.memory_space<vmem>>, vector<1x16xf32>,
      %broadcast_in_dim3A_119 = arith.constant 0.000000e+00 : f32
      %broadcast_in_dim3A_120 = vector.broadcast %broadcast_in_dim3A_119 : f32 to vector<16xf32>
      %swap3A_121 = arith.index_cast %scan3A_99 : i32 to index
      %swap3A_122 = arith.constant 48 : index
      %swap3A_123 = tpu.vector_load %arg8[%swap3A_121, %swap3A_122] {strides = array<i32>} : memref<128x128xf32, #tpu.memory_space<vmem>>, vector<1x16xf32>,
      %swap3A_124 = vector.shape_cast %swap3A_123 : vector<1x16xf32> to vector<16xf32>
      %swap3A_125 = vector.shape_cast %broadcast_in_dim3A_120 : vector<16xf32> to vector<1x16xf32>
      tpu.vector_store %arg8[%swap3A_121, %swap3A_122], %swap3A_125 {strides = array<i32>} : memref<128x128xf32, #tpu.memory_space<vmem>>, vector<1x16xf32>,
      %broadcast_in_dim3A_126 = arith.constant 0.000000e+00 : f32
      %broadcast_in_dim3A_127 = vector.broadcast %broadcast_in_dim3A_126 : f32 to vector<16xf32>
      %swap3A_128 = arith.index_cast %scan3A_99 : i32 to index
      %swap3A_129 = arith.constant 64 : index
      %swap3A_130 = tpu.vector_load %arg8[%swap3A_128, %swap3A_129] {strides = array<i32>} : memref<128x128xf32, #tpu.memory_space<vmem>>, vector<1x16xf32>,
      %swap3A_131 = vector.shape_cast %swap3A_130 : vector<1x16xf32> to vector<16xf32>
      %swap3A_132 = vector.shape_cast %broadcast_in_dim3A_127 : vector<16xf32> to vector<1x16xf32>
      tpu.vector_store %arg8[%swap3A_128, %swap3A_129], %swap3A_132 {strides = array<i32>} : memref<128x128xf32, #tpu.memory_space<vmem>>, vector<1x16xf32>,
      %broadcast_in_dim3A_133 = arith.constant 0.000000e+00 : f32
      %broadcast_in_dim3A_134 = vector.broadcast %broadcast_in_dim3A_133 : f32 to vector<16xf32>
      %swap3A_135 = arith.index_cast %scan3A_99 : i32 to index
      %swap3A_136 = arith.constant 80 : index
      %swap3A_137 = tpu.vector_load %arg8[%swap3A_135, %swap3A_136] {strides = array<i32>} : memref<128x128xf32, #tpu.memory_space<vmem>>, vector<1x16xf32>,
      %swap3A_138 = vector.shape_cast %swap3A_137 : vector<1x16xf32> to vector<16xf32>
      %swap3A_139 = vector.shape_cast %broadcast_in_dim3A_134 : vector<16xf32> to vector<1x16xf32>
      tpu.vector_store %arg8[%swap3A_135, %swap3A_136], %swap3A_139 {strides = array<i32>} : memref<128x128xf32, #tpu.memory_space<vmem>>, vector<1x16xf32>,
      %broadcast_in_dim3A_140 = arith.constant 0.000000e+00 : f32
      %broadcast_in_dim3A_141 = vector.broadcast %broadcast_in_dim3A_140 : f32 to vector<16xf32>
      %swap3A_142 = arith.index_cast %scan3A_99 : i32 to index
      %swap3A_143 = arith.constant 96 : index
      %swap3A_144 = tpu.vector_load %arg8[%swap3A_142, %swap3A_143] {strides = array<i32>} : memref<128x128xf32, #tpu.memory_space<vmem>>, vector<1x16xf32>,
      %swap3A_145 = vector.shape_cast %swap3A_144 : vector<1x16xf32> to vector<16xf32>
      %swap3A_146 = vector.shape_cast %broadcast_in_dim3A_141 : vector<16xf32> to vector<1x16xf32>
      tpu.vector_store %arg8[%swap3A_142, %swap3A_143], %swap3A_146 {strides = array<i32>} : memref<128x128xf32, #tpu.memory_space<vmem>>, vector<1x16xf32>,
      %broadcast_in_dim3A_147 = arith.constant 0.000000e+00 : f32
      %broadcast_in_dim3A_148 = vector.broadcast %broadcast_in_dim3A_147 : f32 to vector<16xf32>
      %swap3A_149 = arith.index_cast %scan3A_99 : i32 to index
      %swap3A_150 = arith.constant 112 : index
      %swap3A_151 = tpu.vector_load %arg8[%swap3A_149, %swap3A_150] {strides = array<i32>} : memref<128x128xf32, #tpu.memory_space<vmem>>, vector<1x16xf32>,
      %swap3A_152 = vector.shape_cast %swap3A_151 : vector<1x16xf32> to vector<16xf32>
      %swap3A_153 = vector.shape_cast %broadcast_in_dim3A_148 : vector<16xf32> to vector<1x16xf32>
      tpu.vector_store %arg8[%swap3A_149, %swap3A_150], %swap3A_153 {strides = array<i32>} : memref<128x128xf32, #tpu.memory_space<vmem>>, vector<1x16xf32>,
    }
    %scan3A_4 = arith.constant 128 : i32
    %mul3A = arith.constant 632 : i32
    %mul3A_5 = arith.muli %arg1, %mul3A : i32
    %add3A = arith.constant 0 : i32
    %add3A_6 = arith.addi %mul3A_5, %add3A : i32
    "tpu.region"() ({
      %run_scoped3A = tpu.sem_alloc : memref<!tpu.dma_semaphore, #tpu.memory_space<semaphore_mem>>
      %dma_start3A_99 = arith.constant 0 : i32
      %dma_start3A_100 = tpu.memref_slice %arg11[%add3A_6, %dma_start3A_99] : memref<10112x128xf32, #tpu.memory_space<vmem_shared>> -> memref<128x128xf32, #tpu.memory_space<vmem_shared>>
      %dma_start3A_101 = arith.constant 0 : i32
      %dma_start3A_102 = tpu.memref_slice %arg11[%add3A_6, %dma_start3A_101] : memref<10112x128xf32, #tpu.memory_space<vmem_shared>> -> memref<128x128xf32, #tpu.memory_space<vmem_shared>>
      tpu.enqueue_dma source(%arg8 : memref<128x128xf32, #tpu.memory_space<vmem>>) target(%dma_start3A_102 : memref<128x128xf32, #tpu.memory_space<vmem_shared>>) target_semaphore(%run_scoped3A : memref<!tpu.dma_semaphore, #tpu.memory_space<semaphore_mem>>)
      %dma_wait3A_103 = arith.constant 0 : i32
      %dma_wait3A_104 = tpu.memref_slice %arg11[%add3A_6, %dma_wait3A_103] : memref<10112x128xf32, #tpu.memory_space<vmem_shared>> -> memref<128x128xf32, #tpu.memory_space<vmem_shared>>
      %dma_wait3A_105 = arith.constant 0 : i32
      %dma_wait3A_106 = tpu.memref_slice %arg11[%add3A_6, %dma_wait3A_105] : memref<10112x128xf32, #tpu.memory_space<vmem_shared>> -> memref<128x128xf32, #tpu.memory_space<vmem_shared>>
      tpu.wait_dma2 semaphore(%run_scoped3A : memref<!tpu.dma_semaphore, #tpu.memory_space<semaphore_mem>>) src(%arg8 : memref<128x128xf32, #tpu.memory_space<vmem>>) dst(%dma_wait3A_106 : memref<128x128xf32, #tpu.memory_space<vmem_shared>>)
      tpu.yield
    }) : () -> ()
    %mul3A_7 = arith.constant 632 : i32
    %mul3A_8 = arith.muli %arg1, %mul3A_7 : i32
    %add3A_9 = arith.constant 128 : i32
    %add3A_10 = arith.addi %mul3A_8, %add3A_9 : i32
    "tpu.region"() ({
      %run_scoped3A = tpu.sem_alloc : memref<!tpu.dma_semaphore, #tpu.memory_space<semaphore_mem>>
      %dma_start3A_99 = arith.constant 0 : i32
      %dma_start3A_100 = tpu.memref_slice %arg11[%add3A_10, %dma_start3A_99] : memref<10112x128xf32, #tpu.memory_space<vmem_shared>> -> memref<128x128xf32, #tpu.memory_space<vmem_shared>>
      %dma_start3A_101 = arith.constant 0 : i32
      %dma_start3A_102 = tpu.memref_slice %arg11[%add3A_10, %dma_start3A_101] : memref<10112x128xf32, #tpu.memory_space<vmem_shared>> -> memref<128x128xf32, #tpu.memory_space<vmem_shared>>
      tpu.enqueue_dma source(%arg8 : memref<128x128xf32, #tpu.memory_space<vmem>>) target(%dma_start3A_102 : memref<128x128xf32, #tpu.memory_space<vmem_shared>>) target_semaphore(%run_scoped3A : memref<!tpu.dma_semaphore, #tpu.memory_space<semaphore_mem>>)
      %dma_wait3A_103 = arith.constant 0 : i32
      %dma_wait3A_104 = tpu.memref_slice %arg11[%add3A_10, %dma_wait3A_103] : memref<10112x128xf32, #tpu.memory_space<vmem_shared>> -> memref<128x128xf32, #tpu.memory_space<vmem_shared>>
      %dma_wait3A_105 = arith.constant 0 : i32
      %dma_wait3A_106 = tpu.memref_slice %arg11[%add3A_10, %dma_wait3A_105] : memref<10112x128xf32, #tpu.memory_space<vmem_shared>> -> memref<128x128xf32, #tpu.memory_space<vmem_shared>>
      tpu.wait_dma2 semaphore(%run_scoped3A : memref<!tpu.dma_semaphore, #tpu.memory_space<semaphore_mem>>) src(%arg8 : memref<128x128xf32, #tpu.memory_space<vmem>>) dst(%dma_wait3A_106 : memref<128x128xf32, #tpu.memory_space<vmem_shared>>)
      tpu.yield
    }) : () -> ()
    %mul3A_11 = arith.constant 632 : i32
    %mul3A_12 = arith.muli %arg1, %mul3A_11 : i32
    %add3A_13 = arith.constant 256 : i32
    %add3A_14 = arith.addi %mul3A_12, %add3A_13 : i32
    "tpu.region"() ({
      %run_scoped3A = tpu.sem_alloc : memref<!tpu.dma_semaphore, #tpu.memory_space<semaphore_mem>>
      %dma_start3A_99 = arith.constant 0 : i32
      %dma_start3A_100 = tpu.memref_slice %arg11[%add3A_14, %dma_start3A_99] : memref<10112x128xf32, #tpu.memory_space<vmem_shared>> -> memref<128x128xf32, #tpu.memory_space<vmem_shared>>
      %dma_start3A_101 = arith.constant 0 : i32
      %dma_start3A_102 = tpu.memref_slice %arg11[%add3A_14, %dma_start3A_101] : memref<10112x128xf32, #tpu.memory_space<vmem_shared>> -> memref<128x128xf32, #tpu.memory_space<vmem_shared>>
      tpu.enqueue_dma source(%arg8 : memref<128x128xf32, #tpu.memory_space<vmem>>) target(%dma_start3A_102 : memref<128x128xf32, #tpu.memory_space<vmem_shared>>) target_semaphore(%run_scoped3A : memref<!tpu.dma_semaphore, #tpu.memory_space<semaphore_mem>>)
      %dma_wait3A_103 = arith.constant 0 : i32
      %dma_wait3A_104 = tpu.memref_slice %arg11[%add3A_14, %dma_wait3A_103] : memref<10112x128xf32, #tpu.memory_space<vmem_shared>> -> memref<128x128xf32, #tpu.memory_space<vmem_shared>>
      %dma_wait3A_105 = arith.constant 0 : i32
      %dma_wait3A_106 = tpu.memref_slice %arg11[%add3A_14, %dma_wait3A_105] : memref<10112x128xf32, #tpu.memory_space<vmem_shared>> -> memref<128x128xf32, #tpu.memory_space<vmem_shared>>
      tpu.wait_dma2 semaphore(%run_scoped3A : memref<!tpu.dma_semaphore, #tpu.memory_space<semaphore_mem>>) src(%arg8 : memref<128x128xf32, #tpu.memory_space<vmem>>) dst(%dma_wait3A_106 : memref<128x128xf32, #tpu.memory_space<vmem_shared>>)
      tpu.yield
    }) : () -> ()
    %mul3A_15 = arith.constant 632 : i32
    %mul3A_16 = arith.muli %arg1, %mul3A_15 : i32
    %add3A_17 = arith.constant 384 : i32
    %add3A_18 = arith.addi %mul3A_16, %add3A_17 : i32
    "tpu.region"() ({
      %run_scoped3A = tpu.sem_alloc : memref<!tpu.dma_semaphore, #tpu.memory_space<semaphore_mem>>
      %dma_start3A_99 = arith.constant 0 : i32
      %dma_start3A_100 = tpu.memref_slice %arg11[%add3A_18, %dma_start3A_99] : memref<10112x128xf32, #tpu.memory_space<vmem_shared>> -> memref<128x128xf32, #tpu.memory_space<vmem_shared>>
      %dma_start3A_101 = arith.constant 0 : i32
      %dma_start3A_102 = tpu.memref_slice %arg11[%add3A_18, %dma_start3A_101] : memref<10112x128xf32, #tpu.memory_space<vmem_shared>> -> memref<128x128xf32, #tpu.memory_space<vmem_shared>>
      tpu.enqueue_dma source(%arg8 : memref<128x128xf32, #tpu.memory_space<vmem>>) target(%dma_start3A_102 : memref<128x128xf32, #tpu.memory_space<vmem_shared>>) target_semaphore(%run_scoped3A : memref<!tpu.dma_semaphore, #tpu.memory_space<semaphore_mem>>)
      %dma_wait3A_103 = arith.constant 0 : i32
      %dma_wait3A_104 = tpu.memref_slice %arg11[%add3A_18, %dma_wait3A_103] : memref<10112x128xf32, #tpu.memory_space<vmem_shared>> -> memref<128x128xf32, #tpu.memory_space<vmem_shared>>
      %dma_wait3A_105 = arith.constant 0 : i32
      %dma_wait3A_106 = tpu.memref_slice %arg11[%add3A_18, %dma_wait3A_105] : memref<10112x128xf32, #tpu.memory_space<vmem_shared>> -> memref<128x128xf32, #tpu.memory_space<vmem_shared>>
      tpu.wait_dma2 semaphore(%run_scoped3A : memref<!tpu.dma_semaphore, #tpu.memory_space<semaphore_mem>>) src(%arg8 : memref<128x128xf32, #tpu.memory_space<vmem>>) dst(%dma_wait3A_106 : memref<128x128xf32, #tpu.memory_space<vmem_shared>>)
      tpu.yield
    }) : () -> ()
    %mul3A_19 = arith.constant 632 : i32
    %mul3A_20 = arith.muli %arg1, %mul3A_19 : i32
    %add3A_21 = arith.constant 512 : i32
    %add3A_22 = arith.addi %mul3A_20, %add3A_21 : i32
    "tpu.region"() ({
      %run_scoped3A = tpu.sem_alloc : memref<!tpu.dma_semaphore, #tpu.memory_space<semaphore_mem>>
      %dma_start3A_99 = arith.constant 0 : i32
      %dma_start3A_100 = arith.constant 0 : i32
      %dma_start3A_101 = tpu.memref_slice %arg8[%dma_start3A_99, %dma_start3A_100] : memref<128x128xf32, #tpu.memory_space<vmem>> -> memref<120x128xf32, #tpu.memory_space<vmem>>
      %dma_start3A_102 = arith.constant 0 : i32
      %dma_start3A_103 = tpu.memref_slice %arg11[%add3A_22, %dma_start3A_102] : memref<10112x128xf32, #tpu.memory_space<vmem_shared>> -> memref<120x128xf32, #tpu.memory_space<vmem_shared>>
      %dma_start3A_104 = arith.constant 0 : i32
      %dma_start3A_105 = tpu.memref_slice %arg11[%add3A_22, %dma_start3A_104] : memref<10112x128xf32, #tpu.memory_space<vmem_shared>> -> memref<120x128xf32, #tpu.memory_space<vmem_shared>>
      %dma_start3A_106 = arith.constant 0 : i32
      %dma_start3A_107 = arith.constant 0 : i32
      %dma_start3A_108 = tpu.memref_slice %arg8[%dma_start3A_106, %dma_start3A_107] : memref<128x128xf32, #tpu.memory_space<vmem>> -> memref<120x128xf32, #tpu.memory_space<vmem>>
      tpu.enqueue_dma source(%dma_start3A_108 : memref<120x128xf32, #tpu.memory_space<vmem>>) target(%dma_start3A_105 : memref<120x128xf32, #tpu.memory_space<vmem_shared>>) target_semaphore(%run_scoped3A : memref<!tpu.dma_semaphore, #tpu.memory_space<semaphore_mem>>)
      %dma_wait3A_109 = arith.constant 0 : i32
      %dma_wait3A_110 = arith.constant 0 : i32
      %dma_wait3A_111 = tpu.memref_slice %arg8[%dma_wait3A_109, %dma_wait3A_110] : memref<128x128xf32, #tpu.memory_space<vmem>> -> memref<120x128xf32, #tpu.memory_space<vmem>>
      %dma_wait3A_112 = arith.constant 0 : i32
      %dma_wait3A_113 = tpu.memref_slice %arg11[%add3A_22, %dma_wait3A_112] : memref<10112x128xf32, #tpu.memory_space<vmem_shared>> -> memref<120x128xf32, #tpu.memory_space<vmem_shared>>
      %dma_wait3A_114 = arith.constant 0 : i32
      %dma_wait3A_115 = tpu.memref_slice %arg11[%add3A_22, %dma_wait3A_114] : memref<10112x128xf32, #tpu.memory_space<vmem_shared>> -> memref<120x128xf32, #tpu.memory_space<vmem_shared>>
      %dma_wait3A_116 = arith.constant 0 : i32
      %dma_wait3A_117 = arith.constant 0 : i32
      %dma_wait3A_118 = tpu.memref_slice %arg8[%dma_wait3A_116, %dma_wait3A_117] : memref<128x128xf32, #tpu.memory_space<vmem>> -> memref<120x128xf32, #tpu.memory_space<vmem>>
      tpu.wait_dma2 semaphore(%run_scoped3A : memref<!tpu.dma_semaphore, #tpu.memory_space<semaphore_mem>>) src(%dma_wait3A_118 : memref<120x128xf32, #tpu.memory_space<vmem>>) dst(%dma_wait3A_115 : memref<120x128xf32, #tpu.memory_space<vmem_shared>>)
      tpu.yield
    }) : () -> ()
    %barrier3A = arith.constant 0 : index
    tpu.barrier barrier_id(%barrier3A)
    %dma_start3A = arith.constant 0 : i32
    %dma_start3A_23 = arith.constant 0 : i32
    %dma_start3A_24 = arith.constant 0 : i32
    %dma_start3A_25 = tpu.memref_slice %arg3[%arg1, %dma_start3A, %dma_start3A_23, %dma_start3A_24] : memref<16x159x2x128xi32, #tpu.memory_space<hbm>> -> memref<1x1x2x128xi32, #tpu.memory_space<hbm>>
    %dma_start3A_26 = tpu.memref_squeeze %dma_start3A_25 : memref<1x1x2x128xi32, #tpu.memory_space<hbm>> -> memref<2x128xi32, #tpu.memory_space<hbm>>
    %dma_start3A_27 = arith.constant 0 : i32
    %dma_start3A_28 = arith.constant 0 : i32
    %dma_start3A_29 = tpu.memref_slice %arg3[%arg1, %dma_start3A, %dma_start3A_27, %dma_start3A_28] : memref<16x159x2x128xi32, #tpu.memory_space<hbm>> -> memref<1x1x2x128xi32, #tpu.memory_space<hbm>>
    %dma_start3A_30 = tpu.memref_squeeze %dma_start3A_29 : memref<1x1x2x128xi32, #tpu.memory_space<hbm>> -> memref<2x128xi32, #tpu.memory_space<hbm>>
    tpu.enqueue_dma source(%dma_start3A_30 : memref<2x128xi32, #tpu.memory_space<hbm>>) target(%arg5 : memref<2x128xi32, #tpu.memory_space<vmem>>) target_semaphore(%arg12 : memref<!tpu.dma_semaphore, #tpu.memory_space<semaphore_mem>>)
    %dma_start3A_31 = arith.constant 1 : i32
    %dma_start3A_32 = arith.constant 0 : i32
    %dma_start3A_33 = arith.constant 0 : i32
    %dma_start3A_34 = tpu.memref_slice %arg3[%arg1, %dma_start3A_31, %dma_start3A_32, %dma_start3A_33] : memref<16x159x2x128xi32, #tpu.memory_space<hbm>> -> memref<1x1x2x128xi32, #tpu.memory_space<hbm>>
    %dma_start3A_35 = tpu.memref_squeeze %dma_start3A_34 : memref<1x1x2x128xi32, #tpu.memory_space<hbm>> -> memref<2x128xi32, #tpu.memory_space<hbm>>
    %dma_start3A_36 = arith.constant 0 : i32
    %dma_start3A_37 = arith.constant 0 : i32
    %dma_start3A_38 = tpu.memref_slice %arg3[%arg1, %dma_start3A_31, %dma_start3A_36, %dma_start3A_37] : memref<16x159x2x128xi32, #tpu.memory_space<hbm>> -> memref<1x1x2x128xi32, #tpu.memory_space<hbm>>
    %dma_start3A_39 = tpu.memref_squeeze %dma_start3A_38 : memref<1x1x2x128xi32, #tpu.memory_space<hbm>> -> memref<2x128xi32, #tpu.memory_space<hbm>>
    tpu.enqueue_dma source(%dma_start3A_39 : memref<2x128xi32, #tpu.memory_space<hbm>>) target(%arg6 : memref<2x128xi32, #tpu.memory_space<vmem>>) target_semaphore(%arg13 : memref<!tpu.dma_semaphore, #tpu.memory_space<semaphore_mem>>)
    %dma_start3A_40 = arith.constant 2 : i32
    %dma_start3A_41 = arith.constant 0 : i32
    %dma_start3A_42 = arith.constant 0 : i32
    %dma_start3A_43 = tpu.memref_slice %arg3[%arg1, %dma_start3A_40, %dma_start3A_41, %dma_start3A_42] : memref<16x159x2x128xi32, #tpu.memory_space<hbm>> -> memref<1x1x2x128xi32, #tpu.memory_space<hbm>>
    %dma_start3A_44 = tpu.memref_squeeze %dma_start3A_43 : memref<1x1x2x128xi32, #tpu.memory_space<hbm>> -> memref<2x128xi32, #tpu.memory_space<hbm>>
    %dma_start3A_45 = arith.constant 0 : i32
    %dma_start3A_46 = arith.constant 0 : i32
    %dma_start3A_47 = tpu.memref_slice %arg3[%arg1, %dma_start3A_40, %dma_start3A_45, %dma_start3A_46] : memref<16x159x2x128xi32, #tpu.memory_space<hbm>> -> memref<1x1x2x128xi32, #tpu.memory_space<hbm>>
    %dma_start3A_48 = tpu.memref_squeeze %dma_start3A_47 : memref<1x1x2x128xi32, #tpu.memory_space<hbm>> -> memref<2x128xi32, #tpu.memory_space<hbm>>
    tpu.enqueue_dma source(%dma_start3A_48 : memref<2x128xi32, #tpu.memory_space<hbm>>) target(%arg7 : memref<2x128xi32, #tpu.memory_space<vmem>>) target_semaphore(%arg14 : memref<!tpu.dma_semaphore, #tpu.memory_space<semaphore_mem>>)
    %dma_wait3A = arith.constant 0 : i32
    %dma_wait3A_49 = arith.constant 0 : i32
    %dma_wait3A_50 = arith.constant 0 : i32
    %dma_wait3A_51 = tpu.memref_slice %arg3[%arg1, %dma_wait3A, %dma_wait3A_49, %dma_wait3A_50] : memref<16x159x2x128xi32, #tpu.memory_space<hbm>> -> memref<1x1x2x128xi32, #tpu.memory_space<hbm>>
    %dma_wait3A_52 = tpu.memref_squeeze %dma_wait3A_51 : memref<1x1x2x128xi32, #tpu.memory_space<hbm>> -> memref<2x128xi32, #tpu.memory_space<hbm>>
    %dma_wait3A_53 = arith.constant 0 : i32
    %dma_wait3A_54 = arith.constant 0 : i32
    %dma_wait3A_55 = tpu.memref_slice %arg3[%arg1, %dma_wait3A, %dma_wait3A_53, %dma_wait3A_54] : memref<16x159x2x128xi32, #tpu.memory_space<hbm>> -> memref<1x1x2x128xi32, #tpu.memory_space<hbm>>
    %dma_wait3A_56 = tpu.memref_squeeze %dma_wait3A_55 : memref<1x1x2x128xi32, #tpu.memory_space<hbm>> -> memref<2x128xi32, #tpu.memory_space<hbm>>
    tpu.wait_dma2 semaphore(%arg12 : memref<!tpu.dma_semaphore, #tpu.memory_space<semaphore_mem>>) src(%dma_wait3A_56 : memref<2x128xi32, #tpu.memory_space<hbm>>) dst(%arg5 : memref<2x128xi32, #tpu.memory_space<vmem>>)
    %dma_start3A_57 = arith.constant 0 : i32
    %dma_start3A_58 = arith.constant 0 : i32
    %dma_start3A_59 = tpu.memref_slice %arg5[%dma_start3A_57, %dma_start3A_58] : memref<2x128xi32, #tpu.memory_space<vmem>> -> memref<1x128xi32, #tpu.memory_space<vmem>>
    %dma_start3A_60 = tpu.memref_squeeze %dma_start3A_59 : memref<1x128xi32, #tpu.memory_space<vmem>> -> memref<128xi32, #tpu.memory_space<vmem>>
    %dma_start3A_61 = arith.constant 0 : i32
    %dma_start3A_62 = arith.constant 0 : i32
    %dma_start3A_63 = tpu.memref_slice %arg2[%arg0, %dma_start3A_61, %dma_start3A_62] : memref<2x10000x128xf32, #tpu.memory_space<hbm>> -> memref<1x10000x128xf32, #tpu.memory_space<hbm>>
    %dma_start3A_64 = tpu.memref_squeeze %dma_start3A_63 : memref<1x10000x128xf32, #tpu.memory_space<hbm>> -> memref<10000x128xf32, #tpu.memory_space<hbm>>
    %dma_start3A_65 = arith.constant 0 : i32
    %dma_start3A_66 = arith.constant 0 : i32
    %dma_start3A_67 = tpu.memref_slice %dma_start3A_64[%dma_start3A_65, %dma_start3A_66] : memref<10000x128xf32, #tpu.memory_space<hbm>> -> memref<10000x128xf32, #tpu.memory_space<hbm>>
    tpu.enqueue_indirect_dma source(%dma_start3A_67 : memref<10000x128xf32, #tpu.memory_space<hbm>>) target(%arg8 : memref<128x128xf32, #tpu.memory_space<vmem>>) offsets(%dma_start3A_60 : memref<128xi32, #tpu.memory_space<vmem>>) semaphore(%arg15 : memref<!tpu.dma_semaphore, #tpu.memory_space<semaphore_mem>>)
    %dma_wait3A_68 = arith.constant 0 : i32
    %dma_wait3A_69 = arith.constant 0 : i32
    %dma_wait3A_70 = arith.constant 0 : i32
    %dma_wait3A_71 = tpu.memref_slice %arg3[%arg1, %dma_wait3A_68, %dma_wait3A_69, %dma_wait3A_70] : memref<16x159x2x128xi32, #tpu.memory_space<hbm>> -> memref<1x1x2x128xi32, #tpu.memory_space<hbm>>
    %dma_wait3A_72 = tpu.memref_squeeze %dma_wait3A_71 : memref<1x1x2x128xi32, #tpu.memory_space<hbm>> -> memref<2x128xi32, #tpu.memory_space<hbm>>
    %dma_wait3A_73 = arith.constant 0 : i32
    %dma_wait3A_74 = arith.constant 0 : i32
    %dma_wait3A_75 = tpu.memref_slice %arg3[%arg1, %dma_wait3A_68, %dma_wait3A_73, %dma_wait3A_74] : memref<16x159x2x128xi32, #tpu.memory_space<hbm>> -> memref<1x1x2x128xi32, #tpu.memory_space<hbm>>
    %dma_wait3A_76 = tpu.memref_squeeze %dma_wait3A_75 : memref<1x1x2x128xi32, #tpu.memory_space<hbm>> -> memref<2x128xi32, #tpu.memory_space<hbm>>
    tpu.wait_dma2 semaphore(%arg13 : memref<!tpu.dma_semaphore, #tpu.memory_space<semaphore_mem>>) src(%dma_wait3A_76 : memref<2x128xi32, #tpu.memory_space<hbm>>) dst(%arg6 : memref<2x128xi32, #tpu.memory_space<vmem>>)
    %dma_start3A_77 = arith.constant 0 : i32
    %dma_start3A_78 = arith.constant 0 : i32
    %dma_start3A_79 = tpu.memref_slice %arg6[%dma_start3A_77, %dma_start3A_78] : memref<2x128xi32, #tpu.memory_space<vmem>> -> memref<1x128xi32, #tpu.memory_space<vmem>>
    %dma_start3A_80 = tpu.memref_squeeze %dma_start3A_79 : memref<1x128xi32, #tpu.memory_space<vmem>> -> memref<128xi32, #tpu.memory_space<vmem>>
    %dma_start3A_81 = arith.constant 0 : i32
    %dma_start3A_82 = arith.constant 0 : i32
    %dma_start3A_83 = tpu.memref_slice %arg2[%arg0, %dma_start3A_81, %dma_start3A_82] : memref<2x10000x128xf32, #tpu.memory_space<hbm>> -> memref<1x10000x128xf32, #tpu.memory_space<hbm>>
    %dma_start3A_84 = tpu.memref_squeeze %dma_start3A_83 : memref<1x10000x128xf32, #tpu.memory_space<hbm>> -> memref<10000x128xf32, #tpu.memory_space<hbm>>
    %dma_start3A_85 = arith.constant 0 : i32
    %dma_start3A_86 = arith.constant 0 : i32
    %dma_start3A_87 = tpu.memref_slice %dma_start3A_84[%dma_start3A_85, %dma_start3A_86] : memref<10000x128xf32, #tpu.memory_space<hbm>> -> memref<10000x128xf32, #tpu.memory_space<hbm>>
    tpu.enqueue_indirect_dma source(%dma_start3A_87 : memref<10000x128xf32, #tpu.memory_space<hbm>>) target(%arg9 : memref<128x128xf32, #tpu.memory_space<vmem>>) offsets(%dma_start3A_80 : memref<128xi32, #tpu.memory_space<vmem>>) semaphore(%arg16 : memref<!tpu.dma_semaphore, #tpu.memory_space<semaphore_mem>>)
    %scan3A_88 = arith.constant 0 : i32
    %scan3A_89 = arith.constant 0 : i32
    %scan3A_90 = arith.constant 53 : i32
    %scan3A_91 = arith.addi %scan3A_89, %scan3A_90 : i32
    %scan3A_92 = arith.constant 1 : i32
    scf.for %scan3A_99 = %scan3A_89 to %scan3A_91 step %scan3A_92  : i32 {
      %mul3A_100 = arith.constant 3 : i32
      %mul3A_101 = arith.muli %scan3A_99, %mul3A_100 : i32
      %add3A_102 = arith.constant 0 : i32
      %add3A_103 = arith.addi %mul3A_101, %add3A_102 : i32
      %dma_wait3A_104 = arith.constant 0 : i32
      %dma_wait3A_105 = arith.constant 0 : i32
      %dma_wait3A_106 = tpu.memref_slice %arg5[%dma_wait3A_104, %dma_wait3A_105] : memref<2x128xi32, #tpu.memory_space<vmem>> -> memref<1x128xi32, #tpu.memory_space<vmem>>
      %dma_wait3A_107 = tpu.memref_squeeze %dma_wait3A_106 : memref<1x128xi32, #tpu.memory_space<vmem>> -> memref<128xi32, #tpu.memory_space<vmem>>
      %dma_wait3A_108 = arith.constant 0 : i32
      %dma_wait3A_109 = arith.constant 0 : i32
      %dma_wait3A_110 = tpu.memref_slice %arg2[%arg0, %dma_wait3A_108, %dma_wait3A_109] : memref<2x10000x128xf32, #tpu.memory_space<hbm>> -> memref<1x10000x128xf32, #tpu.memory_space<hbm>>
      %dma_wait3A_111 = tpu.memref_squeeze %dma_wait3A_110 : memref<1x10000x128xf32, #tpu.memory_space<hbm>> -> memref<10000x128xf32, #tpu.memory_space<hbm>>
      %dma_wait3A_112 = arith.constant 0 : i32
      %dma_wait3A_113 = arith.constant 0 : i32
      %dma_wait3A_114 = tpu.memref_slice %dma_wait3A_111[%dma_wait3A_112, %dma_wait3A_113] : memref<10000x128xf32, #tpu.memory_space<hbm>> -> memref<10000x128xf32, #tpu.memory_space<hbm>>
      tpu.wait_indirect_dma semaphore(%arg15 : memref<!tpu.dma_semaphore, #tpu.memory_space<semaphore_mem>>) src(%dma_wait3A_114 : memref<10000x128xf32, #tpu.memory_space<hbm>>) dst(%arg8 : memref<128x128xf32, #tpu.memory_space<vmem>>)
      %run_scoped3A = arith.constant 1 : i32
      "tpu.region"() ({
        %run_scoped3A_186 = tpu.sem_alloc : memref<!tpu.dma_semaphore, #tpu.memory_space<semaphore_mem>>
        %dma_start3A_187 = arith.constant 0 : i32
        %dma_start3A_188 = tpu.memref_slice %arg5[%run_scoped3A, %dma_start3A_187] : memref<2x128xi32, #tpu.memory_space<vmem>> -> memref<1x128xi32, #tpu.memory_space<vmem>>
        %dma_start3A_189 = tpu.memref_squeeze %dma_start3A_188 : memref<1x128xi32, #tpu.memory_space<vmem>> -> memref<128xi32, #tpu.memory_space<vmem>>
        %dma_start3A_190 = arith.constant 0 : i32
        %dma_start3A_191 = arith.constant 0 : i32
        %dma_start3A_192 = tpu.memref_slice %arg11[%dma_start3A_190, %dma_start3A_191] : memref<10112x128xf32, #tpu.memory_space<vmem_shared>> -> memref<10112x128xf32, #tpu.memory_space<vmem_shared>>
        tpu.enqueue_indirect_dma source(%arg8 : memref<128x128xf32, #tpu.memory_space<vmem>>) target(%dma_start3A_192 : memref<10112x128xf32, #tpu.memory_space<vmem_shared>>) offsets(%dma_start3A_189 : memref<128xi32, #tpu.memory_space<vmem>>) semaphore(%run_scoped3A_186 : memref<!tpu.dma_semaphore, #tpu.memory_space<semaphore_mem>>) {add = true}
        %dma_wait3A_193 = arith.constant 0 : i32
        %dma_wait3A_194 = tpu.memref_slice %arg5[%run_scoped3A, %dma_wait3A_193] : memref<2x128xi32, #tpu.memory_space<vmem>> -> memref<1x128xi32, #tpu.memory_space<vmem>>
        %dma_wait3A_195 = tpu.memref_squeeze %dma_wait3A_194 : memref<1x128xi32, #tpu.memory_space<vmem>> -> memref<128xi32, #tpu.memory_space<vmem>>
        %dma_wait3A_196 = arith.constant 0 : i32
        %dma_wait3A_197 = arith.constant 0 : i32
        %dma_wait3A_198 = tpu.memref_slice %arg11[%dma_wait3A_196, %dma_wait3A_197] : memref<10112x128xf32, #tpu.memory_space<vmem_shared>> -> memref<10112x128xf32, #tpu.memory_space<vmem_shared>>
        tpu.wait_indirect_dma semaphore(%run_scoped3A_186 : memref<!tpu.dma_semaphore, #tpu.memory_space<semaphore_mem>>) src(%arg8 : memref<128x128xf32, #tpu.memory_space<vmem>>) dst(%dma_wait3A_198 : memref<10112x128xf32, #tpu.memory_space<vmem_shared>>)
        tpu.yield
      }) : () -> ()
      %add3A_115 = arith.constant 3 : i32
      %add3A_116 = arith.addi %add3A_103, %add3A_115 : i32
      %lt3A = arith.constant 159 : i32
      %lt3A_117 = arith.cmpi slt, %add3A_116, %lt3A : i32
      %convert_element_type3A = arith.extui %lt3A_117 : i1 to i32
      %cond3A = arith.constant 0 : i32
      %cond3A_118 = arith.cmpi ne, %convert_element_type3A, %cond3A : i32
      scf.if %cond3A_118 {
        %add3A_186 = arith.constant 3 : i32
        %add3A_187 = arith.addi %add3A_103, %add3A_186 : i32
        %dma_start3A_188 = arith.constant 0 : i32
        %dma_start3A_189 = arith.constant 0 : i32
        %dma_start3A_190 = tpu.memref_slice %arg3[%arg1, %add3A_187, %dma_start3A_188, %dma_start3A_189] : memref<16x159x2x128xi32, #tpu.memory_space<hbm>> -> memref<1x1x2x128xi32, #tpu.memory_space<hbm>>
        %dma_start3A_191 = tpu.memref_squeeze %dma_start3A_190 : memref<1x1x2x128xi32, #tpu.memory_space<hbm>> -> memref<2x128xi32, #tpu.memory_space<hbm>>
        %dma_start3A_192 = arith.constant 0 : i32
        %dma_start3A_193 = arith.constant 0 : i32
        %dma_start3A_194 = tpu.memref_slice %arg3[%arg1, %add3A_187, %dma_start3A_192, %dma_start3A_193] : memref<16x159x2x128xi32, #tpu.memory_space<hbm>> -> memref<1x1x2x128xi32, #tpu.memory_space<hbm>>
        %dma_start3A_195 = tpu.memref_squeeze %dma_start3A_194 : memref<1x1x2x128xi32, #tpu.memory_space<hbm>> -> memref<2x128xi32, #tpu.memory_space<hbm>>
        tpu.enqueue_dma source(%dma_start3A_195 : memref<2x128xi32, #tpu.memory_space<hbm>>) target(%arg5 : memref<2x128xi32, #tpu.memory_space<vmem>>) target_semaphore(%arg12 : memref<!tpu.dma_semaphore, #tpu.memory_space<semaphore_mem>>)
      } else {
      }
      %add3A_119 = arith.constant 2 : i32
      %add3A_120 = arith.addi %add3A_103, %add3A_119 : i32
      %lt3A_121 = arith.constant 159 : i32
      %lt3A_122 = arith.cmpi slt, %add3A_120, %lt3A_121 : i32
      %convert_element_type3A_123 = arith.extui %lt3A_122 : i1 to i32
      %cond3A_124 = arith.constant 0 : i32
      %cond3A_125 = arith.cmpi ne, %convert_element_type3A_123, %cond3A_124 : i32
      scf.if %cond3A_125 {
        %dma_wait3A_186 = arith.constant 0 : i32
        %dma_wait3A_187 = arith.constant 0 : i32
        %dma_wait3A_188 = arith.constant 0 : i32
        %dma_wait3A_189 = tpu.memref_slice %arg3[%arg1, %dma_wait3A_186, %dma_wait3A_187, %dma_wait3A_188] : memref<16x159x2x128xi32, #tpu.memory_space<hbm>> -> memref<1x1x2x128xi32, #tpu.memory_space<hbm>>
        %dma_wait3A_190 = tpu.memref_squeeze %dma_wait3A_189 : memref<1x1x2x128xi32, #tpu.memory_space<hbm>> -> memref<2x128xi32, #tpu.memory_space<hbm>>
        %dma_wait3A_191 = arith.constant 0 : i32
        %dma_wait3A_192 = arith.constant 0 : i32
        %dma_wait3A_193 = tpu.memref_slice %arg3[%arg1, %dma_wait3A_186, %dma_wait3A_191, %dma_wait3A_192] : memref<16x159x2x128xi32, #tpu.memory_space<hbm>> -> memref<1x1x2x128xi32, #tpu.memory_space<hbm>>
        %dma_wait3A_194 = tpu.memref_squeeze %dma_wait3A_193 : memref<1x1x2x128xi32, #tpu.memory_space<hbm>> -> memref<2x128xi32, #tpu.memory_space<hbm>>
        tpu.wait_dma2 semaphore(%arg14 : memref<!tpu.dma_semaphore, #tpu.memory_space<semaphore_mem>>) src(%dma_wait3A_194 : memref<2x128xi32, #tpu.memory_space<hbm>>) dst(%arg7 : memref<2x128xi32, #tpu.memory_space<vmem>>)
        %add3A_195 = arith.constant 2 : i32
        %add3A_196 = arith.addi %add3A_103, %add3A_195 : i32
        %dma_start3A_197 = arith.constant 0 : i32
        %dma_start3A_198 = arith.constant 0 : i32
        %dma_start3A_199 = tpu.memref_slice %arg7[%dma_start3A_197, %dma_start3A_198] : memref<2x128xi32, #tpu.memory_space<vmem>> -> memref<1x128xi32, #tpu.memory_space<vmem>>
        %dma_start3A_200 = tpu.memref_squeeze %dma_start3A_199 : memref<1x128xi32, #tpu.memory_space<vmem>> -> memref<128xi32, #tpu.memory_space<vmem>>
        %dma_start3A_201 = arith.constant 0 : i32
        %dma_start3A_202 = arith.constant 0 : i32
        %dma_start3A_203 = tpu.memref_slice %arg2[%arg0, %dma_start3A_201, %dma_start3A_202] : memref<2x10000x128xf32, #tpu.memory_space<hbm>> -> memref<1x10000x128xf32, #tpu.memory_space<hbm>>
        %dma_start3A_204 = tpu.memref_squeeze %dma_start3A_203 : memref<1x10000x128xf32, #tpu.memory_space<hbm>> -> memref<10000x128xf32, #tpu.memory_space<hbm>>
        %dma_start3A_205 = arith.constant 0 : i32
        %dma_start3A_206 = arith.constant 0 : i32
        %dma_start3A_207 = tpu.memref_slice %dma_start3A_204[%dma_start3A_205, %dma_start3A_206] : memref<10000x128xf32, #tpu.memory_space<hbm>> -> memref<10000x128xf32, #tpu.memory_space<hbm>>
        tpu.enqueue_indirect_dma source(%dma_start3A_207 : memref<10000x128xf32, #tpu.memory_space<hbm>>) target(%arg10 : memref<128x128xf32, #tpu.memory_space<vmem>>) offsets(%dma_start3A_200 : memref<128xi32, #tpu.memory_space<vmem>>) semaphore(%arg17 : memref<!tpu.dma_semaphore, #tpu.memory_space<semaphore_mem>>)
      } else {
      }
      %mul3A_126 = arith.constant 3 : i32
      %mul3A_127 = arith.muli %scan3A_99, %mul3A_126 : i32
      %add3A_128 = arith.constant 1 : i32
      %add3A_129 = arith.addi %mul3A_127, %add3A_128 : i32
      %dma_wait3A_130 = arith.constant 0 : i32
      %dma_wait3A_131 = arith.constant 0 : i32
      %dma_wait3A_132 = tpu.memref_slice %arg5[%dma_wait3A_130, %dma_wait3A_131] : memref<2x128xi32, #tpu.memory_space<vmem>> -> memref<1x128xi32, #tpu.memory_space<vmem>>
      %dma_wait3A_133 = tpu.memref_squeeze %dma_wait3A_132 : memref<1x128xi32, #tpu.memory_space<vmem>> -> memref<128xi32, #tpu.memory_space<vmem>>
      %dma_wait3A_134 = arith.constant 0 : i32
      %dma_wait3A_135 = arith.constant 0 : i32
      %dma_wait3A_136 = tpu.memref_slice %arg2[%arg0, %dma_wait3A_134, %dma_wait3A_135] : memref<2x10000x128xf32, #tpu.memory_space<hbm>> -> memref<1x10000x128xf32, #tpu.memory_space<hbm>>
      %dma_wait3A_137 = tpu.memref_squeeze %dma_wait3A_136 : memref<1x10000x128xf32, #tpu.memory_space<hbm>> -> memref<10000x128xf32, #tpu.memory_space<hbm>>
      %dma_wait3A_138 = arith.constant 0 : i32
      %dma_wait3A_139 = arith.constant 0 : i32
      %dma_wait3A_140 = tpu.memref_slice %dma_wait3A_137[%dma_wait3A_138, %dma_wait3A_139] : memref<10000x128xf32, #tpu.memory_space<hbm>> -> memref<10000x128xf32, #tpu.memory_space<hbm>>
      tpu.wait_indirect_dma semaphore(%arg16 : memref<!tpu.dma_semaphore, #tpu.memory_space<semaphore_mem>>) src(%dma_wait3A_140 : memref<10000x128xf32, #tpu.memory_space<hbm>>) dst(%arg9 : memref<128x128xf32, #tpu.memory_space<vmem>>)
      %run_scoped3A_141 = arith.constant 1 : i32
      "tpu.region"() ({
        %run_scoped3A_186 = tpu.sem_alloc : memref<!tpu.dma_semaphore, #tpu.memory_space<semaphore_mem>>
        %dma_start3A_187 = arith.constant 0 : i32
        %dma_start3A_188 = tpu.memref_slice %arg6[%run_scoped3A_141, %dma_start3A_187] : memref<2x128xi32, #tpu.memory_space<vmem>> -> memref<1x128xi32, #tpu.memory_space<vmem>>
        %dma_start3A_189 = tpu.memref_squeeze %dma_start3A_188 : memref<1x128xi32, #tpu.memory_space<vmem>> -> memref<128xi32, #tpu.memory_space<vmem>>
        %dma_start3A_190 = arith.constant 0 : i32
        %dma_start3A_191 = arith.constant 0 : i32
        %dma_start3A_192 = tpu.memref_slice %arg11[%dma_start3A_190, %dma_start3A_191] : memref<10112x128xf32, #tpu.memory_space<vmem_shared>> -> memref<10112x128xf32, #tpu.memory_space<vmem_shared>>
        tpu.enqueue_indirect_dma source(%arg9 : memref<128x128xf32, #tpu.memory_space<vmem>>) target(%dma_start3A_192 : memref<10112x128xf32, #tpu.memory_space<vmem_shared>>) offsets(%dma_start3A_189 : memref<128xi32, #tpu.memory_space<vmem>>) semaphore(%run_scoped3A_186 : memref<!tpu.dma_semaphore, #tpu.memory_space<semaphore_mem>>) {add = true}
        %dma_wait3A_193 = arith.constant 0 : i32
        %dma_wait3A_194 = tpu.memref_slice %arg6[%run_scoped3A_141, %dma_wait3A_193] : memref<2x128xi32, #tpu.memory_space<vmem>> -> memref<1x128xi32, #tpu.memory_space<vmem>>
        %dma_wait3A_195 = tpu.memref_squeeze %dma_wait3A_194 : memref<1x128xi32, #tpu.memory_space<vmem>> -> memref<128xi32, #tpu.memory_space<vmem>>
        %dma_wait3A_196 = arith.constant 0 : i32
        %dma_wait3A_197 = arith.constant 0 : i32
        %dma_wait3A_198 = tpu.memref_slice %arg11[%dma_wait3A_196, %dma_wait3A_197] : memref<10112x128xf32, #tpu.memory_space<vmem_shared>> -> memref<10112x128xf32, #tpu.memory_space<vmem_shared>>
        tpu.wait_indirect_dma semaphore(%run_scoped3A_186 : memref<!tpu.dma_semaphore, #tpu.memory_space<semaphore_mem>>) src(%arg9 : memref<128x128xf32, #tpu.memory_space<vmem>>) dst(%dma_wait3A_198 : memref<10112x128xf32, #tpu.memory_space<vmem_shared>>)
        tpu.yield
      }) : () -> ()
      %add3A_142 = arith.constant 3 : i32
      %add3A_143 = arith.addi %add3A_129, %add3A_142 : i32
      %lt3A_144 = arith.constant 159 : i32
      %lt3A_145 = arith.cmpi slt, %add3A_143, %lt3A_144 : i32
      %convert_element_type3A_146 = arith.extui %lt3A_145 : i1 to i32
      %cond3A_147 = arith.constant 0 : i32
      %cond3A_148 = arith.cmpi ne, %convert_element_type3A_146, %cond3A_147 : i32
      scf.if %cond3A_148 {
        %add3A_186 = arith.constant 3 : i32
        %add3A_187 = arith.addi %add3A_129, %add3A_186 : i32
        %dma_start3A_188 = arith.constant 0 : i32
        %dma_start3A_189 = arith.constant 0 : i32
        %dma_start3A_190 = tpu.memref_slice %arg3[%arg1, %add3A_187, %dma_start3A_188, %dma_start3A_189] : memref<16x159x2x128xi32, #tpu.memory_space<hbm>> -> memref<1x1x2x128xi32, #tpu.memory_space<hbm>>
        %dma_start3A_191 = tpu.memref_squeeze %dma_start3A_190 : memref<1x1x2x128xi32, #tpu.memory_space<hbm>> -> memref<2x128xi32, #tpu.memory_space<hbm>>
        %dma_start3A_192 = arith.constant 0 : i32
        %dma_start3A_193 = arith.constant 0 : i32
        %dma_start3A_194 = tpu.memref_slice %arg3[%arg1, %add3A_187, %dma_start3A_192, %dma_start3A_193] : memref<16x159x2x128xi32, #tpu.memory_space<hbm>> -> memref<1x1x2x128xi32, #tpu.memory_space<hbm>>
        %dma_start3A_195 = tpu.memref_squeeze %dma_start3A_194 : memref<1x1x2x128xi32, #tpu.memory_space<hbm>> -> memref<2x128xi32, #tpu.memory_space<hbm>>
        tpu.enqueue_dma source(%dma_start3A_195 : memref<2x128xi32, #tpu.memory_space<hbm>>) target(%arg6 : memref<2x128xi32, #tpu.memory_space<vmem>>) target_semaphore(%arg13 : memref<!tpu.dma_semaphore, #tpu.memory_space<semaphore_mem>>)
      } else {
      }
      %add3A_149 = arith.constant 2 : i32
      %add3A_150 = arith.addi %add3A_129, %add3A_149 : i32
      %lt3A_151 = arith.constant 159 : i32
      %lt3A_152 = arith.cmpi slt, %add3A_150, %lt3A_151 : i32
      %convert_element_type3A_153 = arith.extui %lt3A_152 : i1 to i32
      %cond3A_154 = arith.constant 0 : i32
      %cond3A_155 = arith.cmpi ne, %convert_element_type3A_153, %cond3A_154 : i32
      scf.if %cond3A_155 {
        %dma_wait3A_186 = arith.constant 0 : i32
        %dma_wait3A_187 = arith.constant 0 : i32
        %dma_wait3A_188 = arith.constant 0 : i32
        %dma_wait3A_189 = tpu.memref_slice %arg3[%arg1, %dma_wait3A_186, %dma_wait3A_187, %dma_wait3A_188] : memref<16x159x2x128xi32, #tpu.memory_space<hbm>> -> memref<1x1x2x128xi32, #tpu.memory_space<hbm>>
        %dma_wait3A_190 = tpu.memref_squeeze %dma_wait3A_189 : memref<1x1x2x128xi32, #tpu.memory_space<hbm>> -> memref<2x128xi32, #tpu.memory_space<hbm>>
        %dma_wait3A_191 = arith.constant 0 : i32
        %dma_wait3A_192 = arith.constant 0 : i32
        %dma_wait3A_193 = tpu.memref_slice %arg3[%arg1, %dma_wait3A_186, %dma_wait3A_191, %dma_wait3A_192] : memref<16x159x2x128xi32, #tpu.memory_space<hbm>> -> memref<1x1x2x128xi32, #tpu.memory_space<hbm>>
        %dma_wait3A_194 = tpu.memref_squeeze %dma_wait3A_193 : memref<1x1x2x128xi32, #tpu.memory_space<hbm>> -> memref<2x128xi32, #tpu.memory_space<hbm>>
        tpu.wait_dma2 semaphore(%arg12 : memref<!tpu.dma_semaphore, #tpu.memory_space<semaphore_mem>>) src(%dma_wait3A_194 : memref<2x128xi32, #tpu.memory_space<hbm>>) dst(%arg5 : memref<2x128xi32, #tpu.memory_space<vmem>>)
        %add3A_195 = arith.constant 2 : i32
        %add3A_196 = arith.addi %add3A_129, %add3A_195 : i32
        %dma_start3A_197 = arith.constant 0 : i32
        %dma_start3A_198 = arith.constant 0 : i32
        %dma_start3A_199 = tpu.memref_slice %arg5[%dma_start3A_197, %dma_start3A_198] : memref<2x128xi32, #tpu.memory_space<vmem>> -> memref<1x128xi32, #tpu.memory_space<vmem>>
        %dma_start3A_200 = tpu.memref_squeeze %dma_start3A_199 : memref<1x128xi32, #tpu.memory_space<vmem>> -> memref<128xi32, #tpu.memory_space<vmem>>
        %dma_start3A_201 = arith.constant 0 : i32
        %dma_start3A_202 = arith.constant 0 : i32
        %dma_start3A_203 = tpu.memref_slice %arg2[%arg0, %dma_start3A_201, %dma_start3A_202] : memref<2x10000x128xf32, #tpu.memory_space<hbm>> -> memref<1x10000x128xf32, #tpu.memory_space<hbm>>
        %dma_start3A_204 = tpu.memref_squeeze %dma_start3A_203 : memref<1x10000x128xf32, #tpu.memory_space<hbm>> -> memref<10000x128xf32, #tpu.memory_space<hbm>>
        %dma_start3A_205 = arith.constant 0 : i32
        %dma_start3A_206 = arith.constant 0 : i32
        %dma_start3A_207 = tpu.memref_slice %dma_start3A_204[%dma_start3A_205, %dma_start3A_206] : memref<10000x128xf32, #tpu.memory_space<hbm>> -> memref<10000x128xf32, #tpu.memory_space<hbm>>
        tpu.enqueue_indirect_dma source(%dma_start3A_207 : memref<10000x128xf32, #tpu.memory_space<hbm>>) target(%arg8 : memref<128x128xf32, #tpu.memory_space<vmem>>) offsets(%dma_start3A_200 : memref<128xi32, #tpu.memory_space<vmem>>) semaphore(%arg15 : memref<!tpu.dma_semaphore, #tpu.memory_space<semaphore_mem>>)
      } else {
      }
      %mul3A_156 = arith.constant 3 : i32
      %mul3A_157 = arith.muli %scan3A_99, %mul3A_156 : i32
      %add3A_158 = arith.constant 2 : i32
      %add3A_159 = arith.addi %mul3A_157, %add3A_158 : i32
      %dma_wait3A_160 = arith.constant 0 : i32
      %dma_wait3A_161 = arith.constant 0 : i32
      %dma_wait3A_162 = tpu.memref_slice %arg5[%dma_wait3A_160, %dma_wait3A_161] : memref<2x128xi32, #tpu.memory_space<vmem>> -> memref<1x128xi32, #tpu.memory_space<vmem>>
      %dma_wait3A_163 = tpu.memref_squeeze %dma_wait3A_162 : memref<1x128xi32, #tpu.memory_space<vmem>> -> memref<128xi32, #tpu.memory_space<vmem>>
      %dma_wait3A_164 = arith.constant 0 : i32
      %dma_wait3A_165 = arith.constant 0 : i32
      %dma_wait3A_166 = tpu.memref_slice %arg2[%arg0, %dma_wait3A_164, %dma_wait3A_165] : memref<2x10000x128xf32, #tpu.memory_space<hbm>> -> memref<1x10000x128xf32, #tpu.memory_space<hbm>>
      %dma_wait3A_167 = tpu.memref_squeeze %dma_wait3A_166 : memref<1x10000x128xf32, #tpu.memory_space<hbm>> -> memref<10000x128xf32, #tpu.memory_space<hbm>>
      %dma_wait3A_168 = arith.constant 0 : i32
      %dma_wait3A_169 = arith.constant 0 : i32
      %dma_wait3A_170 = tpu.memref_slice %dma_wait3A_167[%dma_wait3A_168, %dma_wait3A_169] : memref<10000x128xf32, #tpu.memory_space<hbm>> -> memref<10000x128xf32, #tpu.memory_space<hbm>>
      tpu.wait_indirect_dma semaphore(%arg17 : memref<!tpu.dma_semaphore, #tpu.memory_space<semaphore_mem>>) src(%dma_wait3A_170 : memref<10000x128xf32, #tpu.memory_space<hbm>>) dst(%arg10 : memref<128x128xf32, #tpu.memory_space<vmem>>)
      %run_scoped3A_171 = arith.constant 1 : i32
      "tpu.region"() ({
        %run_scoped3A_186 = tpu.sem_alloc : memref<!tpu.dma_semaphore, #tpu.memory_space<semaphore_mem>>
        %dma_start3A_187 = arith.constant 0 : i32
        %dma_start3A_188 = tpu.memref_slice %arg7[%run_scoped3A_171, %dma_start3A_187] : memref<2x128xi32, #tpu.memory_space<vmem>> -> memref<1x128xi32, #tpu.memory_space<vmem>>
        %dma_start3A_189 = tpu.memref_squeeze %dma_start3A_188 : memref<1x128xi32, #tpu.memory_space<vmem>> -> memref<128xi32, #tpu.memory_space<vmem>>
        %dma_start3A_190 = arith.constant 0 : i32
        %dma_start3A_191 = arith.constant 0 : i32
        %dma_start3A_192 = tpu.memref_slice %arg11[%dma_start3A_190, %dma_start3A_191] : memref<10112x128xf32, #tpu.memory_space<vmem_shared>> -> memref<10112x128xf32, #tpu.memory_space<vmem_shared>>
        tpu.enqueue_indirect_dma source(%arg10 : memref<128x128xf32, #tpu.memory_space<vmem>>) target(%dma_start3A_192 : memref<10112x128xf32, #tpu.memory_space<vmem_shared>>) offsets(%dma_start3A_189 : memref<128xi32, #tpu.memory_space<vmem>>) semaphore(%run_scoped3A_186 : memref<!tpu.dma_semaphore, #tpu.memory_space<semaphore_mem>>) {add = true}
        %dma_wait3A_193 = arith.constant 0 : i32
        %dma_wait3A_194 = tpu.memref_slice %arg7[%run_scoped3A_171, %dma_wait3A_193] : memref<2x128xi32, #tpu.memory_space<vmem>> -> memref<1x128xi32, #tpu.memory_space<vmem>>
        %dma_wait3A_195 = tpu.memref_squeeze %dma_wait3A_194 : memref<1x128xi32, #tpu.memory_space<vmem>> -> memref<128xi32, #tpu.memory_space<vmem>>
        %dma_wait3A_196 = arith.constant 0 : i32
        %dma_wait3A_197 = arith.constant 0 : i32
        %dma_wait3A_198 = tpu.memref_slice %arg11[%dma_wait3A_196, %dma_wait3A_197] : memref<10112x128xf32, #tpu.memory_space<vmem_shared>> -> memref<10112x128xf32, #tpu.memory_space<vmem_shared>>
        tpu.wait_indirect_dma semaphore(%run_scoped3A_186 : memref<!tpu.dma_semaphore, #tpu.memory_space<semaphore_mem>>) src(%arg10 : memref<128x128xf32, #tpu.memory_space<vmem>>) dst(%dma_wait3A_198 : memref<10112x128xf32, #tpu.memory_space<vmem_shared>>)
        tpu.yield
      }) : () -> ()
      %add3A_172 = arith.constant 3 : i32
      %add3A_173 = arith.addi %add3A_159, %add3A_172 : i32
      %lt3A_174 = arith.constant 159 : i32
      %lt3A_175 = arith.cmpi slt, %add3A_173, %lt3A_174 : i32
      %convert_element_type3A_176 = arith.extui %lt3A_175 : i1 to i32
      %cond3A_177 = arith.constant 0 : i32
      %cond3A_178 = arith.cmpi ne, %convert_element_type3A_176, %cond3A_177 : i32
      scf.if %cond3A_178 {
        %add3A_186 = arith.constant 3 : i32
        %add3A_187 = arith.addi %add3A_159, %add3A_186 : i32
        %dma_start3A_188 = arith.constant 0 : i32
        %dma_start3A_189 = arith.constant 0 : i32
        %dma_start3A_190 = tpu.memref_slice %arg3[%arg1, %add3A_187, %dma_start3A_188, %dma_start3A_189] : memref<16x159x2x128xi32, #tpu.memory_space<hbm>> -> memref<1x1x2x128xi32, #tpu.memory_space<hbm>>
        %dma_start3A_191 = tpu.memref_squeeze %dma_start3A_190 : memref<1x1x2x128xi32, #tpu.memory_space<hbm>> -> memref<2x128xi32, #tpu.memory_space<hbm>>
        %dma_start3A_192 = arith.constant 0 : i32
        %dma_start3A_193 = arith.constant 0 : i32
        %dma_start3A_194 = tpu.memref_slice %arg3[%arg1, %add3A_187, %dma_start3A_192, %dma_start3A_193] : memref<16x159x2x128xi32, #tpu.memory_space<hbm>> -> memref<1x1x2x128xi32, #tpu.memory_space<hbm>>
        %dma_start3A_195 = tpu.memref_squeeze %dma_start3A_194 : memref<1x1x2x128xi32, #tpu.memory_space<hbm>> -> memref<2x128xi32, #tpu.memory_space<hbm>>
        tpu.enqueue_dma source(%dma_start3A_195 : memref<2x128xi32, #tpu.memory_space<hbm>>) target(%arg7 : memref<2x128xi32, #tpu.memory_space<vmem>>) target_semaphore(%arg14 : memref<!tpu.dma_semaphore, #tpu.memory_space<semaphore_mem>>)
      } else {
      }
      %add3A_179 = arith.constant 2 : i32
      %add3A_180 = arith.addi %add3A_159, %add3A_179 : i32
      %lt3A_181 = arith.constant 159 : i32
      %lt3A_182 = arith.cmpi slt, %add3A_180, %lt3A_181 : i32
      %convert_element_type3A_183 = arith.extui %lt3A_182 : i1 to i32
      %cond3A_184 = arith.constant 0 : i32
      %cond3A_185 = arith.cmpi ne, %convert_element_type3A_183, %cond3A_184 : i32
      scf.if %cond3A_185 {
        %dma_wait3A_186 = arith.constant 0 : i32
        %dma_wait3A_187 = arith.constant 0 : i32
        %dma_wait3A_188 = arith.constant 0 : i32
        %dma_wait3A_189 = tpu.memref_slice %arg3[%arg1, %dma_wait3A_186, %dma_wait3A_187, %dma_wait3A_188] : memref<16x159x2x128xi32, #tpu.memory_space<hbm>> -> memref<1x1x2x128xi32, #tpu.memory_space<hbm>>
        %dma_wait3A_190 = tpu.memref_squeeze %dma_wait3A_189 : memref<1x1x2x128xi32, #tpu.memory_space<hbm>> -> memref<2x128xi32, #tpu.memory_space<hbm>>
        %dma_wait3A_191 = arith.constant 0 : i32
        %dma_wait3A_192 = arith.constant 0 : i32
        %dma_wait3A_193 = tpu.memref_slice %arg3[%arg1, %dma_wait3A_186, %dma_wait3A_191, %dma_wait3A_192] : memref<16x159x2x128xi32, #tpu.memory_space<hbm>> -> memref<1x1x2x128xi32, #tpu.memory_space<hbm>>
        %dma_wait3A_194 = tpu.memref_squeeze %dma_wait3A_193 : memref<1x1x2x128xi32, #tpu.memory_space<hbm>> -> memref<2x128xi32, #tpu.memory_space<hbm>>
        tpu.wait_dma2 semaphore(%arg13 : memref<!tpu.dma_semaphore, #tpu.memory_space<semaphore_mem>>) src(%dma_wait3A_194 : memref<2x128xi32, #tpu.memory_space<hbm>>) dst(%arg6 : memref<2x128xi32, #tpu.memory_space<vmem>>)
        %add3A_195 = arith.constant 2 : i32
        %add3A_196 = arith.addi %add3A_159, %add3A_195 : i32
        %dma_start3A_197 = arith.constant 0 : i32
        %dma_start3A_198 = arith.constant 0 : i32
        %dma_start3A_199 = tpu.memref_slice %arg6[%dma_start3A_197, %dma_start3A_198] : memref<2x128xi32, #tpu.memory_space<vmem>> -> memref<1x128xi32, #tpu.memory_space<vmem>>
        %dma_start3A_200 = tpu.memref_squeeze %dma_start3A_199 : memref<1x128xi32, #tpu.memory_space<vmem>> -> memref<128xi32, #tpu.memory_space<vmem>>
        %dma_start3A_201 = arith.constant 0 : i32
        %dma_start3A_202 = arith.constant 0 : i32
        %dma_start3A_203 = tpu.memref_slice %arg2[%arg0, %dma_start3A_201, %dma_start3A_202] : memref<2x10000x128xf32, #tpu.memory_space<hbm>> -> memref<1x10000x128xf32, #tpu.memory_space<hbm>>
        %dma_start3A_204 = tpu.memref_squeeze %dma_start3A_203 : memref<1x10000x128xf32, #tpu.memory_space<hbm>> -> memref<10000x128xf32, #tpu.memory_space<hbm>>
        %dma_start3A_205 = arith.constant 0 : i32
        %dma_start3A_206 = arith.constant 0 : i32
        %dma_start3A_207 = tpu.memref_slice %dma_start3A_204[%dma_start3A_205, %dma_start3A_206] : memref<10000x128xf32, #tpu.memory_space<hbm>> -> memref<10000x128xf32, #tpu.memory_space<hbm>>
        tpu.enqueue_indirect_dma source(%dma_start3A_207 : memref<10000x128xf32, #tpu.memory_space<hbm>>) target(%arg9 : memref<128x128xf32, #tpu.memory_space<vmem>>) offsets(%dma_start3A_200 : memref<128xi32, #tpu.memory_space<vmem>>) semaphore(%arg16 : memref<!tpu.dma_semaphore, #tpu.memory_space<semaphore_mem>>)
      } else {
      }
    }
    %scan3A_93 = arith.constant 53 : i32
    %barrier3A_94 = arith.constant 0 : index
    tpu.barrier barrier_id(%barrier3A_94)
    %mul3A_95 = arith.constant 632 : i32
    %mul3A_96 = arith.muli %arg1, %mul3A_95 : i32
    %mul3A_97 = arith.constant 632 : i32
    %mul3A_98 = arith.muli %arg1, %mul3A_97 : i32
    "tpu.region"() ({
      %run_scoped3A = tpu.sem_alloc : memref<!tpu.dma_semaphore, #tpu.memory_space<semaphore_mem>>
      %dma_start3A_99 = arith.constant 0 : i32
      %dma_start3A_100 = arith.constant 0 : i32
      %dma_start3A_101 = tpu.memref_slice %arg4[%arg0, %dma_start3A_99, %dma_start3A_100] : memref<2x10112x128xf32, #tpu.memory_space<hbm>> -> memref<1x10112x128xf32, #tpu.memory_space<hbm>>
      %dma_start3A_102 = tpu.memref_squeeze %dma_start3A_101 : memref<1x10112x128xf32, #tpu.memory_space<hbm>> -> memref<10112x128xf32, #tpu.memory_space<hbm>>
      %dma_start3A_103 = arith.constant 0 : i32
      %dma_start3A_104 = tpu.memref_slice %dma_start3A_102[%mul3A_98, %dma_start3A_103] : memref<10112x128xf32, #tpu.memory_space<hbm>> -> memref<632x128xf32, #tpu.memory_space<hbm>>
      %dma_start3A_105 = arith.constant 0 : i32
      %dma_start3A_106 = tpu.memref_slice %arg11[%mul3A_96, %dma_start3A_105] : memref<10112x128xf32, #tpu.memory_space<vmem_shared>> -> memref<632x128xf32, #tpu.memory_space<vmem_shared>>
      tpu.enqueue_dma source(%dma_start3A_106 : memref<632x128xf32, #tpu.memory_space<vmem_shared>>) target(%dma_start3A_104 : memref<632x128xf32, #tpu.memory_space<hbm>>) target_semaphore(%run_scoped3A : memref<!tpu.dma_semaphore, #tpu.memory_space<semaphore_mem>>)
      %dma_wait3A_107 = arith.constant 0 : i32
      %dma_wait3A_108 = arith.constant 0 : i32
      %dma_wait3A_109 = tpu.memref_slice %arg4[%arg0, %dma_wait3A_107, %dma_wait3A_108] : memref<2x10112x128xf32, #tpu.memory_space<hbm>> -> memref<1x10112x128xf32, #tpu.memory_space<hbm>>
      %dma_wait3A_110 = tpu.memref_squeeze %dma_wait3A_109 : memref<1x10112x128xf32, #tpu.memory_space<hbm>> -> memref<10112x128xf32, #tpu.memory_space<hbm>>
      %dma_wait3A_111 = arith.constant 0 : i32
      %dma_wait3A_112 = tpu.memref_slice %dma_wait3A_110[%mul3A_98, %dma_wait3A_111] : memref<10112x128xf32, #tpu.memory_space<hbm>> -> memref<632x128xf32, #tpu.memory_space<hbm>>
      %dma_wait3A_113 = arith.constant 0 : i32
      %dma_wait3A_114 = tpu.memref_slice %arg11[%mul3A_96, %dma_wait3A_113] : memref<10112x128xf32, #tpu.memory_space<vmem_shared>> -> memref<632x128xf32, #tpu.memory_space<vmem_shared>>
      tpu.wait_dma2 semaphore(%run_scoped3A : memref<!tpu.dma_semaphore, #tpu.memory_space<semaphore_mem>>) src(%dma_wait3A_114 : memref<632x128xf32, #tpu.memory_space<vmem_shared>>) dst(%dma_wait3A_112 : memref<632x128xf32, #tpu.memory_space<hbm>>)
      tpu.yield
    }) : () -> ()
    return
  }
}

module attributes {stable_mosaic.version = 14 : i64} {
  func.func @_p_body(%arg0: i32, %arg1: memref<1000x128xf32, #tpu.memory_space<vmem>>, %arg2: memref<2x1000x128xf32, #tpu.memory_space<vmem>>) attributes {dimension_semantics = [#tpu.dimension_semantics<arbitrary>], iteration_bounds = array<i64: 10>, scalar_prefetch = 0 : i64, scratch_operands = 0 : i64, tpu.core_type = #tpu.core_type<tc>, window_params = [{transform_indices = @transform_0, window_bounds = array<i64: 1000, 128>}, {transform_indices = @transform_1, window_bounds = array<i64: 2, 1000, 128>}]} {
    %get3A = arith.constant 0 : index
    %get3A_0 = arith.constant 0 : index
    %get3A_1 = vector.load %arg1[%get3A, %get3A_0] : memref<1000x128xf32, #tpu.memory_space<vmem>>, vector<1000x128xf32>
    %max3A = arith.constant 0.000000e+00 : f32
    %max3A_2 = vector.broadcast %max3A : f32 to vector<1000x128xf32>
    %max3A_3 = arith.maximumf %get3A_1, %max3A_2 : vector<1000x128xf32>
    %add3A = arith.constant 1.000000e-07 : f32
    %add3A_4 = vector.broadcast %add3A : f32 to vector<1000x128xf32>
    %add3A_5 = arith.addf %max3A_3, %add3A_4 : vector<1000x128xf32>
    %min3A = arith.constant 8.000000e+01 : f32
    %min3A_6 = vector.broadcast %min3A : f32 to vector<1000x128xf32>
    %min3A_7 = arith.minimumf %add3A_5, %min3A_6 : vector<1000x128xf32>
    %exp3A = math.exp %min3A_7 : vector<1000x128xf32>
    %mul3A = arith.mulf %exp3A, %add3A_5 : vector<1000x128xf32>
    %slice3A = vector.extract_strided_slice %exp3A {offsets = [0, 0], sizes = [1000, 64], strides = [1, 1]} : vector<1000x128xf32> to vector<1000x64xf32>
    %swap3A = arith.constant 0 : index
    %swap3A_8 = arith.constant 0 : index
    %swap3A_9 = arith.constant 0 : index
    %swap3A_10 = vector.load %arg2[%swap3A, %swap3A_8, %swap3A_9] : memref<2x1000x128xf32, #tpu.memory_space<vmem>>, vector<1x1000x64xf32>
    %swap3A_11 = vector.shape_cast %swap3A_10 : vector<1x1000x64xf32> to vector<1000x64xf32>
    %swap3A_12 = vector.shape_cast %slice3A : vector<1000x64xf32> to vector<1x1000x64xf32>
    tpu.vector_store %arg2[%swap3A, %swap3A_8, %swap3A_9], %swap3A_12 {strides = array<i32>} : memref<2x1000x128xf32, #tpu.memory_space<vmem>>, vector<1x1000x64xf32>,
    %slice3A_13 = vector.extract_strided_slice %mul3A {offsets = [0, 0], sizes = [1000, 64], strides = [1, 1]} : vector<1000x128xf32> to vector<1000x64xf32>
    %swap3A_14 = arith.constant 0 : index
    %swap3A_15 = arith.constant 0 : index
    %swap3A_16 = arith.constant 64 : index
    %swap3A_17 = vector.load %arg2[%swap3A_14, %swap3A_15, %swap3A_16] : memref<2x1000x128xf32, #tpu.memory_space<vmem>>, vector<1x1000x64xf32>
    %swap3A_18 = vector.shape_cast %swap3A_17 : vector<1x1000x64xf32> to vector<1000x64xf32>
    %swap3A_19 = vector.shape_cast %slice3A_13 : vector<1000x64xf32> to vector<1x1000x64xf32>
    tpu.vector_store %arg2[%swap3A_14, %swap3A_15, %swap3A_16], %swap3A_19 {strides = array<i32>} : memref<2x1000x128xf32, #tpu.memory_space<vmem>>, vector<1x1000x64xf32>,
    %slice3A_20 = vector.extract_strided_slice %exp3A {offsets = [0, 64], sizes = [1000, 64], strides = [1, 1]} : vector<1000x128xf32> to vector<1000x64xf32>
    %swap3A_21 = arith.constant 1 : index
    %swap3A_22 = arith.constant 0 : index
    %swap3A_23 = arith.constant 0 : index
    %swap3A_24 = vector.load %arg2[%swap3A_21, %swap3A_22, %swap3A_23] : memref<2x1000x128xf32, #tpu.memory_space<vmem>>, vector<1x1000x64xf32>
    %swap3A_25 = vector.shape_cast %swap3A_24 : vector<1x1000x64xf32> to vector<1000x64xf32>
    %swap3A_26 = vector.shape_cast %slice3A_20 : vector<1000x64xf32> to vector<1x1000x64xf32>
    tpu.vector_store %arg2[%swap3A_21, %swap3A_22, %swap3A_23], %swap3A_26 {strides = array<i32>} : memref<2x1000x128xf32, #tpu.memory_space<vmem>>, vector<1x1000x64xf32>,
    %slice3A_27 = vector.extract_strided_slice %mul3A {offsets = [0, 64], sizes = [1000, 64], strides = [1, 1]} : vector<1000x128xf32> to vector<1000x64xf32>
    %swap3A_28 = arith.constant 1 : index
    %swap3A_29 = arith.constant 0 : index
    %swap3A_30 = arith.constant 64 : index
    %swap3A_31 = vector.load %arg2[%swap3A_28, %swap3A_29, %swap3A_30] : memref<2x1000x128xf32, #tpu.memory_space<vmem>>, vector<1x1000x64xf32>
    %swap3A_32 = vector.shape_cast %swap3A_31 : vector<1x1000x64xf32> to vector<1000x64xf32>
    %swap3A_33 = vector.shape_cast %slice3A_27 : vector<1000x64xf32> to vector<1x1000x64xf32>
    tpu.vector_store %arg2[%swap3A_28, %swap3A_29, %swap3A_30], %swap3A_33 {strides = array<i32>} : memref<2x1000x128xf32, #tpu.memory_space<vmem>>, vector<1x1000x64xf32>,
    return
  }
  func.func @transform_0(%arg0: i32) -> (i32, i32) {
    %c0_i32 = arith.constant 0 : i32
    %c0_i32_0 = arith.constant 0 : i32
    return %arg0, %c0_i32 : i32, i32
  }
  func.func @transform_1(%arg0: i32) -> (i32, i32, i32) {
    %c0_i32 = arith.constant 0 : i32
    %c0_i32_0 = arith.constant 0 : i32
    %c0_i32_1 = arith.constant 0 : i32
    return %c0_i32, %arg0, %c0_i32_0 : i32, i32, i32
  }
}

module attributes {stable_mosaic.version = 14 : i64} {
  func.func @_a_body(%arg0: i32, %arg1: memref<2x1000x128xf32, #tpu.memory_space<vmem>>, %arg2: memref<1000x128xf32, #tpu.memory_space<vmem>>, %arg3: memref<128x256xf32, #tpu.memory_space<vmem>>, %arg4: memref<1x256xf32, #tpu.memory_space<vmem>>, %arg5: memref<1000x256xf32, #tpu.memory_space<vmem>>, %arg6: memref<2x256xf32, #tpu.memory_space<vmem>>) attributes {dimension_semantics = [#tpu.dimension_semantics<arbitrary>], iteration_bounds = array<i64: 10>, scalar_prefetch = 0 : i64, scratch_operands = 0 : i64, tpu.core_type = #tpu.core_type<tc>, window_params = [{transform_indices = @transform_0, window_bounds = array<i64: 2, 1000, 128>}, {transform_indices = @transform_1, window_bounds = array<i64: 1000, 128>}, {pipeline_mode = #tpu.pipeline_mode<synchronous>, transform_indices = @transform_2, window_bounds = array<i64: 128, 256>}, {pipeline_mode = #tpu.pipeline_mode<synchronous>, transform_indices = @transform_3, window_bounds = array<i64: 1, 256>}, {transform_indices = @transform_4, window_bounds = array<i64: 1000, 256>}, {pipeline_mode = #tpu.pipeline_mode<synchronous>, transform_indices = @transform_5, window_bounds = array<i64: 2, 256>}]} {
    %get3A = arith.constant 0 : index
    %get3A_0 = arith.constant 0 : index
    %get3A_1 = arith.constant 0 : index
    %get3A_2 = vector.load %arg1[%get3A, %get3A_0, %get3A_1] : memref<2x1000x128xf32, #tpu.memory_space<vmem>>, vector<2x1000x128xf32>
    %slice3A = vector.extract_strided_slice %get3A_2 {offsets = [0, 0, 0], sizes = [1, 1000, 64], strides = [1, 1, 1]} : vector<2x1000x128xf32> to vector<1x1000x64xf32>
    %squeeze3A = vector.shape_cast %slice3A : vector<1x1000x64xf32> to vector<1000x64xf32>
    %slice3A_3 = vector.extract_strided_slice %get3A_2 {offsets = [1, 0, 0], sizes = [1, 1000, 64], strides = [1, 1, 1]} : vector<2x1000x128xf32> to vector<1x1000x64xf32>
    %squeeze3A_4 = vector.shape_cast %slice3A_3 : vector<1x1000x64xf32> to vector<1000x64xf32>
    %concatenate3A = tpu.concatenate %squeeze3A, %squeeze3A_4 in 1 : vector<1000x64xf32>, vector<1000x64xf32> -> vector<1000x128xf32>
    %slice3A_5 = vector.extract_strided_slice %get3A_2 {offsets = [0, 0, 64], sizes = [1, 1000, 64], strides = [1, 1, 1]} : vector<2x1000x128xf32> to vector<1x1000x64xf32>
    %squeeze3A_6 = vector.shape_cast %slice3A_5 : vector<1x1000x64xf32> to vector<1000x64xf32>
    %slice3A_7 = vector.extract_strided_slice %get3A_2 {offsets = [1, 0, 64], sizes = [1, 1000, 64], strides = [1, 1, 1]} : vector<2x1000x128xf32> to vector<1x1000x64xf32>
    %squeeze3A_8 = vector.shape_cast %slice3A_7 : vector<1x1000x64xf32> to vector<1000x64xf32>
    %concatenate3A_9 = tpu.concatenate %squeeze3A_6, %squeeze3A_8 in 1 : vector<1000x64xf32>, vector<1000x64xf32> -> vector<1000x128xf32>
    %add3A = arith.constant 9.99999968E-21 : f32
    %add3A_10 = vector.broadcast %add3A : f32 to vector<1000x128xf32>
    %add3A_11 = arith.addf %concatenate3A, %add3A_10 : vector<1000x128xf32>
    %div3A = arith.divf %concatenate3A_9, %add3A_11 : vector<1000x128xf32>
    %get3A_12 = arith.constant 0 : index
    %get3A_13 = arith.constant 0 : index
    %get3A_14 = vector.load %arg2[%get3A_12, %get3A_13] : memref<1000x128xf32, #tpu.memory_space<vmem>>, vector<1000x128xf32>
    %add3A_15 = arith.addf %div3A, %get3A_14 : vector<1000x128xf32>
    %get3A_16 = arith.constant 0 : index
    %get3A_17 = arith.constant 0 : index
    %get3A_18 = vector.load %arg3[%get3A_16, %get3A_17] : memref<128x256xf32, #tpu.memory_space<vmem>>, vector<128x256xf32>
    %dot_general3A = arith.constant dense<0.000000e+00> : vector<1000x256xf32>
    %dot_general3A_19 = tpu.matmul %add3A_15, %get3A_18, %dot_general3A {dimension_numbers = #tpu.dot_dimension_numbers<[1], [0], [0], [1], [0, 0, 1, 1], [], []>, transpose_lhs_hint = false} : vector<1000x128xf32>, vector<128x256xf32>, vector<1000x256xf32> -> vector<1000x256xf32>
    %get3A_20 = arith.constant 0 : index
    %get3A_21 = arith.constant 0 : index
    %get3A_22 = vector.load %arg4[%get3A_20, %get3A_21] : memref<1x256xf32, #tpu.memory_space<vmem>>, vector<1x256xf32>
    %add3A_23 = vector.broadcast %get3A_22 : vector<1x256xf32> to vector<1000x256xf32>
    %add3A_24 = arith.addf %dot_general3A_19, %add3A_23 : vector<1000x256xf32>
    %swap3A = arith.constant 0 : index
    %swap3A_25 = arith.constant 0 : index
    %swap3A_26 = vector.load %arg5[%swap3A, %swap3A_25] : memref<1000x256xf32, #tpu.memory_space<vmem>>, vector<1000x256xf32>
    tpu.vector_store %arg5[%swap3A, %swap3A_25], %add3A_24 {strides = array<i32>} : memref<1000x256xf32, #tpu.memory_space<vmem>>, vector<1000x256xf32>,
    %reduce_sum3A = arith.constant dense<0.000000e+00> : vector<256xf32>
    %reduce_sum3A_27 = vector.multi_reduction <add>, %add3A_24, %reduce_sum3A [0] : vector<1000x256xf32> to vector<256xf32>
    %broadcast_in_dim3A = vector.shape_cast %reduce_sum3A_27 : vector<256xf32> to vector<1x256xf32>
    %mul3A = arith.mulf %add3A_24, %add3A_24 : vector<1000x256xf32>
    %reduce_sum3A_28 = arith.constant dense<0.000000e+00> : vector<256xf32>
    %reduce_sum3A_29 = vector.multi_reduction <add>, %mul3A, %reduce_sum3A_28 [0] : vector<1000x256xf32> to vector<256xf32>
    %broadcast_in_dim3A_30 = vector.shape_cast %reduce_sum3A_29 : vector<256xf32> to vector<1x256xf32>
    %concatenate3A_31 = tpu.concatenate %broadcast_in_dim3A, %broadcast_in_dim3A_30 in 0 : vector<1x256xf32>, vector<1x256xf32> -> vector<2x256xf32>
    %eq3A = arith.constant 0 : i32
    %eq3A_32 = arith.cmpi eq, %arg0, %eq3A : i32
    %convert_element_type3A = arith.extui %eq3A_32 : i1 to i32
    %cond3A = arith.constant 0 : i32
    %cond3A_33 = arith.cmpi ne, %convert_element_type3A, %cond3A : i32
    scf.if %cond3A_33 {
      %swap3A_38 = arith.constant 0 : index
      %swap3A_39 = arith.constant 0 : index
      %swap3A_40 = vector.load %arg6[%swap3A_38, %swap3A_39] : memref<2x256xf32, #tpu.memory_space<vmem>>, vector<2x256xf32>
      tpu.vector_store %arg6[%swap3A_38, %swap3A_39], %concatenate3A_31 {strides = array<i32>} : memref<2x256xf32, #tpu.memory_space<vmem>>, vector<2x256xf32>,
    } else {
    }
    %ne3A = arith.constant 0 : i32
    %ne3A_34 = arith.cmpi ne, %arg0, %ne3A : i32
    %convert_element_type3A_35 = arith.extui %ne3A_34 : i1 to i32
    %cond3A_36 = arith.constant 0 : i32
    %cond3A_37 = arith.cmpi ne, %convert_element_type3A_35, %cond3A_36 : i32
    scf.if %cond3A_37 {
      %get3A_38 = arith.constant 0 : index
      %get3A_39 = arith.constant 0 : index
      %get3A_40 = vector.load %arg6[%get3A_38, %get3A_39] : memref<2x256xf32, #tpu.memory_space<vmem>>, vector<2x256xf32>
      %add3A_41 = arith.addf %get3A_40, %concatenate3A_31 : vector<2x256xf32>
      %swap3A_42 = arith.constant 0 : index
      %swap3A_43 = arith.constant 0 : index
      %swap3A_44 = vector.load %arg6[%swap3A_42, %swap3A_43] : memref<2x256xf32, #tpu.memory_space<vmem>>, vector<2x256xf32>
      tpu.vector_store %arg6[%swap3A_42, %swap3A_43], %add3A_41 {strides = array<i32>} : memref<2x256xf32, #tpu.memory_space<vmem>>, vector<2x256xf32>,
    } else {
    }
    return
  }
  func.func @transform_0(%arg0: i32) -> (i32, i32, i32) {
    %c0_i32 = arith.constant 0 : i32
    %c0_i32_0 = arith.constant 0 : i32
    %c0_i32_1 = arith.constant 0 : i32
    return %c0_i32, %arg0, %c0_i32_0 : i32, i32, i32
  }
  func.func @transform_1(%arg0: i32) -> (i32, i32) {
    %c0_i32 = arith.constant 0 : i32
    %c0_i32_0 = arith.constant 0 : i32
    return %arg0, %c0_i32 : i32, i32
  }
  func.func @transform_2(%arg0: i32) -> (i32, i32) {
    %c0_i32 = arith.constant 0 : i32
    %c0_i32_0 = arith.constant 0 : i32
    %c0_i32_1 = arith.constant 0 : i32
    return %c0_i32, %c0_i32_0 : i32, i32
  }
  func.func @transform_3(%arg0: i32) -> (i32, i32) {
    %c0_i32 = arith.constant 0 : i32
    %c0_i32_0 = arith.constant 0 : i32
    %c0_i32_1 = arith.constant 0 : i32
    return %c0_i32, %c0_i32_0 : i32, i32
  }
  func.func @transform_4(%arg0: i32) -> (i32, i32) {
    %c0_i32 = arith.constant 0 : i32
    %c0_i32_0 = arith.constant 0 : i32
    return %arg0, %c0_i32 : i32, i32
  }
  func.func @transform_5(%arg0: i32) -> (i32, i32) {
    %c0_i32 = arith.constant 0 : i32
    %c0_i32_0 = arith.constant 0 : i32
    %c0_i32_1 = arith.constant 0 : i32
    return %c0_i32, %c0_i32_0 : i32, i32
  }
}

module attributes {stable_mosaic.version = 14 : i64} {
  func.func @body(%arg0: i32, %arg1: memref<1000x256xf32, #tpu.memory_space<vmem>>, %arg2: memref<2x256xf32, #tpu.memory_space<vmem>>, %arg3: memref<1x256xf32, #tpu.memory_space<vmem>>, %arg4: memref<1x256xf32, #tpu.memory_space<vmem>>, %arg5: memref<256x128xf32, #tpu.memory_space<vmem>>, %arg6: memref<1x128xf32, #tpu.memory_space<vmem>>, %arg7: memref<1000x128xf32, #tpu.memory_space<vmem>>, %arg8: memref<2x1000x128xf32, #tpu.memory_space<vmem>>) attributes {dimension_semantics = [#tpu.dimension_semantics<arbitrary>], iteration_bounds = array<i64: 10>, scalar_prefetch = 0 : i64, scratch_operands = 0 : i64, tpu.core_type = #tpu.core_type<tc>, window_params = [{transform_indices = @transform_0, window_bounds = array<i64: 1000, 256>}, {pipeline_mode = #tpu.pipeline_mode<synchronous>, transform_indices = @transform_1, window_bounds = array<i64: 2, 256>}, {pipeline_mode = #tpu.pipeline_mode<synchronous>, transform_indices = @transform_2, window_bounds = array<i64: 1, 256>}, {pipeline_mode = #tpu.pipeline_mode<synchronous>, transform_indices = @transform_3, window_bounds = array<i64: 1, 256>}, {pipeline_mode = #tpu.pipeline_mode<synchronous>, transform_indices = @transform_4, window_bounds = array<i64: 256, 128>}, {pipeline_mode = #tpu.pipeline_mode<synchronous>, transform_indices = @transform_5, window_bounds = array<i64: 1, 128>}, {transform_indices = @transform_6, window_bounds = array<i64: 1000, 128>}, {transform_indices = @transform_7, window_bounds = array<i64: 2, 1000, 128>}]} {
    %get3A = arith.constant 0 : index
    %get3A_0 = arith.constant 0 : index
    %get3A_1 = vector.load %arg2[%get3A, %get3A_0] : memref<2x256xf32, #tpu.memory_space<vmem>>, vector<2x256xf32>
    %slice3A = vector.extract_strided_slice %get3A_1 {offsets = [0, 0], sizes = [1, 256], strides = [1, 1]} : vector<2x256xf32> to vector<1x256xf32>
    %mul3A = arith.constant 9.99999974E-5 : f32
    %mul3A_2 = vector.broadcast %mul3A : f32 to vector<1x256xf32>
    %mul3A_3 = arith.mulf %slice3A, %mul3A_2 : vector<1x256xf32>
    %slice3A_4 = vector.extract_strided_slice %get3A_1 {offsets = [1, 0], sizes = [1, 256], strides = [1, 1]} : vector<2x256xf32> to vector<1x256xf32>
    %mul3A_5 = arith.constant 9.99999974E-5 : f32
    %mul3A_6 = vector.broadcast %mul3A_5 : f32 to vector<1x256xf32>
    %mul3A_7 = arith.mulf %slice3A_4, %mul3A_6 : vector<1x256xf32>
    %mul3A_8 = arith.mulf %mul3A_3, %mul3A_3 : vector<1x256xf32>
    %sub3A = arith.subf %mul3A_7, %mul3A_8 : vector<1x256xf32>
    %add3A = arith.constant 9.99999974E-6 : f32
    %add3A_9 = vector.broadcast %add3A : f32 to vector<1x256xf32>
    %add3A_10 = arith.addf %sub3A, %add3A_9 : vector<1x256xf32>
    %rsqrt3A = math.rsqrt %add3A_10 : vector<1x256xf32>
    %get3A_11 = arith.constant 0 : index
    %get3A_12 = arith.constant 0 : index
    %get3A_13 = vector.load %arg3[%get3A_11, %get3A_12] : memref<1x256xf32, #tpu.memory_space<vmem>>, vector<1x256xf32>
    %mul3A_14 = arith.mulf %get3A_13, %rsqrt3A : vector<1x256xf32>
    %get3A_15 = arith.constant 0 : index
    %get3A_16 = arith.constant 0 : index
    %get3A_17 = vector.load %arg4[%get3A_15, %get3A_16] : memref<1x256xf32, #tpu.memory_space<vmem>>, vector<1x256xf32>
    %mul3A_18 = arith.mulf %mul3A_3, %mul3A_14 : vector<1x256xf32>
    %sub3A_19 = arith.subf %get3A_17, %mul3A_18 : vector<1x256xf32>
    %get3A_20 = arith.constant 0 : index
    %get3A_21 = arith.constant 0 : index
    %get3A_22 = vector.load %arg1[%get3A_20, %get3A_21] : memref<1000x256xf32, #tpu.memory_space<vmem>>, vector<1000x256xf32>
    %mul3A_23 = vector.broadcast %mul3A_14 : vector<1x256xf32> to vector<1000x256xf32>
    %mul3A_24 = arith.mulf %get3A_22, %mul3A_23 : vector<1000x256xf32>
    %add3A_25 = vector.broadcast %sub3A_19 : vector<1x256xf32> to vector<1000x256xf32>
    %add3A_26 = arith.addf %mul3A_24, %add3A_25 : vector<1000x256xf32>
    %max3A = arith.constant 0.000000e+00 : f32
    %max3A_27 = vector.broadcast %max3A : f32 to vector<1000x256xf32>
    %max3A_28 = arith.maximumf %add3A_26, %max3A_27 : vector<1000x256xf32>
    %get3A_29 = arith.constant 0 : index
    %get3A_30 = arith.constant 0 : index
    %get3A_31 = vector.load %arg5[%get3A_29, %get3A_30] : memref<256x128xf32, #tpu.memory_space<vmem>>, vector<256x128xf32>
    %dot_general3A = arith.constant dense<0.000000e+00> : vector<1000x128xf32>
    %dot_general3A_32 = tpu.matmul %max3A_28, %get3A_31, %dot_general3A {dimension_numbers = #tpu.dot_dimension_numbers<[1], [0], [0], [1], [0, 0, 1, 1], [], []>, transpose_lhs_hint = false} : vector<1000x256xf32>, vector<256x128xf32>, vector<1000x128xf32> -> vector<1000x128xf32>
    %get3A_33 = arith.constant 0 : index
    %get3A_34 = arith.constant 0 : index
    %get3A_35 = vector.load %arg6[%get3A_33, %get3A_34] : memref<1x128xf32, #tpu.memory_space<vmem>>, vector<1x128xf32>
    %add3A_36 = vector.broadcast %get3A_35 : vector<1x128xf32> to vector<1000x128xf32>
    %add3A_37 = arith.addf %dot_general3A_32, %add3A_36 : vector<1000x128xf32>
    %max3A_38 = arith.constant 0.000000e+00 : f32
    %max3A_39 = vector.broadcast %max3A_38 : f32 to vector<1000x128xf32>
    %max3A_40 = arith.maximumf %add3A_37, %max3A_39 : vector<1000x128xf32>
    %swap3A = arith.constant 0 : index
    %swap3A_41 = arith.constant 0 : index
    %swap3A_42 = vector.load %arg7[%swap3A, %swap3A_41] : memref<1000x128xf32, #tpu.memory_space<vmem>>, vector<1000x128xf32>
    tpu.vector_store %arg7[%swap3A, %swap3A_41], %max3A_40 {strides = array<i32>} : memref<1000x128xf32, #tpu.memory_space<vmem>>, vector<1000x128xf32>,
    %add3A_43 = arith.constant 1.000000e-07 : f32
    %add3A_44 = vector.broadcast %add3A_43 : f32 to vector<1000x128xf32>
    %add3A_45 = arith.addf %max3A_40, %add3A_44 : vector<1000x128xf32>
    %min3A = arith.constant 8.000000e+01 : f32
    %min3A_46 = vector.broadcast %min3A : f32 to vector<1000x128xf32>
    %min3A_47 = arith.minimumf %add3A_45, %min3A_46 : vector<1000x128xf32>
    %exp3A = math.exp %min3A_47 : vector<1000x128xf32>
    %mul3A_48 = arith.mulf %exp3A, %add3A_45 : vector<1000x128xf32>
    %slice3A_49 = vector.extract_strided_slice %exp3A {offsets = [0, 0], sizes = [1000, 64], strides = [1, 1]} : vector<1000x128xf32> to vector<1000x64xf32>
    %swap3A_50 = arith.constant 0 : index
    %swap3A_51 = arith.constant 0 : index
    %swap3A_52 = arith.constant 0 : index
    %swap3A_53 = vector.load %arg8[%swap3A_50, %swap3A_51, %swap3A_52] : memref<2x1000x128xf32, #tpu.memory_space<vmem>>, vector<1x1000x64xf32>
    %swap3A_54 = vector.shape_cast %swap3A_53 : vector<1x1000x64xf32> to vector<1000x64xf32>
    %swap3A_55 = vector.shape_cast %slice3A_49 : vector<1000x64xf32> to vector<1x1000x64xf32>
    tpu.vector_store %arg8[%swap3A_50, %swap3A_51, %swap3A_52], %swap3A_55 {strides = array<i32>} : memref<2x1000x128xf32, #tpu.memory_space<vmem>>, vector<1x1000x64xf32>,
    %slice3A_56 = vector.extract_strided_slice %mul3A_48 {offsets = [0, 0], sizes = [1000, 64], strides = [1, 1]} : vector<1000x128xf32> to vector<1000x64xf32>
    %swap3A_57 = arith.constant 0 : index
    %swap3A_58 = arith.constant 0 : index
    %swap3A_59 = arith.constant 64 : index
    %swap3A_60 = vector.load %arg8[%swap3A_57, %swap3A_58, %swap3A_59] : memref<2x1000x128xf32, #tpu.memory_space<vmem>>, vector<1x1000x64xf32>
    %swap3A_61 = vector.shape_cast %swap3A_60 : vector<1x1000x64xf32> to vector<1000x64xf32>
    %swap3A_62 = vector.shape_cast %slice3A_56 : vector<1000x64xf32> to vector<1x1000x64xf32>
    tpu.vector_store %arg8[%swap3A_57, %swap3A_58, %swap3A_59], %swap3A_62 {strides = array<i32>} : memref<2x1000x128xf32, #tpu.memory_space<vmem>>, vector<1x1000x64xf32>,
    %slice3A_63 = vector.extract_strided_slice %exp3A {offsets = [0, 64], sizes = [1000, 64], strides = [1, 1]} : vector<1000x128xf32> to vector<1000x64xf32>
    %swap3A_64 = arith.constant 1 : index
    %swap3A_65 = arith.constant 0 : index
    %swap3A_66 = arith.constant 0 : index
    %swap3A_67 = vector.load %arg8[%swap3A_64, %swap3A_65, %swap3A_66] : memref<2x1000x128xf32, #tpu.memory_space<vmem>>, vector<1x1000x64xf32>
    %swap3A_68 = vector.shape_cast %swap3A_67 : vector<1x1000x64xf32> to vector<1000x64xf32>
    %swap3A_69 = vector.shape_cast %slice3A_63 : vector<1000x64xf32> to vector<1x1000x64xf32>
    tpu.vector_store %arg8[%swap3A_64, %swap3A_65, %swap3A_66], %swap3A_69 {strides = array<i32>} : memref<2x1000x128xf32, #tpu.memory_space<vmem>>, vector<1x1000x64xf32>,
    %slice3A_70 = vector.extract_strided_slice %mul3A_48 {offsets = [0, 64], sizes = [1000, 64], strides = [1, 1]} : vector<1000x128xf32> to vector<1000x64xf32>
    %swap3A_71 = arith.constant 1 : index
    %swap3A_72 = arith.constant 0 : index
    %swap3A_73 = arith.constant 64 : index
    %swap3A_74 = vector.load %arg8[%swap3A_71, %swap3A_72, %swap3A_73] : memref<2x1000x128xf32, #tpu.memory_space<vmem>>, vector<1x1000x64xf32>
    %swap3A_75 = vector.shape_cast %swap3A_74 : vector<1x1000x64xf32> to vector<1000x64xf32>
    %swap3A_76 = vector.shape_cast %slice3A_70 : vector<1000x64xf32> to vector<1x1000x64xf32>
    tpu.vector_store %arg8[%swap3A_71, %swap3A_72, %swap3A_73], %swap3A_76 {strides = array<i32>} : memref<2x1000x128xf32, #tpu.memory_space<vmem>>, vector<1x1000x64xf32>,
    return
  }
  func.func @transform_0(%arg0: i32) -> (i32, i32) {
    %c0_i32 = arith.constant 0 : i32
    %c0_i32_0 = arith.constant 0 : i32
    return %arg0, %c0_i32 : i32, i32
  }
  func.func @transform_1(%arg0: i32) -> (i32, i32) {
    %c0_i32 = arith.constant 0 : i32
    %c0_i32_0 = arith.constant 0 : i32
    %c0_i32_1 = arith.constant 0 : i32
    return %c0_i32, %c0_i32_0 : i32, i32
  }
  func.func @transform_2(%arg0: i32) -> (i32, i32) {
    %c0_i32 = arith.constant 0 : i32
    %c0_i32_0 = arith.constant 0 : i32
    %c0_i32_1 = arith.constant 0 : i32
    return %c0_i32, %c0_i32_0 : i32, i32
  }
  func.func @transform_3(%arg0: i32) -> (i32, i32) {
    %c0_i32 = arith.constant 0 : i32
    %c0_i32_0 = arith.constant 0 : i32
    %c0_i32_1 = arith.constant 0 : i32
    return %c0_i32, %c0_i32_0 : i32, i32
  }
  func.func @transform_4(%arg0: i32) -> (i32, i32) {
    %c0_i32 = arith.constant 0 : i32
    %c0_i32_0 = arith.constant 0 : i32
    %c0_i32_1 = arith.constant 0 : i32
    return %c0_i32, %c0_i32_0 : i32, i32
  }
  func.func @transform_5(%arg0: i32) -> (i32, i32) {
    %c0_i32 = arith.constant 0 : i32
    %c0_i32_0 = arith.constant 0 : i32
    %c0_i32_1 = arith.constant 0 : i32
    return %c0_i32, %c0_i32_0 : i32, i32
  }
  func.func @transform_6(%arg0: i32) -> (i32, i32) {
    %c0_i32 = arith.constant 0 : i32
    %c0_i32_0 = arith.constant 0 : i32
    return %arg0, %c0_i32 : i32, i32
  }
  func.func @transform_7(%arg0: i32) -> (i32, i32, i32) {
    %c0_i32 = arith.constant 0 : i32
    %c0_i32_0 = arith.constant 0 : i32
    %c0_i32_1 = arith.constant 0 : i32
    return %c0_i32, %arg0, %c0_i32_0 : i32, i32, i32
  }
}

module attributes {stable_mosaic.version = 14 : i64} {
  func.func @body(%arg0: i32, %arg1: memref<1000x256xf32, #tpu.memory_space<vmem>>, %arg2: memref<2x256xf32, #tpu.memory_space<vmem>>, %arg3: memref<1x256xf32, #tpu.memory_space<vmem>>, %arg4: memref<1x256xf32, #tpu.memory_space<vmem>>, %arg5: memref<256x128xf32, #tpu.memory_space<vmem>>, %arg6: memref<1x128xf32, #tpu.memory_space<vmem>>, %arg7: memref<1000x128xf32, #tpu.memory_space<vmem>>) attributes {dimension_semantics = [#tpu.dimension_semantics<arbitrary>], iteration_bounds = array<i64: 10>, scalar_prefetch = 0 : i64, scratch_operands = 0 : i64, tpu.core_type = #tpu.core_type<tc>, window_params = [{transform_indices = @transform_0, window_bounds = array<i64: 1000, 256>}, {pipeline_mode = #tpu.pipeline_mode<synchronous>, transform_indices = @transform_1, window_bounds = array<i64: 2, 256>}, {pipeline_mode = #tpu.pipeline_mode<synchronous>, transform_indices = @transform_2, window_bounds = array<i64: 1, 256>}, {pipeline_mode = #tpu.pipeline_mode<synchronous>, transform_indices = @transform_3, window_bounds = array<i64: 1, 256>}, {pipeline_mode = #tpu.pipeline_mode<synchronous>, transform_indices = @transform_4, window_bounds = array<i64: 256, 128>}, {pipeline_mode = #tpu.pipeline_mode<synchronous>, transform_indices = @transform_5, window_bounds = array<i64: 1, 128>}, {transform_indices = @transform_6, window_bounds = array<i64: 1000, 128>}]} {
    %get3A = arith.constant 0 : index
    %get3A_0 = arith.constant 0 : index
    %get3A_1 = vector.load %arg2[%get3A, %get3A_0] : memref<2x256xf32, #tpu.memory_space<vmem>>, vector<2x256xf32>
    %slice3A = vector.extract_strided_slice %get3A_1 {offsets = [0, 0], sizes = [1, 256], strides = [1, 1]} : vector<2x256xf32> to vector<1x256xf32>
    %mul3A = arith.constant 9.99999974E-5 : f32
    %mul3A_2 = vector.broadcast %mul3A : f32 to vector<1x256xf32>
    %mul3A_3 = arith.mulf %slice3A, %mul3A_2 : vector<1x256xf32>
    %slice3A_4 = vector.extract_strided_slice %get3A_1 {offsets = [1, 0], sizes = [1, 256], strides = [1, 1]} : vector<2x256xf32> to vector<1x256xf32>
    %mul3A_5 = arith.constant 9.99999974E-5 : f32
    %mul3A_6 = vector.broadcast %mul3A_5 : f32 to vector<1x256xf32>
    %mul3A_7 = arith.mulf %slice3A_4, %mul3A_6 : vector<1x256xf32>
    %mul3A_8 = arith.mulf %mul3A_3, %mul3A_3 : vector<1x256xf32>
    %sub3A = arith.subf %mul3A_7, %mul3A_8 : vector<1x256xf32>
    %add3A = arith.constant 9.99999974E-6 : f32
    %add3A_9 = vector.broadcast %add3A : f32 to vector<1x256xf32>
    %add3A_10 = arith.addf %sub3A, %add3A_9 : vector<1x256xf32>
    %rsqrt3A = math.rsqrt %add3A_10 : vector<1x256xf32>
    %get3A_11 = arith.constant 0 : index
    %get3A_12 = arith.constant 0 : index
    %get3A_13 = vector.load %arg3[%get3A_11, %get3A_12] : memref<1x256xf32, #tpu.memory_space<vmem>>, vector<1x256xf32>
    %mul3A_14 = arith.mulf %get3A_13, %rsqrt3A : vector<1x256xf32>
    %get3A_15 = arith.constant 0 : index
    %get3A_16 = arith.constant 0 : index
    %get3A_17 = vector.load %arg4[%get3A_15, %get3A_16] : memref<1x256xf32, #tpu.memory_space<vmem>>, vector<1x256xf32>
    %mul3A_18 = arith.mulf %mul3A_3, %mul3A_14 : vector<1x256xf32>
    %sub3A_19 = arith.subf %get3A_17, %mul3A_18 : vector<1x256xf32>
    %get3A_20 = arith.constant 0 : index
    %get3A_21 = arith.constant 0 : index
    %get3A_22 = vector.load %arg1[%get3A_20, %get3A_21] : memref<1000x256xf32, #tpu.memory_space<vmem>>, vector<1000x256xf32>
    %mul3A_23 = vector.broadcast %mul3A_14 : vector<1x256xf32> to vector<1000x256xf32>
    %mul3A_24 = arith.mulf %get3A_22, %mul3A_23 : vector<1000x256xf32>
    %add3A_25 = vector.broadcast %sub3A_19 : vector<1x256xf32> to vector<1000x256xf32>
    %add3A_26 = arith.addf %mul3A_24, %add3A_25 : vector<1000x256xf32>
    %max3A = arith.constant 0.000000e+00 : f32
    %max3A_27 = vector.broadcast %max3A : f32 to vector<1000x256xf32>
    %max3A_28 = arith.maximumf %add3A_26, %max3A_27 : vector<1000x256xf32>
    %get3A_29 = arith.constant 0 : index
    %get3A_30 = arith.constant 0 : index
    %get3A_31 = vector.load %arg5[%get3A_29, %get3A_30] : memref<256x128xf32, #tpu.memory_space<vmem>>, vector<256x128xf32>
    %dot_general3A = arith.constant dense<0.000000e+00> : vector<1000x128xf32>
    %dot_general3A_32 = tpu.matmul %max3A_28, %get3A_31, %dot_general3A {dimension_numbers = #tpu.dot_dimension_numbers<[1], [0], [0], [1], [0, 0, 1, 1], [], []>, transpose_lhs_hint = false} : vector<1000x256xf32>, vector<256x128xf32>, vector<1000x128xf32> -> vector<1000x128xf32>
    %get3A_33 = arith.constant 0 : index
    %get3A_34 = arith.constant 0 : index
    %get3A_35 = vector.load %arg6[%get3A_33, %get3A_34] : memref<1x128xf32, #tpu.memory_space<vmem>>, vector<1x128xf32>
    %add3A_36 = vector.broadcast %get3A_35 : vector<1x128xf32> to vector<1000x128xf32>
    %add3A_37 = arith.addf %dot_general3A_32, %add3A_36 : vector<1000x128xf32>
    %max3A_38 = arith.constant 0.000000e+00 : f32
    %max3A_39 = vector.broadcast %max3A_38 : f32 to vector<1000x128xf32>
    %max3A_40 = arith.maximumf %add3A_37, %max3A_39 : vector<1000x128xf32>
    %swap3A = arith.constant 0 : index
    %swap3A_41 = arith.constant 0 : index
    %swap3A_42 = vector.load %arg7[%swap3A, %swap3A_41] : memref<1000x128xf32, #tpu.memory_space<vmem>>, vector<1000x128xf32>
    tpu.vector_store %arg7[%swap3A, %swap3A_41], %max3A_40 {strides = array<i32>} : memref<1000x128xf32, #tpu.memory_space<vmem>>, vector<1000x128xf32>,
    return
  }
  func.func @transform_0(%arg0: i32) -> (i32, i32) {
    %c0_i32 = arith.constant 0 : i32
    %c0_i32_0 = arith.constant 0 : i32
    return %arg0, %c0_i32 : i32, i32
  }
  func.func @transform_1(%arg0: i32) -> (i32, i32) {
    %c0_i32 = arith.constant 0 : i32
    %c0_i32_0 = arith.constant 0 : i32
    %c0_i32_1 = arith.constant 0 : i32
    return %c0_i32, %c0_i32_0 : i32, i32
  }
  func.func @transform_2(%arg0: i32) -> (i32, i32) {
    %c0_i32 = arith.constant 0 : i32
    %c0_i32_0 = arith.constant 0 : i32
    %c0_i32_1 = arith.constant 0 : i32
    return %c0_i32, %c0_i32_0 : i32, i32
  }
  func.func @transform_3(%arg0: i32) -> (i32, i32) {
    %c0_i32 = arith.constant 0 : i32
    %c0_i32_0 = arith.constant 0 : i32
    %c0_i32_1 = arith.constant 0 : i32
    return %c0_i32, %c0_i32_0 : i32, i32
  }
  func.func @transform_4(%arg0: i32) -> (i32, i32) {
    %c0_i32 = arith.constant 0 : i32
    %c0_i32_0 = arith.constant 0 : i32
    %c0_i32_1 = arith.constant 0 : i32
    return %c0_i32, %c0_i32_0 : i32, i32
  }
  func.func @transform_5(%arg0: i32) -> (i32, i32) {
    %c0_i32 = arith.constant 0 : i32
    %c0_i32_0 = arith.constant 0 : i32
    %c0_i32_1 = arith.constant 0 : i32
    return %c0_i32, %c0_i32_0 : i32, i32
  }
  func.func @transform_6(%arg0: i32) -> (i32, i32) {
    %c0_i32 = arith.constant 0 : i32
    %c0_i32_0 = arith.constant 0 : i32
    return %arg0, %c0_i32 : i32, i32
  }
}

</mosaic_0001>

<sc_bundles>
// kernel: kernel.12.cloned.1.call-start
scs
__scs_entry_jumppad:
0x0: {  	(pc) =	sbr.rel $0x88, $3  }
0x1: {  	(tag) =	ssettag $0x0;
	lr =	simm.s32 $0x1  }
0x2: {  	[smem:$0x3F8D] =	sst lr;
	_ =	strace $0xD0000000  }
0x3: {  	_ = 	snop  }
0x4: {  	_ = 	snop  }
0x5: {  	_ = 	snop  }
0x6: {  	_ = 	snop  }
0x7: {  	_ = 	snop  }
__scs_overlays_trampoline_lowered:
0x8: {  	[smem:$0x3F9C] =	sst s0  }
0x9: {  	[smem:$0x3F9D] =	sst s1  }
0xa: {  	[smem:$0x3F9E] =	sst s2  }
0xb: {  	[smem:$0x3F9F] =	sst s3  }
0xc: {  	[smem:$0x3FA0] =	sst s4  }
0xd: {  	[smem:$0x3FA1] =	sst s5  }
0xe: {  	[smem:$0x3FA2] =	sst s6  }
0xf: {  	[smem:$0x3FA3] =	sst s7  }
0x10: {  	[smem:$0x3FA4] =	sst s8  }
0x11: {  	[smem:$0x3FA5] =	sst s9;
	s0 =	simm.s32 @!p0 $0x0  }
0x12: {  	s1 =	sld [smem:$0x3F8B];
	s0 =	simm.s32 @p0 $0x1  }
0x13: {  	[smem:$0x3FA6] =	sst s0;
	s0 =	simm.s32 @!p1 $0x0  }
0x14: {  	s2 =	sld [smem:$0x3F8A];
	s0 =	simm.s32 @p1 $0x1  }
0x15: {  	[smem:$0x3FA7] =	sst s0;
	s0 =	simm.s32 @!p2 $0x0  }
0x16: {  	s3 =	sld [smem:$0x3FDB];
	s0 =	simm.s32 @p2 $0x1  }
0x17: {  	s4 =	simm.s32 $0x1BF5;
	[smem:$0x3FA9] =	sst s0  }
0x18: {  	s0 =	sld [smem:$0x3F8C];
	_ =	swait.ge [sflag:s4], $0x0  }
0x19: {  	s7 =	sld [smem:$0x3F8D]  }
0x1a: {  	s8 =	sadd.s32 $0xFFFFE003, lr  }
0x1b: {  	s9 =	sadd.s32 $0xFFFFFEF7, lr;
	s5 =	simm.s32 $0xFFFFFFFF;
	p2 =	slt.u32 s8, $0xFFFFF086  }
0x1c: {  	p1 =	slt.u32 s9, $0xF7A;
	s5 =	simm.s32 @!p2 $0x0  }
0x1d: {  	s5 =	simm.s32 @p1 $0x1;
	p0 =	seq.s32 s7, s2  }
0x1e: {  	s7 =	smul.u32 @!p0 $0xF7A, s2;
	p2 =	seq.s32 @!p0 s5, $0x0  }
0x1f: {  	s9 =	smul.u32 $0xF7A, s1;
	s8 =	simm.s32 @!p0 $0x1BF5;
	p2 =	por !p2, p0  }
0x20: {  	[sflag:s8] =	ssyncset.s32 @!p0 $0xFFFFF086;
	s6 =	sadd.s32 @!p0 s3, s7;
	s7 =	simm.s32 @!p0 $0x108  }
0x21: {  	s3 =	sadd.s32 s3, s9;
	s6 =	sadd.s32 @!p0 $0x88, s6;
	s7 =	simm.s32 @p2 $0x1082  }
0x22: {  	[simem:s7], [sflag:s8] =	dma.local @!p0 [hbm:s6], $0xF7A  }
0x23: {  	s9 =	sor.u32 $0xD0000000, s2;
	s6 =	simm.s32 $0x108;
	_ =	swait.ge @!p0 [sflag:s8], $0x0  }
0x24: {  	s3 =	sadd.s32 $0x88, s3;
	s6 =	simm.s32 @!p1 $0x1082;
	[sflag:s4] =	ssyncset.s32 $0xFFFFF086  }
0x25: {  	[simem:s6], [sflag:s4] =	dma.local [hbm:s3], $0xF7A  }
0x26: {  	[smem:$0x3F8D] =	sst s1;
	(tag) =	ssettag s2;
	_ =	strace s9  }
0x27: {  	s1 =	sld [smem:$0x3F9D]  }
0x28: {  	s2 =	sld [smem:$0x3F9E]  }
0x29: {  	s4 =	sld [smem:$0x3FA0]  }
0x2a: {  	p0 =	seq.s32 s5, $0x0;
	s5 =	sld [smem:$0x3FA1]  }
0x2b: {  	s6 =	sld [smem:$0x3FA2]  }
0x2c: {  	s7 =	sld [smem:$0x3FA3]  }
0x2d: {  	s3 =	simm.s32 $0x108;
	s8 =	sld [smem:$0x3FA4]  }
0x2e: {  	s3 =	simm.s32 @!p0 $0x1082;
	s9 =	sld [smem:$0x3FA5]  }
0x2f: {  	lr =	sadd.s32 s0, s3;
	s0 =	sld [smem:$0x3F9C]  }
0x30: {  	s3 =	sld [smem:$0x3F9F]  }
0x31: {  	[smem:$0x3FA8] =	sst s10  }
0x32: {  	s10 =	sld [smem:$0x3FA6];
	_ =	sdelay $0x3  }
0x33: {  	p0 =	seq.s32 s10, $0x1;
	s10 =	sld [smem:$0x3FA8];
	_ =	sdelay $0x3  }
0x34: {  	[smem:$0x3FA8] =	sst s10  }
0x35: {  	s10 =	sld [smem:$0x3FA7];
	_ =	sdelay $0x3  }
0x36: {  	p1 =	seq.s32 s10, $0x1;
	s10 =	sld [smem:$0x3FA8];
	_ =	sdelay $0x3  }
0x37: {  	[smem:$0x3FA8] =	sst s10  }
0x38: {  	s10 =	sld [smem:$0x3FA9]  }
0x39: {  	_ = 	snop;
	(pc) =	sbr.ind lr, $3  }
0x3a: {  	_ = 	snop  }
0x3b: {  	_ = 	snop  }
0x3c: {  	p2 =	seq.s32 s10, $0x1;
	s10 =	sld [smem:$0x3FA8]  }
0x3d: {  	_ =	shalt  }
0x3e: {  	_ =	shalt  }
0x3f: {  	_ =	shalt  }
0x40: {  	_ =	shalt  }
0x41: {  	_ =	shalt  }
0x42: {  	_ =	shalt  }
0x43: {  	_ =	shalt  }
0x44: {  	_ =	shalt  }
0x45: {  	_ =	shalt  }
0x46: {  	_ =	shalt  }
0x47: {  	_ =	shalt  }
0x48: {  	_ =	shalt  }
0x49: {  	_ =	shalt  }
0x4a: {  	_ =	shalt  }
0x4b: {  	_ =	shalt  }
0x4c: {  	_ =	shalt  }
0x4d: {  	_ =	shalt  }
0x4e: {  	_ =	shalt  }
0x4f: {  	_ =	shalt  }
0x50: {  	_ =	shalt  }
0x51: {  	_ =	shalt  }
0x52: {  	_ =	shalt  }
0x53: {  	_ =	shalt  }
0x54: {  	_ =	shalt  }
0x55: {  	_ =	shalt  }
0x56: {  	_ =	shalt  }
0x57: {  	_ =	shalt  }
0x58: {  	_ =	shalt  }
0x59: {  	_ =	shalt  }
0x5a: {  	_ =	shalt  }
0x5b: {  	_ =	shalt  }
0x5c: {  	_ =	shalt  }
0x5d: {  	_ =	shalt  }
0x5e: {  	_ =	shalt  }
0x5f: {  	_ =	shalt  }
0x60: {  	_ =	shalt  }
0x61: {  	_ =	shalt  }
0x62: {  	_ =	shalt  }
0x63: {  	_ =	shalt  }
0x64: {  	_ =	shalt  }
0x65: {  	_ =	shalt  }
0x66: {  	_ =	shalt  }
0x67: {  	_ =	shalt  }
0x68: {  	_ =	shalt  }
0x69: {  	_ =	shalt  }
0x6a: {  	_ =	shalt  }
0x6b: {  	_ =	shalt  }
0x6c: {  	_ =	shalt  }
0x6d: {  	_ =	shalt  }
0x6e: {  	_ =	shalt  }
0x6f: {  	_ =	shalt  }
0x70: {  	_ =	shalt  }
0x71: {  	_ =	shalt  }
0x72: {  	_ =	shalt  }
0x73: {  	_ =	shalt  }
0x74: {  	_ =	shalt  }
0x75: {  	_ =	shalt  }
0x76: {  	_ =	shalt  }
0x77: {  	_ =	shalt  }
0x78: {  	_ =	shalt  }
0x79: {  	_ =	shalt  }
0x7a: {  	_ =	shalt  }
0x7b: {  	_ =	shalt  }
0x7c: {  	_ =	shalt  }
0x7d: {  	_ =	shalt  }
0x7e: {  	_ =	shalt  }
0x7f: {  	_ =	shalt  }
0x80: {  	_ =	shalt  }
0x81: {  	_ =	shalt  }
0x82: {  	_ =	shalt  }
0x83: {  	_ =	shalt  }
0x84: {  	_ =	shalt  }
0x85: {  	_ =	shalt  }
0x86: {  	_ =	shalt  }
0x87: {  	_ =	shalt  }
.Lfunc_end0:
.L_simem_size_0:
called_computation_lowered:
.L_overlay_start_0:
0x88: {  	s2 =	sld [smem:$0x3FD9]  }
0x89: {  	s3 =	sld [smem:$0x3FFE];
	_ =	sdelay $0x1  }
0x8a: {  	s1 =	srdreg.scid  }
0x8b: {  	s0 =	sand.u32 $0x1, s1  }
0x8c: {  	s17 =	sshll.u32 s0, $0xA;
	s2 =	sadd.s32 s3, s2  }
0x8d: {  	s2 =	sadd.s32 s2, s17  }
0x8e: {  	[smem:$0x3FB4] =	sst s2  }
0x8f: {  	_ = 	snop  }
0x90: {  	s2 =	sld [smem:$0x3FD0];
	(tm) =	ssettm $0x1  }
0x91: {  	s18 =	sld [smem:$0x3FFB];
	_ =	sdelay $0x3  }
0x92: {  	_ =	strace s18  }
0x93: {  	s3 =	sld [smem:$0x3FFC];
	_ =	sdelay $0x3  }
0x94: {  	_ =	strace s3  }
0x95: {  	s3 =	sld [smem:$0x3FFD];
	_ =	sdelay $0x3  }
0x96: {  	_ =	strace s3  }
0x97: {  	_ =	strace $0x8FFFFFFF  }
0x98: {  	s19 =	sld [smem:$0x3FDB];
	_ =	sdelay $0x1  }
0x99: {  	s4 =	simm.s32 $_scs_section_size  }
0x9a: {  	s5 =	simm.s32 $_size__tile_overlayer_lowered;
	s6 =	simm.s32 $_tile_overlayer_lowered  }
0x9b: {  	s22 =	simm.s32 $0x1BFF;
	s21 =	sshll.u32 s6, $0x1;
	s3 =	sadd.s32 s4, s19  }
0x9c: {  	s7 =	simm.s32 $0x0;
	s20 =	sshll.u32 s5, $0x1;
	s5 =	sadd.s32 s21, s3  }
0x9d: {  	[timem:s7], [sflag:s22] =	dma.local [hbm:s5], s20  }
0x9e: {  	_ =	swait.ge [sflag:s22], s20  }
0x9f: {  	s4 =	ssub.s32 $0x0, s20;
	[sflag:s22] =	ssyncset.done $0x0  }
0xa0: {  	[sflag:s22] =	ssyncadd.s32 s4;
	_ =	sdelay $0x1  }
0xa1: {  	s23 =	simm.s32 $0x1B8B  }
0xa2: {  	_ =	swait.ge [sflag:s23], $0x1  }
0xa3: {  	[sflag:s23] =	ssyncset.done $0x0  }
0xa4: {  	s25 =	simm.s32 $0x1B8E;
	s24 =	sld [smem:$0x3FFE];
	[sflag:s23] =	ssyncadd.s32 $0xFFFFFFFF  }
0xa5: {  	s26 =	simm.s32 $execute0_lowered;
	[smem:$0x3FD2] =	sst s25  }
0xa6: {  	s5 =	sshll.u32 s26, $0x1;
	_ =	strace $0x80000046;
	[dreg:$0x1] =	wrdreg $0xFFFFFFFF  }
0xa7: {  	s28 =	simm.s32 $_size_execute0_lowered;
	s3 =	sadd.s32 s3, s5;
	[dreg:$0x0] =	wrdreg $0x0  }
0xa8: {  	s5 =	sshll.u32 s28, $0x1;
	[dreg:$0x2] =	wrdreg s3  }
0xa9: {  	[dreg:$0x3] =	wrdreg s5  }
0xaa: {  	[dreg:$0x4] =	wrdreg $0xC0  }
0xab: {  	_ =	task [dreg:s7], $0x5FFFF  }
0xac: {  	[dreg:$0x1] =	wrdreg $0xFFFFFFFF  }
0xad: {  	[dreg:$0x0] =	wrdreg $0x60  }
0xae: {  	[dreg:$0x2] =	wrdreg s24  }
0xaf: {  	[dreg:$0x3] =	wrdreg s2  }
0xb0: {  	[dreg:$0x4] =	wrdreg $0xC3000  }
0xb1: {  	[dreg:$0x5] =	wrdreg $0x9  }
0xb2: {  	_ =	task.clear_ibuf [dreg:s7], $0x6FFFF;
	_ =	strace $0x90000046  }
0xb3: {  	s29 =	simm.s32 $0x9;
	_ =	strace $0x80000048  }
0xb4: {  	_ =	swait.ge [sflag:s29], $0x1  }
0xb5: {  	[sflag:s29] =	ssyncadd.s32 $0xFFFFFFFF  }
0xb6: {  	_ =	strace $0x90000048  }
0xb7: {  	_ =	sfence  }
0xb8: {  	s30 =	sld [smem:$0x0];
	_ =	sdelay $0x2  }
0xb9: {  	s31 =	sshll.u32 s1, $0xD;
	s1 =	sshrl.u32 s1, $0x2  }
0xba: {  	s3 =	sand.u32 $0x4000, s31;
	s1 =	sadd.s32 s1, s30  }
0xbb: {  	s0 =	sor.u32 s3, s0;
	s1 =	sshll.u32 s1, $0x11  }
0xbc: {  	s0 =	sor.u32 s1, s0  }
0xbd: {  	s0 =	sadd.s32 $0x8F2B, s0  }
0xbe: {  	[sflag:s0] =	ssyncadd.remote.s32 $0x1  }
0xbf: {  	_ =	sfence.sel $0xFFFF  }
0xc0: {  	[dreg:$0x0] =	wrdreg $0xFFFFFFFF;
	(pc) =	sbr.abs _section_cstart, $3  }
0xc1: {  	[dreg:$0x1] =	wrdreg $0xFFFFFFFF  }
0xc2: {  	_ =	task.clear_ibuf [dreg:s7], $0x2FFFF;
	_ =	strace $0x9FFFFFFF  }
0xc3: {  	(tm) =	ssettm $0x7FFFFFFF  }
tec
execute0_lowered:
.L_overlay_start_1:
0x0: {  	(tag) =	ssettag $0x1  }
0x1: {  	s0 =	rddreg [dreg:$0x0]  }
0x2: {  	s3 =	rddreg [dreg:$0x1]  }
0x3: {  	s1 =	rddreg [dreg:$0x2];
	s4 =	srdreg.scid;
	s2 =	simm.s32 $0x0  }
0x4: {  	s14 =	stileid.u32;
	s15 =	simm.s32 $0x300;
	s16 =	simm.s32 $0x7  }
0x5: {  	s17 =	simm.s32 $0x100;
	s18 =	simm.s32 $0x200;
	s19 =	simm.s32 $0x1  }
0x6: {  	s20 =	simm.s32 $0x80;
	s21 =	simm.s32 $0x2;
	s7 =	smul.u32 $0x4F000, s14  }
0x7: {  	s28 =	simm.s32 $0x5;
	s29 =	simm.s32 $0x180;
	s8 =	smul.u32 $0x9F00, s14  }
0x8: {  	s30 =	simm.s32 $0x6;
	s4 =	sand.u32 $0x1, s4;
	s26 =	smul.u32 $0x13E0, s14  }
0x9: {  	s31 =	simm.s32 $0x280;
	[smem:$0x7FF] =	sst s2;
	s5 =	smul.u32 $0x27100, s4  }
0xa: {  	s6 =	smul.u32 $0x27800, s4;
	_ =	strace $0x80000047;
	s4 =	ssub.s32 $0x2, s4  }
0xb: {  	s22 =	sshrl.u32 s4, $0x1;
	s7 =	sshrl.u32 s7, $0x2;
	s23 =	sshrl.u32 s8, $0x3  }
0xc: {  	s5 =	sadd.s32 s5, s0;
	s0 =	sadd.s32 s6, s0;
	s13 =	ssub.s32 s4, s22  }
0xd: {  	s4 =	sadd.s32 s7, s1;
	s7 =	sadd.s32 s3, s23;
	s22 =	simm.s32 $0x4300  }
0xe: {  	s23 =	simm.s32 $0x4;
	s24 =	sadd.s32 $0x4000, s4;
	s25 =	sadd.s32 $0x8000, s4  }
0xf: {  	s8 =	sadd.s32 $0xC000, s4;
	s9 =	sadd.s32 $0x10000, s4;
	s10 =	sadd.s32 $0x20, s7  }
0x10: {  	s11 =	sadd.s32 $0x40, s7;
	s12 =	sadd.s32 $0x3E00, s5;
	s0 =	sadd.s32 $0x52000, s0  }
0x11: {  	s13 =	smax.u32 s13, $0x1;
	[dreg:$0x4] =	wrdreg s24;
	s24 =	smul.u32 $0x2780, s14  }
0x12: {  	[dreg:$0x5] =	wrdreg s25;
	s14 =	sadd.s32 s26, s3;
	s25 =	simm.s32 $0x3  }
0x13: {  	v0 =	vimm.f32 $0.0e+00;
	s26 =	simm.s32 $0x8300;
	s24 =	sadd.s32 s24, s0;
	s0 =	simm.s32 $0x0  }
.LBB2_1:
0x14: {  	s3 =	simm.s32 $0x0;
	s5 =	simm.s32 $0x200  }
.LBB2_2:
0x15: {  	p0 =	sne.s32 s5, $0xFE00;
	[tilespmem:s3+$0x370] =	vst v0  }
0x16: {  	[tilespmem:s3+$0x300] =	vst v0  }
0x17: {  	[tilespmem:s3+$0x310] =	vst v0  }
.Ltmp0:
0x18: {  	[tilespmem:s3+$0x320] =	vst v0;
	(pc) =	sbr.rel @p0 .LBB2_2-.Ltmp0, $4  }
0x19: {  	[tilespmem:s3+$0x330] =	vst v0  }
0x1a: {  	[tilespmem:s3+$0x340] =	vst v0  }
0x1b: {  	[tilespmem:s3+$0x350] =	vst v0  }
0x1c: {  	[tilespmem:s3+$0x360] =	vst v0;
	s3 =	sshra.s32 s5, $0x2;
	s5 =	sadd.s32 $0x200, s5  }
0x1d: {  	[tilespmem:s3+$0x370] =	vst v0  }
0x1e: {  	[tilespmem:s3+$0x300] =	vst v0  }
0x1f: {  	[tilespmem:s3+$0x310] =	vst v0  }
0x20: {  	[tilespmem:s3+$0x320] =	vst v0  }
0x21: {  	[tilespmem:s3+$0x330] =	vst v0  }
0x22: {  	[tilespmem:s3+$0x340] =	vst v0  }
0x23: {  	[tilespmem:s3+$0x350] =	vst v0  }
0x24: {  	[tilespmem:s3+$0x360] =	vst v0  }
0x25: {  	[spmem:s4] =	stream.linear.scatter [tilespmem:s15], [sflag:$0x7], $0x4000, $0x38;
	[tilespmem:$0x1FF00] =	vst v63  }
0x26: {  	_ =	swait.ge [sflag:s16], $0x4000  }
0x27: {  	[sflag:s16] =	ssyncset.done $0x0  }
0x28: {  	s6 =	rddreg [dreg:$0x4];
	[sflag:s16] =	ssyncadd.s32 $0xFFFFC000  }
0x29: {  	[spmem:s6] =	stream.linear.scatter [tilespmem:s15], [sflag:$0x7], $0x4000, $0x38;
	[tilespmem:$0x1FF00] =	vst v63  }
0x2a: {  	_ =	swait.ge [sflag:s16], $0x4000  }
0x2b: {  	[sflag:s16] =	ssyncset.done $0x0  }
0x2c: {  	s5 =	rddreg [dreg:$0x5];
	[sflag:s16] =	ssyncadd.s32 $0xFFFFC000  }
0x2d: {  	[spmem:s5] =	stream.linear.scatter [tilespmem:s15], [sflag:$0x7], $0x4000, $0x38;
	[tilespmem:$0x1FF00] =	vst v63  }
0x2e: {  	_ =	swait.ge [sflag:s16], $0x4000  }
0x2f: {  	[sflag:s16] =	ssyncset.done $0x0  }
0x30: {  	[sflag:s16] =	ssyncadd.s32 $0xFFFFC000  }
0x31: {  	[spmem:s8] =	stream.linear.scatter [tilespmem:s15], [sflag:$0x7], $0x4000, $0x38;
	[tilespmem:$0x1FF00] =	vst v63  }
0x32: {  	_ =	swait.ge [sflag:s16], $0x4000  }
0x33: {  	[sflag:s16] =	ssyncset.done $0x0  }
0x34: {  	[sflag:s16] =	ssyncadd.s32 $0xFFFFC000  }
0x35: {  	[spmem:s9] =	stream.linear.scatter [tilespmem:s15], [sflag:$0x7], $0x3C00, $0x38;
	[tilespmem:$0x1FF00] =	vst v63  }
0x36: {  	_ =	swait.ge [sflag:s16], $0x3C00  }
0x37: {  	[sflag:s16] =	ssyncset.done $0x0  }
0x38: {  	[sflag:s16] =	ssyncadd.s32 $0xFFFFC400  }
0x39: {  	[bflag:$0x0] =	sbarrier.arrive $0xFFFF  }
0x3a: {  	[tilespmem:s2], [sflag:$0x1] =	stream.linear.gather [hbm4b:s7+s2], $0x100, $0x38;
	[tilespmem:$0x1FF00] =	vst v63  }
0x3b: {  	_ = 	snop  }
0x3c: {  	[tilespmem:s17], [sflag:$0x2] =	stream.linear.gather [hbm4b:s10+s2], $0x100, $0x38;
	[tilespmem:$0x1FF00] =	vst v63  }
0x3d: {  	_ = 	snop  }
0x3e: {  	[tilespmem:s18], [sflag:$0x3] =	stream.linear.gather [hbm4b:s11+s2], $0x100, $0x38;
	[tilespmem:$0x1FF00] =	vst v63  }
0x3f: {  	_ =	swait.ge [sflag:s19], $0x100  }
0x40: {  	[sflag:s19] =	ssyncset.done $0x0  }
0x41: {  	[sflag:s19] =	ssyncadd.s32 $0xFFFFFF00  }
0x42: {  	[tilespmem:s15], [sflag:$0x4] =	stream.indirect.gather [hbm4b:s12+s20], $0x80, s2, s20, $0xb8;
	[tilespmem:$0x1FF00] =	vst v63  }
0x43: {  	_ =	swait.ge [sflag:s21], $0x100  }
0x44: {  	[sflag:s21] =	ssyncset.done $0x0  }
0x45: {  	[sflag:s21] =	ssyncadd.s32 $0xFFFFFF00  }
0x46: {  	[tilespmem:s22], [sflag:$0x5] =	stream.indirect.gather [hbm4b:s12+s20], $0x80, s17, s20, $0xb8;
	[tilespmem:$0x1FF00] =	vst v63  }
0x47: {  	_ =	swait.ge [sflag:s23], $0x4000  }
0x48: {  	[sflag:s23] =	ssyncset.done $0x0  }
0x49: {  	[sflag:s23] =	ssyncadd.s32 $0xFFFFC000  }
0x4a: {  	[spmem:s1] =	stream.indirect.scatter.add.f32 [tilespmem:s15], [sflag:$0x7], $0x80, s20, s20, $0xb8;
	[tilespmem:$0x1FF00] =	vst v63  }
0x4b: {  	_ =	swait.ge [sflag:s16], $0x4000  }
0x4c: {  	s3 =	sadd.s32 $0xFFFFEC80, s14;
	[sflag:s16] =	ssyncset.done $0x0  }
0x4d: {  	s5 =	sadd.s32 $0x13E0, s3;
	[sflag:s16] =	ssyncadd.s32 $0xFFFFC000  }
0x4e: {  	[tilespmem:s2], [sflag:$0x1] =	stream.linear.gather [hbm4b:s5+s2], $0x100, $0x38;
	[tilespmem:$0x1FF00] =	vst v63  }
0x4f: {  	_ =	swait.ge [sflag:s25], $0x100  }
0x50: {  	[sflag:s25] =	ssyncset.done $0x0  }
0x51: {  	[sflag:s25] =	ssyncadd.s32 $0xFFFFFF00  }
0x52: {  	[tilespmem:s26], [sflag:$0x6] =	stream.indirect.gather [hbm4b:s12+s20], $0x80, s18, s20, $0xb8;
	[tilespmem:$0x1FF00] =	vst v63  }
0x53: {  	_ =	swait.ge [sflag:s28], $0x4000  }
0x54: {  	[sflag:s28] =	ssyncset.done $0x0  }
0x55: {  	[sflag:s28] =	ssyncadd.s32 $0xFFFFC000  }
0x56: {  	[spmem:s1] =	stream.indirect.scatter.add.f32 [tilespmem:s22], [sflag:$0x7], $0x80, s29, s20, $0xb8;
	[tilespmem:$0x1FF00] =	vst v63  }
0x57: {  	_ =	swait.ge [sflag:s16], $0x4000  }
0x58: {  	[sflag:s16] =	ssyncset.done $0x0  }
0x59: {  	s6 =	sadd.s32 $0x1400, s3;
	[sflag:s16] =	ssyncadd.s32 $0xFFFFC000  }
0x5a: {  	[tilespmem:s17], [sflag:$0x2] =	stream.linear.gather [hbm4b:s6+s2], $0x100, $0x38;
	[tilespmem:$0x1FF00] =	vst v63  }
0x5b: {  	_ =	swait.ge [sflag:s19], $0x100  }
0x5c: {  	[sflag:s19] =	ssyncset.done $0x0  }
0x5d: {  	[sflag:s19] =	ssyncadd.s32 $0xFFFFFF00  }
0x5e: {  	[tilespmem:s15], [sflag:$0x4] =	stream.indirect.gather [hbm4b:s12+s20], $0x80, s2, s20, $0xb8;
	[tilespmem:$0x1FF00] =	vst v63  }
0x5f: {  	_ =	swait.ge [sflag:s30], $0x4000  }
0x60: {  	[sflag:s30] =	ssyncset.done $0x0  }
0x61: {  	[sflag:s30] =	ssyncadd.s32 $0xFFFFC000  }
0x62: {  	[spmem:s1] =	stream.indirect.scatter.add.f32 [tilespmem:s26], [sflag:$0x7], $0x80, s31, s20, $0xb8;
	[tilespmem:$0x1FF00] =	vst v63  }
0x63: {  	_ =	swait.ge [sflag:s16], $0x4000  }
0x64: {  	[sflag:s16] =	ssyncset.done $0x0  }
0x65: {  	s3 =	sadd.s32 $0x1420, s3;
	[sflag:s16] =	ssyncadd.s32 $0xFFFFC000  }
0x66: {  	[tilespmem:s18], [sflag:$0x3] =	stream.linear.gather [hbm4b:s3+s2], $0x100, $0x38;
	[tilespmem:$0x1FF00] =	vst v63  }
0x67: {  	_ =	swait.ge [sflag:s21], $0x100  }
0x68: {  	[sflag:s21] =	ssyncset.done $0x0  }
0x69: {  	s3 =	simm.s32 $0xFFFFECE0;
	[sflag:s21] =	ssyncadd.s32 $0xFFFFFF00  }
.LBB2_4:
0x6a: {  	[tilespmem:s22], [sflag:$0x5] =	stream.indirect.gather [hbm4b:s12+s20], $0x80, s17, s20, $0xb8;
	[tilespmem:$0x1FF00] =	vst v63  }
0x6b: {  	s5 =	smov.u32 s3  }
0x6c: {  	p0 =	sne.s32 s3, $0xFFFFFFA0;
	s3 =	sadd.s32 $0x60, s3;
	_ =	swait.ge [sflag:s23], $0x4000  }
0x6d: {  	[sflag:s23] =	ssyncset.done $0x0  }
0x6e: {  	[sflag:s23] =	ssyncadd.s32 $0xFFFFC000  }
0x6f: {  	[spmem:s1] =	stream.indirect.scatter.add.f32 [tilespmem:s15], [sflag:$0x7], $0x80, s20, s20, $0xb8;
	[tilespmem:$0x1FF00] =	vst v63  }
0x70: {  	_ =	swait.ge [sflag:s16], $0x4000  }
0x71: {  	s5 =	sadd.s32 s5, s14;
	[sflag:s16] =	ssyncset.done $0x0  }
0x72: {  	s6 =	sadd.s32 $0x13E0, s5;
	[sflag:s16] =	ssyncadd.s32 $0xFFFFC000  }
0x73: {  	[tilespmem:s2], [sflag:$0x1] =	stream.linear.gather [hbm4b:s6+s2], $0x100, $0x38;
	[tilespmem:$0x1FF00] =	vst v63  }
0x74: {  	_ =	swait.ge [sflag:s25], $0x100  }
0x75: {  	[sflag:s25] =	ssyncset.done $0x0  }
0x76: {  	[sflag:s25] =	ssyncadd.s32 $0xFFFFFF00  }
0x77: {  	[tilespmem:s26], [sflag:$0x6] =	stream.indirect.gather [hbm4b:s12+s20], $0x80, s18, s20, $0xb8;
	[tilespmem:$0x1FF00] =	vst v63  }
0x78: {  	_ =	swait.ge [sflag:s28], $0x4000  }
0x79: {  	[sflag:s28] =	ssyncset.done $0x0  }
0x7a: {  	[sflag:s28] =	ssyncadd.s32 $0xFFFFC000  }
0x7b: {  	[spmem:s1] =	stream.indirect.scatter.add.f32 [tilespmem:s22], [sflag:$0x7], $0x80, s29, s20, $0xb8;
	[tilespmem:$0x1FF00] =	vst v63  }
0x7c: {  	_ =	swait.ge [sflag:s16], $0x4000  }
0x7d: {  	[sflag:s16] =	ssyncset.done $0x0  }
0x7e: {  	s6 =	sadd.s32 $0x1400, s5;
	[sflag:s16] =	ssyncadd.s32 $0xFFFFC000  }
0x7f: {  	[tilespmem:s17], [sflag:$0x2] =	stream.linear.gather [hbm4b:s6+s2], $0x100, $0x38;
	[tilespmem:$0x1FF00] =	vst v63  }
0x80: {  	_ =	swait.ge [sflag:s19], $0x100  }
0x81: {  	[sflag:s19] =	ssyncset.done $0x0  }
0x82: {  	[sflag:s19] =	ssyncadd.s32 $0xFFFFFF00  }
0x83: {  	[tilespmem:s15], [sflag:$0x4] =	stream.indirect.gather [hbm4b:s12+s20], $0x80, s2, s20, $0xb8;
	[tilespmem:$0x1FF00] =	vst v63  }
0x84: {  	_ =	swait.ge [sflag:s30], $0x4000  }
0x85: {  	[sflag:s30] =	ssyncset.done $0x0  }
0x86: {  	[sflag:s30] =	ssyncadd.s32 $0xFFFFC000  }
0x87: {  	[spmem:s1] =	stream.indirect.scatter.add.f32 [tilespmem:s26], [sflag:$0x7], $0x80, s31, s20, $0xb8;
	[tilespmem:$0x1FF00] =	vst v63  }
0x88: {  	_ =	swait.ge [sflag:s16], $0x4000  }
0x89: {  	[sflag:s16] =	ssyncset.done $0x0  }
.Ltmp1:
0x8a: {  	s5 =	sadd.s32 $0x1420, s5;
	[sflag:s16] =	ssyncadd.s32 $0xFFFFC000;
	(pc) =	sbr.rel @p0 .LBB2_4-.Ltmp1, $4  }
0x8b: {  	[tilespmem:s18], [sflag:$0x3] =	stream.linear.gather [hbm4b:s5+s2], $0x100, $0x38;
	[tilespmem:$0x1FF00] =	vst v63  }
0x8c: {  	_ =	swait.ge [sflag:s21], $0x100  }
0x8d: {  	[sflag:s21] =	ssyncset.done $0x0  }
0x8e: {  	[sflag:s21] =	ssyncadd.s32 $0xFFFFFF00  }
0x8f: {  	[tilespmem:s22], [sflag:$0x5] =	stream.indirect.gather [hbm4b:s12+s20], $0x80, s17, s20, $0xb8;
	[tilespmem:$0x1FF00] =	vst v63  }
0x90: {  	_ =	swait.ge [sflag:s23], $0x4000  }
0x91: {  	[sflag:s23] =	ssyncset.done $0x0  }
0x92: {  	[sflag:s23] =	ssyncadd.s32 $0xFFFFC000  }
0x93: {  	[spmem:s1] =	stream.indirect.scatter.add.f32 [tilespmem:s15], [sflag:$0x7], $0x80, s20, s20, $0xb8;
	[tilespmem:$0x1FF00] =	vst v63  }
0x94: {  	_ =	swait.ge [sflag:s16], $0x4000  }
0x95: {  	[sflag:s16] =	ssyncset.done $0x0  }
0x96: {  	[sflag:s16] =	ssyncadd.s32 $0xFFFFC000  }
0x97: {  	_ =	swait.ge [sflag:s25], $0x100  }
0x98: {  	[sflag:s25] =	ssyncset.done $0x0  }
0x99: {  	[sflag:s25] =	ssyncadd.s32 $0xFFFFFF00  }
0x9a: {  	[tilespmem:s26], [sflag:$0x6] =	stream.indirect.gather [hbm4b:s12+s20], $0x80, s18, s20, $0xb8;
	[tilespmem:$0x1FF00] =	vst v63  }
0x9b: {  	_ =	swait.ge [sflag:s28], $0x4000  }
0x9c: {  	[sflag:s28] =	ssyncset.done $0x0  }
0x9d: {  	[sflag:s28] =	ssyncadd.s32 $0xFFFFC000  }
0x9e: {  	[spmem:s1] =	stream.indirect.scatter.add.f32 [tilespmem:s22], [sflag:$0x7], $0x80, s29, s20, $0xb8;
	[tilespmem:$0x1FF00] =	vst v63  }
0x9f: {  	_ =	swait.ge [sflag:s16], $0x4000  }
0xa0: {  	[sflag:s16] =	ssyncset.done $0x0  }
0xa1: {  	[sflag:s16] =	ssyncadd.s32 $0xFFFFC000  }
0xa2: {  	_ =	swait.ge [sflag:s30], $0x4000  }
0xa3: {  	[sflag:s30] =	ssyncset.done $0x0  }
0xa4: {  	[sflag:s30] =	ssyncadd.s32 $0xFFFFC000  }
0xa5: {  	[spmem:s1] =	stream.indirect.scatter.add.f32 [tilespmem:s26], [sflag:$0x7], $0x80, s31, s20, $0xb8;
	[tilespmem:$0x1FF00] =	vst v63  }
0xa6: {  	s3 =	stileid.u32;
	_ =	swait.ge [sflag:s16], $0x4000  }
0xa7: {  	s5 =	sshrl.u32 s4, $0x3;
	s0 =	sadd.s32 $0x1, s0;
	[sflag:s16] =	ssyncset.done $0x0  }
0xa8: {  	s3 =	sshll.u32 s3, $0x6;
	p0 =	sne.s32 s0, s13;
	[sflag:s16] =	ssyncadd.s32 $0xFFFFC000  }
.Ltmp2:
0xa9: {  	s3 =	sor.u32 $0x1C07, s3;
	[bflag:$0x0] =	sbarrier.arrive $0xFFFF;
	(pc) =	sbr.rel @p0 .LBB2_1-.Ltmp2, $4  }
0xaa: {  	[hbm:s24], [sflag:s3] =	dma.local [spmem:s5], $0x2780  }
0xab: {  	_ =	swait.ge [sflag:s16], $0x2780  }
0xac: {  	[sflag:s16] =	ssyncset.done $0x0  }
0xad: {  	[sflag:s16] =	ssyncadd.s32 $0xFFFFD880  }
0xae: {  	_ =	sfence.sel $0x180000  }
0xaf: {  	[bflag:$0x0] =	sbarrier.arrive $0xFFFF  }
0xb0: {  	_ =	strace $0x90000047  }
0xb1: {  	s0 =	stileid.u32;
	[bflag:$0x2] =	sbarrier.arrive $0xFFFF  }
0xb2: {  	p0 =	sne.s32 s0, $0x0;
	s0 =	rddreg [dreg:$0x3]  }
0xb3: {  	s0 =	sadd.s32 @!p0 $0x100000, s0  }
0xb4: {  	[sflag:s0] =	ssyncadd.tile.s32 @!p0 $0x1;
	_ =	shalt  }
.Lfunc_end2:
_tile_overlayer_lowered:
.L_overlay_start_2:
0xb5: {  	(tag) =	ssettag $0x2  }
0xb6: {  	s0 =	rddreg [dreg:$0x0];
	s2 =	stileid.u32  }
0xb7: {  	s1 =	rddreg [dreg:$0x1];
	p0 =	sne.s32 s2, $0x0  }
0xb8: {  	s3 =	rddreg [dreg:$0x2];
	[bflag:$0x3] =	sbarrier.arrive $0xFFFF;
	s2 =	simm.s32 @!p0 $0x1C07  }
0xb9: {  	[timem:s3], [sflag:s2] =	dma.local @!p0 [hbm:s0], s1  }
0xba: {  	s0 =	simm.s32 @!p0 $0x7  }
0xbb: {  	_ =	swait.ge @!p0 [sflag:s0], s1  }
0xbc: {  	s1 =	ssub.s32 @!p0 $0x0, s1;
	[sflag:s0] =	ssyncset.done @!p0 $0x0  }
0xbd: {  	[sflag:s0] =	ssyncadd.s32 @!p0 s1  }
0xbe: {  	[bflag:$0x3] =	sbarrier.arrive $0xFFFF  }
0xbf: {  	_ =	shalt  }

// kernel: kernel.15.cloned.1.call-start
scs
__scs_entry_jumppad:
0x0: {  	(pc) =	sbr.rel $0x88, $3  }
0x1: {  	(tag) =	ssettag $0x0;
	lr =	simm.s32 $0x1  }
0x2: {  	[smem:$0x3F8D] =	sst lr;
	_ =	strace $0xD0000000  }
0x3: {  	_ = 	snop  }
0x4: {  	_ = 	snop  }
0x5: {  	_ = 	snop  }
0x6: {  	_ = 	snop  }
0x7: {  	_ = 	snop  }
__scs_overlays_trampoline_lowered:
0x8: {  	[smem:$0x3F9C] =	sst s0  }
0x9: {  	[smem:$0x3F9D] =	sst s1  }
0xa: {  	[smem:$0x3F9E] =	sst s2  }
0xb: {  	[smem:$0x3F9F] =	sst s3  }
0xc: {  	[smem:$0x3FA0] =	sst s4  }
0xd: {  	[smem:$0x3FA1] =	sst s5  }
0xe: {  	[smem:$0x3FA2] =	sst s6  }
0xf: {  	[smem:$0x3FA3] =	sst s7  }
0x10: {  	[smem:$0x3FA4] =	sst s8  }
0x11: {  	[smem:$0x3FA5] =	sst s9;
	s0 =	simm.s32 @!p0 $0x0  }
0x12: {  	s1 =	sld [smem:$0x3F8B];
	s0 =	simm.s32 @p0 $0x1  }
0x13: {  	[smem:$0x3FA6] =	sst s0;
	s0 =	simm.s32 @!p1 $0x0  }
0x14: {  	s2 =	sld [smem:$0x3F8A];
	s0 =	simm.s32 @p1 $0x1  }
0x15: {  	[smem:$0x3FA7] =	sst s0;
	s0 =	simm.s32 @!p2 $0x0  }
0x16: {  	s3 =	sld [smem:$0x3FDB];
	s0 =	simm.s32 @p2 $0x1  }
0x17: {  	s4 =	simm.s32 $0x1BF5;
	[smem:$0x3FA9] =	sst s0  }
0x18: {  	s0 =	sld [smem:$0x3F8C];
	_ =	swait.ge [sflag:s4], $0x0  }
0x19: {  	s7 =	sld [smem:$0x3F8D]  }
0x1a: {  	s8 =	sadd.s32 $0xFFFFE003, lr  }
0x1b: {  	s9 =	sadd.s32 $0xFFFFFEF7, lr;
	s5 =	simm.s32 $0xFFFFFFFF;
	p2 =	slt.u32 s8, $0xFFFFF086  }
0x1c: {  	p1 =	slt.u32 s9, $0xF7A;
	s5 =	simm.s32 @!p2 $0x0  }
0x1d: {  	s5 =	simm.s32 @p1 $0x1;
	p0 =	seq.s32 s7, s2  }
0x1e: {  	s7 =	smul.u32 @!p0 $0xF7A, s2;
	p2 =	seq.s32 @!p0 s5, $0x0  }
0x1f: {  	s9 =	smul.u32 $0xF7A, s1;
	s8 =	simm.s32 @!p0 $0x1BF5;
	p2 =	por !p2, p0  }
0x20: {  	[sflag:s8] =	ssyncset.s32 @!p0 $0xFFFFF086;
	s6 =	sadd.s32 @!p0 s3, s7;
	s7 =	simm.s32 @!p0 $0x108  }
0x21: {  	s3 =	sadd.s32 s3, s9;
	s6 =	sadd.s32 @!p0 $0x88, s6;
	s7 =	simm.s32 @p2 $0x1082  }
0x22: {  	[simem:s7], [sflag:s8] =	dma.local @!p0 [hbm:s6], $0xF7A  }
0x23: {  	s9 =	sor.u32 $0xD0000000, s2;
	s6 =	simm.s32 $0x108;
	_ =	swait.ge @!p0 [sflag:s8], $0x0  }
0x24: {  	s3 =	sadd.s32 $0x88, s3;
	s6 =	simm.s32 @!p1 $0x1082;
	[sflag:s4] =	ssyncset.s32 $0xFFFFF086  }
0x25: {  	[simem:s6], [sflag:s4] =	dma.local [hbm:s3], $0xF7A  }
0x26: {  	[smem:$0x3F8D] =	sst s1;
	(tag) =	ssettag s2;
	_ =	strace s9  }
0x27: {  	s1 =	sld [smem:$0x3F9D]  }
0x28: {  	s2 =	sld [smem:$0x3F9E]  }
0x29: {  	s4 =	sld [smem:$0x3FA0]  }
0x2a: {  	p0 =	seq.s32 s5, $0x0;
	s5 =	sld [smem:$0x3FA1]  }
0x2b: {  	s6 =	sld [smem:$0x3FA2]  }
0x2c: {  	s7 =	sld [smem:$0x3FA3]  }
0x2d: {  	s3 =	simm.s32 $0x108;
	s8 =	sld [smem:$0x3FA4]  }
0x2e: {  	s3 =	simm.s32 @!p0 $0x1082;
	s9 =	sld [smem:$0x3FA5]  }
0x2f: {  	lr =	sadd.s32 s0, s3;
	s0 =	sld [smem:$0x3F9C]  }
0x30: {  	s3 =	sld [smem:$0x3F9F]  }
0x31: {  	[smem:$0x3FA8] =	sst s10  }
0x32: {  	s10 =	sld [smem:$0x3FA6];
	_ =	sdelay $0x3  }
0x33: {  	p0 =	seq.s32 s10, $0x1;
	s10 =	sld [smem:$0x3FA8];
	_ =	sdelay $0x3  }
0x34: {  	[smem:$0x3FA8] =	sst s10  }
0x35: {  	s10 =	sld [smem:$0x3FA7];
	_ =	sdelay $0x3  }
0x36: {  	p1 =	seq.s32 s10, $0x1;
	s10 =	sld [smem:$0x3FA8];
	_ =	sdelay $0x3  }
0x37: {  	[smem:$0x3FA8] =	sst s10  }
0x38: {  	s10 =	sld [smem:$0x3FA9]  }
0x39: {  	_ = 	snop;
	(pc) =	sbr.ind lr, $3  }
0x3a: {  	_ = 	snop  }
0x3b: {  	_ = 	snop  }
0x3c: {  	p2 =	seq.s32 s10, $0x1;
	s10 =	sld [smem:$0x3FA8]  }
0x3d: {  	_ =	shalt  }
0x3e: {  	_ =	shalt  }
0x3f: {  	_ =	shalt  }
0x40: {  	_ =	shalt  }
0x41: {  	_ =	shalt  }
0x42: {  	_ =	shalt  }
0x43: {  	_ =	shalt  }
0x44: {  	_ =	shalt  }
0x45: {  	_ =	shalt  }
0x46: {  	_ =	shalt  }
0x47: {  	_ =	shalt  }
0x48: {  	_ =	shalt  }
0x49: {  	_ =	shalt  }
0x4a: {  	_ =	shalt  }
0x4b: {  	_ =	shalt  }
0x4c: {  	_ =	shalt  }
0x4d: {  	_ =	shalt  }
0x4e: {  	_ =	shalt  }
0x4f: {  	_ =	shalt  }
0x50: {  	_ =	shalt  }
0x51: {  	_ =	shalt  }
0x52: {  	_ =	shalt  }
0x53: {  	_ =	shalt  }
0x54: {  	_ =	shalt  }
0x55: {  	_ =	shalt  }
0x56: {  	_ =	shalt  }
0x57: {  	_ =	shalt  }
0x58: {  	_ =	shalt  }
0x59: {  	_ =	shalt  }
0x5a: {  	_ =	shalt  }
0x5b: {  	_ =	shalt  }
0x5c: {  	_ =	shalt  }
0x5d: {  	_ =	shalt  }
0x5e: {  	_ =	shalt  }
0x5f: {  	_ =	shalt  }
0x60: {  	_ =	shalt  }
0x61: {  	_ =	shalt  }
0x62: {  	_ =	shalt  }
0x63: {  	_ =	shalt  }
0x64: {  	_ =	shalt  }
0x65: {  	_ =	shalt  }
0x66: {  	_ =	shalt  }
0x67: {  	_ =	shalt  }
0x68: {  	_ =	shalt  }
0x69: {  	_ =	shalt  }
0x6a: {  	_ =	shalt  }
0x6b: {  	_ =	shalt  }
0x6c: {  	_ =	shalt  }
0x6d: {  	_ =	shalt  }
0x6e: {  	_ =	shalt  }
0x6f: {  	_ =	shalt  }
0x70: {  	_ =	shalt  }
0x71: {  	_ =	shalt  }
0x72: {  	_ =	shalt  }
0x73: {  	_ =	shalt  }
0x74: {  	_ =	shalt  }
0x75: {  	_ =	shalt  }
0x76: {  	_ =	shalt  }
0x77: {  	_ =	shalt  }
0x78: {  	_ =	shalt  }
0x79: {  	_ =	shalt  }
0x7a: {  	_ =	shalt  }
0x7b: {  	_ =	shalt  }
0x7c: {  	_ =	shalt  }
0x7d: {  	_ =	shalt  }
0x7e: {  	_ =	shalt  }
0x7f: {  	_ =	shalt  }
0x80: {  	_ =	shalt  }
0x81: {  	_ =	shalt  }
0x82: {  	_ =	shalt  }
0x83: {  	_ =	shalt  }
0x84: {  	_ =	shalt  }
0x85: {  	_ =	shalt  }
0x86: {  	_ =	shalt  }
0x87: {  	_ =	shalt  }
.Lfunc_end0:
.L_simem_size_0:
called_computation.1_lowered:
.L_overlay_start_0:
0x88: {  	s2 =	sld [smem:$0x3FD9]  }
0x89: {  	s3 =	sld [smem:$0x3FFE];
	_ =	sdelay $0x1  }
0x8a: {  	s1 =	srdreg.scid  }
0x8b: {  	s0 =	sand.u32 $0x1, s1  }
0x8c: {  	s17 =	sshll.u32 s0, $0xA;
	s2 =	sadd.s32 s3, s2  }
0x8d: {  	s2 =	sadd.s32 s2, s17  }
0x8e: {  	[smem:$0x3FB4] =	sst s2  }
0x8f: {  	_ = 	snop  }
0x90: {  	s2 =	sld [smem:$0x3FD0];
	(tm) =	ssettm $0x1  }
0x91: {  	s18 =	sld [smem:$0x3FFB];
	_ =	sdelay $0x3  }
0x92: {  	_ =	strace s18  }
0x93: {  	s3 =	sld [smem:$0x3FFC];
	_ =	sdelay $0x3  }
0x94: {  	_ =	strace s3  }
0x95: {  	s3 =	sld [smem:$0x3FFD];
	_ =	sdelay $0x3  }
0x96: {  	_ =	strace s3  }
0x97: {  	_ =	strace $0x8FFFFFFF  }
0x98: {  	s19 =	sld [smem:$0x3FDB];
	_ =	sdelay $0x1  }
0x99: {  	s4 =	simm.s32 $_scs_section_size  }
0x9a: {  	s5 =	simm.s32 $_size__tile_overlayer_lowered;
	s6 =	simm.s32 $_tile_overlayer_lowered  }
0x9b: {  	s22 =	simm.s32 $0x1BFF;
	s21 =	sshll.u32 s6, $0x1;
	s3 =	sadd.s32 s4, s19  }
0x9c: {  	s7 =	simm.s32 $0x0;
	s20 =	sshll.u32 s5, $0x1;
	s5 =	sadd.s32 s21, s3  }
0x9d: {  	[timem:s7], [sflag:s22] =	dma.local [hbm:s5], s20  }
0x9e: {  	_ =	swait.ge [sflag:s22], s20  }
0x9f: {  	s4 =	ssub.s32 $0x0, s20;
	[sflag:s22] =	ssyncset.done $0x0  }
0xa0: {  	[sflag:s22] =	ssyncadd.s32 s4;
	_ =	sdelay $0x1  }
0xa1: {  	s23 =	simm.s32 $0x1B8B  }
0xa2: {  	_ =	swait.ge [sflag:s23], $0x1  }
0xa3: {  	[sflag:s23] =	ssyncset.done $0x0  }
0xa4: {  	s25 =	simm.s32 $0x1B8E;
	s24 =	sld [smem:$0x3FFE];
	[sflag:s23] =	ssyncadd.s32 $0xFFFFFFFF  }
0xa5: {  	s26 =	simm.s32 $execute0_lowered;
	[smem:$0x3FD2] =	sst s25  }
0xa6: {  	s5 =	sshll.u32 s26, $0x1;
	_ =	strace $0x80000049;
	[dreg:$0x1] =	wrdreg $0xFFFFFFFF  }
0xa7: {  	s28 =	simm.s32 $_size_execute0_lowered;
	s3 =	sadd.s32 s3, s5;
	[dreg:$0x0] =	wrdreg $0x0  }
0xa8: {  	s5 =	sshll.u32 s28, $0x1;
	[dreg:$0x2] =	wrdreg s3  }
0xa9: {  	[dreg:$0x3] =	wrdreg s5  }
0xaa: {  	[dreg:$0x4] =	wrdreg $0xC0  }
0xab: {  	_ =	task [dreg:s7], $0x5FFFF  }
0xac: {  	[dreg:$0x1] =	wrdreg $0xFFFFFFFF  }
0xad: {  	[dreg:$0x0] =	wrdreg $0x60  }
0xae: {  	[dreg:$0x2] =	wrdreg s24  }
0xaf: {  	[dreg:$0x3] =	wrdreg s2  }
0xb0: {  	[dreg:$0x4] =	wrdreg $0xC3000  }
0xb1: {  	[dreg:$0x5] =	wrdreg $0x9  }
0xb2: {  	_ =	task.clear_ibuf [dreg:s7], $0x6FFFF;
	_ =	strace $0x90000049  }
0xb3: {  	s29 =	simm.s32 $0x9;
	_ =	strace $0x8000004B  }
0xb4: {  	_ =	swait.ge [sflag:s29], $0x1  }
0xb5: {  	[sflag:s29] =	ssyncadd.s32 $0xFFFFFFFF  }
0xb6: {  	_ =	strace $0x9000004B  }
0xb7: {  	_ =	sfence  }
0xb8: {  	s30 =	sld [smem:$0x0];
	_ =	sdelay $0x2  }
0xb9: {  	s31 =	sshll.u32 s1, $0xD;
	s1 =	sshrl.u32 s1, $0x2  }
0xba: {  	s3 =	sand.u32 $0x4000, s31;
	s1 =	sadd.s32 s1, s30  }
0xbb: {  	s0 =	sor.u32 s3, s0;
	s1 =	sshll.u32 s1, $0x11  }
0xbc: {  	s0 =	sor.u32 s1, s0  }
0xbd: {  	s0 =	sadd.s32 $0x8F2B, s0  }
0xbe: {  	[sflag:s0] =	ssyncadd.remote.s32 $0x1  }
0xbf: {  	_ =	sfence.sel $0xFFFF  }
0xc0: {  	[dreg:$0x0] =	wrdreg $0xFFFFFFFF;
	(pc) =	sbr.abs _section_cstart, $3  }
0xc1: {  	[dreg:$0x1] =	wrdreg $0xFFFFFFFF  }
0xc2: {  	_ =	task.clear_ibuf [dreg:s7], $0x2FFFF;
	_ =	strace $0x9FFFFFFF  }
0xc3: {  	(tm) =	ssettm $0x7FFFFFFF  }
tec
execute0_lowered:
.L_overlay_start_1:
0x0: {  	(tag) =	ssettag $0x1  }
0x1: {  	s0 =	rddreg [dreg:$0x0]  }
0x2: {  	s3 =	rddreg [dreg:$0x1]  }
0x3: {  	s1 =	rddreg [dreg:$0x2];
	s4 =	srdreg.scid;
	s2 =	simm.s32 $0x0  }
0x4: {  	s14 =	stileid.u32;
	s15 =	simm.s32 $0x300;
	s16 =	simm.s32 $0x7  }
0x5: {  	s17 =	simm.s32 $0x100;
	s18 =	simm.s32 $0x200;
	s19 =	simm.s32 $0x1  }
0x6: {  	s20 =	simm.s32 $0x80;
	s21 =	simm.s32 $0x2;
	s7 =	smul.u32 $0x4F000, s14  }
0x7: {  	s28 =	simm.s32 $0x5;
	s29 =	simm.s32 $0x180;
	s8 =	smul.u32 $0x9F00, s14  }
0x8: {  	s30 =	simm.s32 $0x6;
	s4 =	sand.u32 $0x1, s4;
	s26 =	smul.u32 $0x13E0, s14  }
0x9: {  	s31 =	simm.s32 $0x280;
	[smem:$0x7FF] =	sst s2;
	s5 =	smul.u32 $0x27100, s4  }
0xa: {  	s6 =	smul.u32 $0x27800, s4;
	_ =	strace $0x8000004A;
	s4 =	ssub.s32 $0x2, s4  }
0xb: {  	s22 =	sshrl.u32 s4, $0x1;
	s7 =	sshrl.u32 s7, $0x2;
	s23 =	sshrl.u32 s8, $0x3  }
0xc: {  	s5 =	sadd.s32 s5, s0;
	s0 =	sadd.s32 s6, s0;
	s13 =	ssub.s32 s4, s22  }
0xd: {  	s4 =	sadd.s32 s7, s1;
	s7 =	sadd.s32 s3, s23;
	s22 =	simm.s32 $0x4300  }
0xe: {  	s23 =	simm.s32 $0x4;
	s24 =	sadd.s32 $0x4000, s4;
	s25 =	sadd.s32 $0x8000, s4  }
0xf: {  	s8 =	sadd.s32 $0xC000, s4;
	s9 =	sadd.s32 $0x10000, s4;
	s10 =	sadd.s32 $0x20, s7  }
0x10: {  	s11 =	sadd.s32 $0x40, s7;
	s12 =	sadd.s32 $0x3E00, s5;
	s0 =	sadd.s32 $0x52000, s0  }
0x11: {  	s13 =	smax.u32 s13, $0x1;
	[dreg:$0x4] =	wrdreg s24;
	s24 =	smul.u32 $0x2780, s14  }
0x12: {  	[dreg:$0x5] =	wrdreg s25;
	s14 =	sadd.s32 s26, s3;
	s25 =	simm.s32 $0x3  }
0x13: {  	v0 =	vimm.f32 $0.0e+00;
	s26 =	simm.s32 $0x8300;
	s24 =	sadd.s32 s24, s0;
	s0 =	simm.s32 $0x0  }
.LBB2_1:
0x14: {  	s3 =	simm.s32 $0x0;
	s5 =	simm.s32 $0x200  }
.LBB2_2:
0x15: {  	p0 =	sne.s32 s5, $0xFE00;
	[tilespmem:s3+$0x370] =	vst v0  }
0x16: {  	[tilespmem:s3+$0x300] =	vst v0  }
0x17: {  	[tilespmem:s3+$0x310] =	vst v0  }
.Ltmp0:
0x18: {  	[tilespmem:s3+$0x320] =	vst v0;
	(pc) =	sbr.rel @p0 .LBB2_2-.Ltmp0, $4  }
0x19: {  	[tilespmem:s3+$0x330] =	vst v0  }
0x1a: {  	[tilespmem:s3+$0x340] =	vst v0  }
0x1b: {  	[tilespmem:s3+$0x350] =	vst v0  }
0x1c: {  	[tilespmem:s3+$0x360] =	vst v0;
	s3 =	sshra.s32 s5, $0x2;
	s5 =	sadd.s32 $0x200, s5  }
0x1d: {  	[tilespmem:s3+$0x370] =	vst v0  }
0x1e: {  	[tilespmem:s3+$0x300] =	vst v0  }
0x1f: {  	[tilespmem:s3+$0x310] =	vst v0  }
0x20: {  	[tilespmem:s3+$0x320] =	vst v0  }
0x21: {  	[tilespmem:s3+$0x330] =	vst v0  }
0x22: {  	[tilespmem:s3+$0x340] =	vst v0  }
0x23: {  	[tilespmem:s3+$0x350] =	vst v0  }
0x24: {  	[tilespmem:s3+$0x360] =	vst v0  }
0x25: {  	[spmem:s4] =	stream.linear.scatter [tilespmem:s15], [sflag:$0x7], $0x4000, $0x38;
	[tilespmem:$0x1FF00] =	vst v63  }
0x26: {  	_ =	swait.ge [sflag:s16], $0x4000  }
0x27: {  	[sflag:s16] =	ssyncset.done $0x0  }
0x28: {  	s6 =	rddreg [dreg:$0x4];
	[sflag:s16] =	ssyncadd.s32 $0xFFFFC000  }
0x29: {  	[spmem:s6] =	stream.linear.scatter [tilespmem:s15], [sflag:$0x7], $0x4000, $0x38;
	[tilespmem:$0x1FF00] =	vst v63  }
0x2a: {  	_ =	swait.ge [sflag:s16], $0x4000  }
0x2b: {  	[sflag:s16] =	ssyncset.done $0x0  }
0x2c: {  	s5 =	rddreg [dreg:$0x5];
	[sflag:s16] =	ssyncadd.s32 $0xFFFFC000  }
0x2d: {  	[spmem:s5] =	stream.linear.scatter [tilespmem:s15], [sflag:$0x7], $0x4000, $0x38;
	[tilespmem:$0x1FF00] =	vst v63  }
0x2e: {  	_ =	swait.ge [sflag:s16], $0x4000  }
0x2f: {  	[sflag:s16] =	ssyncset.done $0x0  }
0x30: {  	[sflag:s16] =	ssyncadd.s32 $0xFFFFC000  }
0x31: {  	[spmem:s8] =	stream.linear.scatter [tilespmem:s15], [sflag:$0x7], $0x4000, $0x38;
	[tilespmem:$0x1FF00] =	vst v63  }
0x32: {  	_ =	swait.ge [sflag:s16], $0x4000  }
0x33: {  	[sflag:s16] =	ssyncset.done $0x0  }
0x34: {  	[sflag:s16] =	ssyncadd.s32 $0xFFFFC000  }
0x35: {  	[spmem:s9] =	stream.linear.scatter [tilespmem:s15], [sflag:$0x7], $0x3C00, $0x38;
	[tilespmem:$0x1FF00] =	vst v63  }
0x36: {  	_ =	swait.ge [sflag:s16], $0x3C00  }
0x37: {  	[sflag:s16] =	ssyncset.done $0x0  }
0x38: {  	[sflag:s16] =	ssyncadd.s32 $0xFFFFC400  }
0x39: {  	[bflag:$0x0] =	sbarrier.arrive $0xFFFF  }
0x3a: {  	[tilespmem:s2], [sflag:$0x1] =	stream.linear.gather [hbm4b:s7+s2], $0x100, $0x38;
	[tilespmem:$0x1FF00] =	vst v63  }
0x3b: {  	_ = 	snop  }
0x3c: {  	[tilespmem:s17], [sflag:$0x2] =	stream.linear.gather [hbm4b:s10+s2], $0x100, $0x38;
	[tilespmem:$0x1FF00] =	vst v63  }
0x3d: {  	_ = 	snop  }
0x3e: {  	[tilespmem:s18], [sflag:$0x3] =	stream.linear.gather [hbm4b:s11+s2], $0x100, $0x38;
	[tilespmem:$0x1FF00] =	vst v63  }
0x3f: {  	_ =	swait.ge [sflag:s19], $0x100  }
0x40: {  	[sflag:s19] =	ssyncset.done $0x0  }
0x41: {  	[sflag:s19] =	ssyncadd.s32 $0xFFFFFF00  }
0x42: {  	[tilespmem:s15], [sflag:$0x4] =	stream.indirect.gather [hbm4b:s12+s20], $0x80, s2, s20, $0xb8;
	[tilespmem:$0x1FF00] =	vst v63  }
0x43: {  	_ =	swait.ge [sflag:s21], $0x100  }
0x44: {  	[sflag:s21] =	ssyncset.done $0x0  }
0x45: {  	[sflag:s21] =	ssyncadd.s32 $0xFFFFFF00  }
0x46: {  	[tilespmem:s22], [sflag:$0x5] =	stream.indirect.gather [hbm4b:s12+s20], $0x80, s17, s20, $0xb8;
	[tilespmem:$0x1FF00] =	vst v63  }
0x47: {  	_ =	swait.ge [sflag:s23], $0x4000  }
0x48: {  	[sflag:s23] =	ssyncset.done $0x0  }
0x49: {  	[sflag:s23] =	ssyncadd.s32 $0xFFFFC000  }
0x4a: {  	[spmem:s1] =	stream.indirect.scatter.add.f32 [tilespmem:s15], [sflag:$0x7], $0x80, s20, s20, $0xb8;
	[tilespmem:$0x1FF00] =	vst v63  }
0x4b: {  	_ =	swait.ge [sflag:s16], $0x4000  }
0x4c: {  	s3 =	sadd.s32 $0xFFFFEC80, s14;
	[sflag:s16] =	ssyncset.done $0x0  }
0x4d: {  	s5 =	sadd.s32 $0x13E0, s3;
	[sflag:s16] =	ssyncadd.s32 $0xFFFFC000  }
0x4e: {  	[tilespmem:s2], [sflag:$0x1] =	stream.linear.gather [hbm4b:s5+s2], $0x100, $0x38;
	[tilespmem:$0x1FF00] =	vst v63  }
0x4f: {  	_ =	swait.ge [sflag:s25], $0x100  }
0x50: {  	[sflag:s25] =	ssyncset.done $0x0  }
0x51: {  	[sflag:s25] =	ssyncadd.s32 $0xFFFFFF00  }
0x52: {  	[tilespmem:s26], [sflag:$0x6] =	stream.indirect.gather [hbm4b:s12+s20], $0x80, s18, s20, $0xb8;
	[tilespmem:$0x1FF00] =	vst v63  }
0x53: {  	_ =	swait.ge [sflag:s28], $0x4000  }
0x54: {  	[sflag:s28] =	ssyncset.done $0x0  }
0x55: {  	[sflag:s28] =	ssyncadd.s32 $0xFFFFC000  }
0x56: {  	[spmem:s1] =	stream.indirect.scatter.add.f32 [tilespmem:s22], [sflag:$0x7], $0x80, s29, s20, $0xb8;
	[tilespmem:$0x1FF00] =	vst v63  }
0x57: {  	_ =	swait.ge [sflag:s16], $0x4000  }
0x58: {  	[sflag:s16] =	ssyncset.done $0x0  }
0x59: {  	s6 =	sadd.s32 $0x1400, s3;
	[sflag:s16] =	ssyncadd.s32 $0xFFFFC000  }
0x5a: {  	[tilespmem:s17], [sflag:$0x2] =	stream.linear.gather [hbm4b:s6+s2], $0x100, $0x38;
	[tilespmem:$0x1FF00] =	vst v63  }
0x5b: {  	_ =	swait.ge [sflag:s19], $0x100  }
0x5c: {  	[sflag:s19] =	ssyncset.done $0x0  }
0x5d: {  	[sflag:s19] =	ssyncadd.s32 $0xFFFFFF00  }
0x5e: {  	[tilespmem:s15], [sflag:$0x4] =	stream.indirect.gather [hbm4b:s12+s20], $0x80, s2, s20, $0xb8;
	[tilespmem:$0x1FF00] =	vst v63  }
0x5f: {  	_ =	swait.ge [sflag:s30], $0x4000  }
0x60: {  	[sflag:s30] =	ssyncset.done $0x0  }
0x61: {  	[sflag:s30] =	ssyncadd.s32 $0xFFFFC000  }
0x62: {  	[spmem:s1] =	stream.indirect.scatter.add.f32 [tilespmem:s26], [sflag:$0x7], $0x80, s31, s20, $0xb8;
	[tilespmem:$0x1FF00] =	vst v63  }
0x63: {  	_ =	swait.ge [sflag:s16], $0x4000  }
0x64: {  	[sflag:s16] =	ssyncset.done $0x0  }
0x65: {  	s3 =	sadd.s32 $0x1420, s3;
	[sflag:s16] =	ssyncadd.s32 $0xFFFFC000  }
0x66: {  	[tilespmem:s18], [sflag:$0x3] =	stream.linear.gather [hbm4b:s3+s2], $0x100, $0x38;
	[tilespmem:$0x1FF00] =	vst v63  }
0x67: {  	_ =	swait.ge [sflag:s21], $0x100  }
0x68: {  	[sflag:s21] =	ssyncset.done $0x0  }
0x69: {  	s3 =	simm.s32 $0xFFFFECE0;
	[sflag:s21] =	ssyncadd.s32 $0xFFFFFF00  }
.LBB2_4:
0x6a: {  	[tilespmem:s22], [sflag:$0x5] =	stream.indirect.gather [hbm4b:s12+s20], $0x80, s17, s20, $0xb8;
	[tilespmem:$0x1FF00] =	vst v63  }
0x6b: {  	s5 =	smov.u32 s3  }
0x6c: {  	p0 =	sne.s32 s3, $0xFFFFFFA0;
	s3 =	sadd.s32 $0x60, s3;
	_ =	swait.ge [sflag:s23], $0x4000  }
0x6d: {  	[sflag:s23] =	ssyncset.done $0x0  }
0x6e: {  	[sflag:s23] =	ssyncadd.s32 $0xFFFFC000  }
0x6f: {  	[spmem:s1] =	stream.indirect.scatter.add.f32 [tilespmem:s15], [sflag:$0x7], $0x80, s20, s20, $0xb8;
	[tilespmem:$0x1FF00] =	vst v63  }
0x70: {  	_ =	swait.ge [sflag:s16], $0x4000  }
0x71: {  	s5 =	sadd.s32 s5, s14;
	[sflag:s16] =	ssyncset.done $0x0  }
0x72: {  	s6 =	sadd.s32 $0x13E0, s5;
	[sflag:s16] =	ssyncadd.s32 $0xFFFFC000  }
0x73: {  	[tilespmem:s2], [sflag:$0x1] =	stream.linear.gather [hbm4b:s6+s2], $0x100, $0x38;
	[tilespmem:$0x1FF00] =	vst v63  }
0x74: {  	_ =	swait.ge [sflag:s25], $0x100  }
0x75: {  	[sflag:s25] =	ssyncset.done $0x0  }
0x76: {  	[sflag:s25] =	ssyncadd.s32 $0xFFFFFF00  }
0x77: {  	[tilespmem:s26], [sflag:$0x6] =	stream.indirect.gather [hbm4b:s12+s20], $0x80, s18, s20, $0xb8;
	[tilespmem:$0x1FF00] =	vst v63  }
0x78: {  	_ =	swait.ge [sflag:s28], $0x4000  }
0x79: {  	[sflag:s28] =	ssyncset.done $0x0  }
0x7a: {  	[sflag:s28] =	ssyncadd.s32 $0xFFFFC000  }
0x7b: {  	[spmem:s1] =	stream.indirect.scatter.add.f32 [tilespmem:s22], [sflag:$0x7], $0x80, s29, s20, $0xb8;
	[tilespmem:$0x1FF00] =	vst v63  }
0x7c: {  	_ =	swait.ge [sflag:s16], $0x4000  }
0x7d: {  	[sflag:s16] =	ssyncset.done $0x0  }
0x7e: {  	s6 =	sadd.s32 $0x1400, s5;
	[sflag:s16] =	ssyncadd.s32 $0xFFFFC000  }
0x7f: {  	[tilespmem:s17], [sflag:$0x2] =	stream.linear.gather [hbm4b:s6+s2], $0x100, $0x38;
	[tilespmem:$0x1FF00] =	vst v63  }
0x80: {  	_ =	swait.ge [sflag:s19], $0x100  }
0x81: {  	[sflag:s19] =	ssyncset.done $0x0  }
0x82: {  	[sflag:s19] =	ssyncadd.s32 $0xFFFFFF00  }
0x83: {  	[tilespmem:s15], [sflag:$0x4] =	stream.indirect.gather [hbm4b:s12+s20], $0x80, s2, s20, $0xb8;
	[tilespmem:$0x1FF00] =	vst v63  }
0x84: {  	_ =	swait.ge [sflag:s30], $0x4000  }
0x85: {  	[sflag:s30] =	ssyncset.done $0x0  }
0x86: {  	[sflag:s30] =	ssyncadd.s32 $0xFFFFC000  }
0x87: {  	[spmem:s1] =	stream.indirect.scatter.add.f32 [tilespmem:s26], [sflag:$0x7], $0x80, s31, s20, $0xb8;
	[tilespmem:$0x1FF00] =	vst v63  }
0x88: {  	_ =	swait.ge [sflag:s16], $0x4000  }
0x89: {  	[sflag:s16] =	ssyncset.done $0x0  }
.Ltmp1:
0x8a: {  	s5 =	sadd.s32 $0x1420, s5;
	[sflag:s16] =	ssyncadd.s32 $0xFFFFC000;
	(pc) =	sbr.rel @p0 .LBB2_4-.Ltmp1, $4  }
0x8b: {  	[tilespmem:s18], [sflag:$0x3] =	stream.linear.gather [hbm4b:s5+s2], $0x100, $0x38;
	[tilespmem:$0x1FF00] =	vst v63  }
0x8c: {  	_ =	swait.ge [sflag:s21], $0x100  }
0x8d: {  	[sflag:s21] =	ssyncset.done $0x0  }
0x8e: {  	[sflag:s21] =	ssyncadd.s32 $0xFFFFFF00  }
0x8f: {  	[tilespmem:s22], [sflag:$0x5] =	stream.indirect.gather [hbm4b:s12+s20], $0x80, s17, s20, $0xb8;
	[tilespmem:$0x1FF00] =	vst v63  }
0x90: {  	_ =	swait.ge [sflag:s23], $0x4000  }
0x91: {  	[sflag:s23] =	ssyncset.done $0x0  }
0x92: {  	[sflag:s23] =	ssyncadd.s32 $0xFFFFC000  }
0x93: {  	[spmem:s1] =	stream.indirect.scatter.add.f32 [tilespmem:s15], [sflag:$0x7], $0x80, s20, s20, $0xb8;
	[tilespmem:$0x1FF00] =	vst v63  }
0x94: {  	_ =	swait.ge [sflag:s16], $0x4000  }
0x95: {  	[sflag:s16] =	ssyncset.done $0x0  }
0x96: {  	[sflag:s16] =	ssyncadd.s32 $0xFFFFC000  }
0x97: {  	_ =	swait.ge [sflag:s25], $0x100  }
0x98: {  	[sflag:s25] =	ssyncset.done $0x0  }
0x99: {  	[sflag:s25] =	ssyncadd.s32 $0xFFFFFF00  }
0x9a: {  	[tilespmem:s26], [sflag:$0x6] =	stream.indirect.gather [hbm4b:s12+s20], $0x80, s18, s20, $0xb8;
	[tilespmem:$0x1FF00] =	vst v63  }
0x9b: {  	_ =	swait.ge [sflag:s28], $0x4000  }
0x9c: {  	[sflag:s28] =	ssyncset.done $0x0  }
0x9d: {  	[sflag:s28] =	ssyncadd.s32 $0xFFFFC000  }
0x9e: {  	[spmem:s1] =	stream.indirect.scatter.add.f32 [tilespmem:s22], [sflag:$0x7], $0x80, s29, s20, $0xb8;
	[tilespmem:$0x1FF00] =	vst v63  }
0x9f: {  	_ =	swait.ge [sflag:s16], $0x4000  }
0xa0: {  	[sflag:s16] =	ssyncset.done $0x0  }
0xa1: {  	[sflag:s16] =	ssyncadd.s32 $0xFFFFC000  }
0xa2: {  	_ =	swait.ge [sflag:s30], $0x4000  }
0xa3: {  	[sflag:s30] =	ssyncset.done $0x0  }
0xa4: {  	[sflag:s30] =	ssyncadd.s32 $0xFFFFC000  }
0xa5: {  	[spmem:s1] =	stream.indirect.scatter.add.f32 [tilespmem:s26], [sflag:$0x7], $0x80, s31, s20, $0xb8;
	[tilespmem:$0x1FF00] =	vst v63  }
0xa6: {  	s3 =	stileid.u32;
	_ =	swait.ge [sflag:s16], $0x4000  }
0xa7: {  	s5 =	sshrl.u32 s4, $0x3;
	s0 =	sadd.s32 $0x1, s0;
	[sflag:s16] =	ssyncset.done $0x0  }
0xa8: {  	s3 =	sshll.u32 s3, $0x6;
	p0 =	sne.s32 s0, s13;
	[sflag:s16] =	ssyncadd.s32 $0xFFFFC000  }
.Ltmp2:
0xa9: {  	s3 =	sor.u32 $0x1C07, s3;
	[bflag:$0x0] =	sbarrier.arrive $0xFFFF;
	(pc) =	sbr.rel @p0 .LBB2_1-.Ltmp2, $4  }
0xaa: {  	[hbm:s24], [sflag:s3] =	dma.local [spmem:s5], $0x2780  }
0xab: {  	_ =	swait.ge [sflag:s16], $0x2780  }
0xac: {  	[sflag:s16] =	ssyncset.done $0x0  }
0xad: {  	[sflag:s16] =	ssyncadd.s32 $0xFFFFD880  }
0xae: {  	_ =	sfence.sel $0x180000  }
0xaf: {  	[bflag:$0x0] =	sbarrier.arrive $0xFFFF  }
0xb0: {  	_ =	strace $0x9000004A  }
0xb1: {  	s0 =	stileid.u32;
	[bflag:$0x2] =	sbarrier.arrive $0xFFFF  }
0xb2: {  	p0 =	sne.s32 s0, $0x0;
	s0 =	rddreg [dreg:$0x3]  }
0xb3: {  	s0 =	sadd.s32 @!p0 $0x100000, s0  }
0xb4: {  	[sflag:s0] =	ssyncadd.tile.s32 @!p0 $0x1;
	_ =	shalt  }
.Lfunc_end2:
_tile_overlayer_lowered:
.L_overlay_start_2:
0xb5: {  	(tag) =	ssettag $0x2  }
0xb6: {  	s0 =	rddreg [dreg:$0x0];
	s2 =	stileid.u32  }
0xb7: {  	s1 =	rddreg [dreg:$0x1];
	p0 =	sne.s32 s2, $0x0  }
0xb8: {  	s3 =	rddreg [dreg:$0x2];
	[bflag:$0x3] =	sbarrier.arrive $0xFFFF;
	s2 =	simm.s32 @!p0 $0x1C07  }
0xb9: {  	[timem:s3], [sflag:s2] =	dma.local @!p0 [hbm:s0], s1  }
0xba: {  	s0 =	simm.s32 @!p0 $0x7  }
0xbb: {  	_ =	swait.ge @!p0 [sflag:s0], s1  }
0xbc: {  	s1 =	ssub.s32 @!p0 $0x0, s1;
	[sflag:s0] =	ssyncset.done @!p0 $0x0  }
0xbd: {  	[sflag:s0] =	ssyncadd.s32 @!p0 s1  }
0xbe: {  	[bflag:$0x3] =	sbarrier.arrive $0xFFFF  }
0xbf: {  	_ =	shalt  }

// kernel: kernel.18.cloned.1.call-start
scs
__scs_entry_jumppad:
0x0: {  	(pc) =	sbr.rel $0x88, $3  }
0x1: {  	(tag) =	ssettag $0x0;
	lr =	simm.s32 $0x1  }
0x2: {  	[smem:$0x3F8D] =	sst lr;
	_ =	strace $0xD0000000  }
0x3: {  	_ = 	snop  }
0x4: {  	_ = 	snop  }
0x5: {  	_ = 	snop  }
0x6: {  	_ = 	snop  }
0x7: {  	_ = 	snop  }
__scs_overlays_trampoline_lowered:
0x8: {  	[smem:$0x3F9C] =	sst s0  }
0x9: {  	[smem:$0x3F9D] =	sst s1  }
0xa: {  	[smem:$0x3F9E] =	sst s2  }
0xb: {  	[smem:$0x3F9F] =	sst s3  }
0xc: {  	[smem:$0x3FA0] =	sst s4  }
0xd: {  	[smem:$0x3FA1] =	sst s5  }
0xe: {  	[smem:$0x3FA2] =	sst s6  }
0xf: {  	[smem:$0x3FA3] =	sst s7  }
0x10: {  	[smem:$0x3FA4] =	sst s8  }
0x11: {  	[smem:$0x3FA5] =	sst s9;
	s0 =	simm.s32 @!p0 $0x0  }
0x12: {  	s1 =	sld [smem:$0x3F8B];
	s0 =	simm.s32 @p0 $0x1  }
0x13: {  	[smem:$0x3FA6] =	sst s0;
	s0 =	simm.s32 @!p1 $0x0  }
0x14: {  	s2 =	sld [smem:$0x3F8A];
	s0 =	simm.s32 @p1 $0x1  }
0x15: {  	[smem:$0x3FA7] =	sst s0;
	s0 =	simm.s32 @!p2 $0x0  }
0x16: {  	s3 =	sld [smem:$0x3FDB];
	s0 =	simm.s32 @p2 $0x1  }
0x17: {  	s4 =	simm.s32 $0x1BF5;
	[smem:$0x3FA9] =	sst s0  }
0x18: {  	s0 =	sld [smem:$0x3F8C];
	_ =	swait.ge [sflag:s4], $0x0  }
0x19: {  	s7 =	sld [smem:$0x3F8D]  }
0x1a: {  	s8 =	sadd.s32 $0xFFFFE003, lr  }
0x1b: {  	s9 =	sadd.s32 $0xFFFFFEF7, lr;
	s5 =	simm.s32 $0xFFFFFFFF;
	p2 =	slt.u32 s8, $0xFFFFF086  }
0x1c: {  	p1 =	slt.u32 s9, $0xF7A;
	s5 =	simm.s32 @!p2 $0x0  }
0x1d: {  	s5 =	simm.s32 @p1 $0x1;
	p0 =	seq.s32 s7, s2  }
0x1e: {  	s7 =	smul.u32 @!p0 $0xF7A, s2;
	p2 =	seq.s32 @!p0 s5, $0x0  }
0x1f: {  	s9 =	smul.u32 $0xF7A, s1;
	s8 =	simm.s32 @!p0 $0x1BF5;
	p2 =	por !p2, p0  }
0x20: {  	[sflag:s8] =	ssyncset.s32 @!p0 $0xFFFFF086;
	s6 =	sadd.s32 @!p0 s3, s7;
	s7 =	simm.s32 @!p0 $0x108  }
0x21: {  	s3 =	sadd.s32 s3, s9;
	s6 =	sadd.s32 @!p0 $0x88, s6;
	s7 =	simm.s32 @p2 $0x1082  }
0x22: {  	[simem:s7], [sflag:s8] =	dma.local @!p0 [hbm:s6], $0xF7A  }
0x23: {  	s9 =	sor.u32 $0xD0000000, s2;
	s6 =	simm.s32 $0x108;
	_ =	swait.ge @!p0 [sflag:s8], $0x0  }
0x24: {  	s3 =	sadd.s32 $0x88, s3;
	s6 =	simm.s32 @!p1 $0x1082;
	[sflag:s4] =	ssyncset.s32 $0xFFFFF086  }
0x25: {  	[simem:s6], [sflag:s4] =	dma.local [hbm:s3], $0xF7A  }
0x26: {  	[smem:$0x3F8D] =	sst s1;
	(tag) =	ssettag s2;
	_ =	strace s9  }
0x27: {  	s1 =	sld [smem:$0x3F9D]  }
0x28: {  	s2 =	sld [smem:$0x3F9E]  }
0x29: {  	s4 =	sld [smem:$0x3FA0]  }
0x2a: {  	p0 =	seq.s32 s5, $0x0;
	s5 =	sld [smem:$0x3FA1]  }
0x2b: {  	s6 =	sld [smem:$0x3FA2]  }
0x2c: {  	s7 =	sld [smem:$0x3FA3]  }
0x2d: {  	s3 =	simm.s32 $0x108;
	s8 =	sld [smem:$0x3FA4]  }
0x2e: {  	s3 =	simm.s32 @!p0 $0x1082;
	s9 =	sld [smem:$0x3FA5]  }
0x2f: {  	lr =	sadd.s32 s0, s3;
	s0 =	sld [smem:$0x3F9C]  }
0x30: {  	s3 =	sld [smem:$0x3F9F]  }
0x31: {  	[smem:$0x3FA8] =	sst s10  }
0x32: {  	s10 =	sld [smem:$0x3FA6];
	_ =	sdelay $0x3  }
0x33: {  	p0 =	seq.s32 s10, $0x1;
	s10 =	sld [smem:$0x3FA8];
	_ =	sdelay $0x3  }
0x34: {  	[smem:$0x3FA8] =	sst s10  }
0x35: {  	s10 =	sld [smem:$0x3FA7];
	_ =	sdelay $0x3  }
0x36: {  	p1 =	seq.s32 s10, $0x1;
	s10 =	sld [smem:$0x3FA8];
	_ =	sdelay $0x3  }
0x37: {  	[smem:$0x3FA8] =	sst s10  }
0x38: {  	s10 =	sld [smem:$0x3FA9]  }
0x39: {  	_ = 	snop;
	(pc) =	sbr.ind lr, $3  }
0x3a: {  	_ = 	snop  }
0x3b: {  	_ = 	snop  }
0x3c: {  	p2 =	seq.s32 s10, $0x1;
	s10 =	sld [smem:$0x3FA8]  }
0x3d: {  	_ =	shalt  }
0x3e: {  	_ =	shalt  }
0x3f: {  	_ =	shalt  }
0x40: {  	_ =	shalt  }
0x41: {  	_ =	shalt  }
0x42: {  	_ =	shalt  }
0x43: {  	_ =	shalt  }
0x44: {  	_ =	shalt  }
0x45: {  	_ =	shalt  }
0x46: {  	_ =	shalt  }
0x47: {  	_ =	shalt  }
0x48: {  	_ =	shalt  }
0x49: {  	_ =	shalt  }
0x4a: {  	_ =	shalt  }
0x4b: {  	_ =	shalt  }
0x4c: {  	_ =	shalt  }
0x4d: {  	_ =	shalt  }
0x4e: {  	_ =	shalt  }
0x4f: {  	_ =	shalt  }
0x50: {  	_ =	shalt  }
0x51: {  	_ =	shalt  }
0x52: {  	_ =	shalt  }
0x53: {  	_ =	shalt  }
0x54: {  	_ =	shalt  }
0x55: {  	_ =	shalt  }
0x56: {  	_ =	shalt  }
0x57: {  	_ =	shalt  }
0x58: {  	_ =	shalt  }
0x59: {  	_ =	shalt  }
0x5a: {  	_ =	shalt  }
0x5b: {  	_ =	shalt  }
0x5c: {  	_ =	shalt  }
0x5d: {  	_ =	shalt  }
0x5e: {  	_ =	shalt  }
0x5f: {  	_ =	shalt  }
0x60: {  	_ =	shalt  }
0x61: {  	_ =	shalt  }
0x62: {  	_ =	shalt  }
0x63: {  	_ =	shalt  }
0x64: {  	_ =	shalt  }
0x65: {  	_ =	shalt  }
0x66: {  	_ =	shalt  }
0x67: {  	_ =	shalt  }
0x68: {  	_ =	shalt  }
0x69: {  	_ =	shalt  }
0x6a: {  	_ =	shalt  }
0x6b: {  	_ =	shalt  }
0x6c: {  	_ =	shalt  }
0x6d: {  	_ =	shalt  }
0x6e: {  	_ =	shalt  }
0x6f: {  	_ =	shalt  }
0x70: {  	_ =	shalt  }
0x71: {  	_ =	shalt  }
0x72: {  	_ =	shalt  }
0x73: {  	_ =	shalt  }
0x74: {  	_ =	shalt  }
0x75: {  	_ =	shalt  }
0x76: {  	_ =	shalt  }
0x77: {  	_ =	shalt  }
0x78: {  	_ =	shalt  }
0x79: {  	_ =	shalt  }
0x7a: {  	_ =	shalt  }
0x7b: {  	_ =	shalt  }
0x7c: {  	_ =	shalt  }
0x7d: {  	_ =	shalt  }
0x7e: {  	_ =	shalt  }
0x7f: {  	_ =	shalt  }
0x80: {  	_ =	shalt  }
0x81: {  	_ =	shalt  }
0x82: {  	_ =	shalt  }
0x83: {  	_ =	shalt  }
0x84: {  	_ =	shalt  }
0x85: {  	_ =	shalt  }
0x86: {  	_ =	shalt  }
0x87: {  	_ =	shalt  }
.Lfunc_end0:
.L_simem_size_0:
called_computation.2_lowered:
.L_overlay_start_0:
0x88: {  	s2 =	sld [smem:$0x3FD9]  }
0x89: {  	s3 =	sld [smem:$0x3FFE];
	_ =	sdelay $0x1  }
0x8a: {  	s1 =	srdreg.scid  }
0x8b: {  	s0 =	sand.u32 $0x1, s1  }
0x8c: {  	s17 =	sshll.u32 s0, $0xA;
	s2 =	sadd.s32 s3, s2  }
0x8d: {  	s2 =	sadd.s32 s2, s17  }
0x8e: {  	[smem:$0x3FB4] =	sst s2  }
0x8f: {  	_ = 	snop  }
0x90: {  	s2 =	sld [smem:$0x3FD0];
	(tm) =	ssettm $0x1  }
0x91: {  	s18 =	sld [smem:$0x3FFB];
	_ =	sdelay $0x3  }
0x92: {  	_ =	strace s18  }
0x93: {  	s3 =	sld [smem:$0x3FFC];
	_ =	sdelay $0x3  }
0x94: {  	_ =	strace s3  }
0x95: {  	s3 =	sld [smem:$0x3FFD];
	_ =	sdelay $0x3  }
0x96: {  	_ =	strace s3  }
0x97: {  	_ =	strace $0x8FFFFFFF  }
0x98: {  	s19 =	sld [smem:$0x3FDB];
	_ =	sdelay $0x1  }
0x99: {  	s4 =	simm.s32 $_scs_section_size  }
0x9a: {  	s5 =	simm.s32 $_size__tile_overlayer_lowered;
	s6 =	simm.s32 $_tile_overlayer_lowered  }
0x9b: {  	s22 =	simm.s32 $0x1BFF;
	s21 =	sshll.u32 s6, $0x1;
	s3 =	sadd.s32 s4, s19  }
0x9c: {  	s7 =	simm.s32 $0x0;
	s20 =	sshll.u32 s5, $0x1;
	s5 =	sadd.s32 s21, s3  }
0x9d: {  	[timem:s7], [sflag:s22] =	dma.local [hbm:s5], s20  }
0x9e: {  	_ =	swait.ge [sflag:s22], s20  }
0x9f: {  	s4 =	ssub.s32 $0x0, s20;
	[sflag:s22] =	ssyncset.done $0x0  }
0xa0: {  	[sflag:s22] =	ssyncadd.s32 s4;
	_ =	sdelay $0x1  }
0xa1: {  	s23 =	simm.s32 $0x1B8B  }
0xa2: {  	_ =	swait.ge [sflag:s23], $0x1  }
0xa3: {  	[sflag:s23] =	ssyncset.done $0x0  }
0xa4: {  	s25 =	simm.s32 $0x1B8E;
	s24 =	sld [smem:$0x3FFE];
	[sflag:s23] =	ssyncadd.s32 $0xFFFFFFFF  }
0xa5: {  	s26 =	simm.s32 $execute0_lowered;
	[smem:$0x3FD2] =	sst s25  }
0xa6: {  	s5 =	sshll.u32 s26, $0x1;
	_ =	strace $0x8000004C;
	[dreg:$0x1] =	wrdreg $0xFFFFFFFF  }
0xa7: {  	s28 =	simm.s32 $_size_execute0_lowered;
	s3 =	sadd.s32 s3, s5;
	[dreg:$0x0] =	wrdreg $0x0  }
0xa8: {  	s5 =	sshll.u32 s28, $0x1;
	[dreg:$0x2] =	wrdreg s3  }
0xa9: {  	[dreg:$0x3] =	wrdreg s5  }
0xaa: {  	[dreg:$0x4] =	wrdreg $0xC0  }
0xab: {  	_ =	task [dreg:s7], $0x5FFFF  }
0xac: {  	[dreg:$0x1] =	wrdreg $0xFFFFFFFF  }
0xad: {  	[dreg:$0x0] =	wrdreg $0x60  }
0xae: {  	[dreg:$0x2] =	wrdreg s24  }
0xaf: {  	[dreg:$0x3] =	wrdreg s2  }
0xb0: {  	[dreg:$0x4] =	wrdreg $0xC3000  }
0xb1: {  	[dreg:$0x5] =	wrdreg $0x9  }
0xb2: {  	_ =	task.clear_ibuf [dreg:s7], $0x6FFFF;
	_ =	strace $0x9000004C  }
0xb3: {  	s29 =	simm.s32 $0x9;
	_ =	strace $0x8000004E  }
0xb4: {  	_ =	swait.ge [sflag:s29], $0x1  }
0xb5: {  	[sflag:s29] =	ssyncadd.s32 $0xFFFFFFFF  }
0xb6: {  	_ =	strace $0x9000004E  }
0xb7: {  	_ =	sfence  }
0xb8: {  	s30 =	sld [smem:$0x0];
	_ =	sdelay $0x2  }
0xb9: {  	s31 =	sshll.u32 s1, $0xD;
	s1 =	sshrl.u32 s1, $0x2  }
0xba: {  	s3 =	sand.u32 $0x4000, s31;
	s1 =	sadd.s32 s1, s30  }
0xbb: {  	s0 =	sor.u32 s3, s0;
	s1 =	sshll.u32 s1, $0x11  }
0xbc: {  	s0 =	sor.u32 s1, s0  }
0xbd: {  	s0 =	sadd.s32 $0x8F2B, s0  }
0xbe: {  	[sflag:s0] =	ssyncadd.remote.s32 $0x1  }
0xbf: {  	_ =	sfence.sel $0xFFFF  }
0xc0: {  	[dreg:$0x0] =	wrdreg $0xFFFFFFFF;
	(pc) =	sbr.abs _section_cstart, $3  }
0xc1: {  	[dreg:$0x1] =	wrdreg $0xFFFFFFFF  }
0xc2: {  	_ =	task.clear_ibuf [dreg:s7], $0x2FFFF;
	_ =	strace $0x9FFFFFFF  }
0xc3: {  	(tm) =	ssettm $0x7FFFFFFF  }
tec
execute0_lowered:
.L_overlay_start_1:
0x0: {  	(tag) =	ssettag $0x1  }
0x1: {  	s0 =	rddreg [dreg:$0x0]  }
0x2: {  	s3 =	rddreg [dreg:$0x1]  }
0x3: {  	s1 =	rddreg [dreg:$0x2];
	s4 =	srdreg.scid;
	s2 =	simm.s32 $0x0  }
0x4: {  	s14 =	stileid.u32;
	s15 =	simm.s32 $0x300;
	s16 =	simm.s32 $0x7  }
0x5: {  	s17 =	simm.s32 $0x100;
	s18 =	simm.s32 $0x200;
	s19 =	simm.s32 $0x1  }
0x6: {  	s20 =	simm.s32 $0x80;
	s21 =	simm.s32 $0x2;
	s7 =	smul.u32 $0x4F000, s14  }
0x7: {  	s28 =	simm.s32 $0x5;
	s29 =	simm.s32 $0x180;
	s8 =	smul.u32 $0x9F00, s14  }
0x8: {  	s30 =	simm.s32 $0x6;
	s4 =	sand.u32 $0x1, s4;
	s26 =	smul.u32 $0x13E0, s14  }
0x9: {  	s31 =	simm.s32 $0x280;
	[smem:$0x7FF] =	sst s2;
	s5 =	smul.u32 $0x27100, s4  }
0xa: {  	s6 =	smul.u32 $0x27800, s4;
	_ =	strace $0x8000004D;
	s4 =	ssub.s32 $0x2, s4  }
0xb: {  	s22 =	sshrl.u32 s4, $0x1;
	s7 =	sshrl.u32 s7, $0x2;
	s23 =	sshrl.u32 s8, $0x3  }
0xc: {  	s5 =	sadd.s32 s5, s0;
	s0 =	sadd.s32 s6, s0;
	s13 =	ssub.s32 s4, s22  }
0xd: {  	s4 =	sadd.s32 s7, s1;
	s7 =	sadd.s32 s3, s23;
	s22 =	simm.s32 $0x4300  }
0xe: {  	s23 =	simm.s32 $0x4;
	s24 =	sadd.s32 $0x4000, s4;
	s25 =	sadd.s32 $0x8000, s4  }
0xf: {  	s8 =	sadd.s32 $0xC000, s4;
	s9 =	sadd.s32 $0x10000, s4;
	s10 =	sadd.s32 $0x20, s7  }
0x10: {  	s11 =	sadd.s32 $0x40, s7;
	s12 =	sadd.s32 $0x3E00, s5;
	s0 =	sadd.s32 $0x52000, s0  }
0x11: {  	s13 =	smax.u32 s13, $0x1;
	[dreg:$0x4] =	wrdreg s24;
	s24 =	smul.u32 $0x2780, s14  }
0x12: {  	[dreg:$0x5] =	wrdreg s25;
	s14 =	sadd.s32 s26, s3;
	s25 =	simm.s32 $0x3  }
0x13: {  	v0 =	vimm.f32 $0.0e+00;
	s26 =	simm.s32 $0x8300;
	s24 =	sadd.s32 s24, s0;
	s0 =	simm.s32 $0x0  }
.LBB2_1:
0x14: {  	s3 =	simm.s32 $0x0;
	s5 =	simm.s32 $0x200  }
.LBB2_2:
0x15: {  	p0 =	sne.s32 s5, $0xFE00;
	[tilespmem:s3+$0x370] =	vst v0  }
0x16: {  	[tilespmem:s3+$0x300] =	vst v0  }
0x17: {  	[tilespmem:s3+$0x310] =	vst v0  }
.Ltmp0:
0x18: {  	[tilespmem:s3+$0x320] =	vst v0;
	(pc) =	sbr.rel @p0 .LBB2_2-.Ltmp0, $4  }
0x19: {  	[tilespmem:s3+$0x330] =	vst v0  }
0x1a: {  	[tilespmem:s3+$0x340] =	vst v0  }
0x1b: {  	[tilespmem:s3+$0x350] =	vst v0  }
0x1c: {  	[tilespmem:s3+$0x360] =	vst v0;
	s3 =	sshra.s32 s5, $0x2;
	s5 =	sadd.s32 $0x200, s5  }
0x1d: {  	[tilespmem:s3+$0x370] =	vst v0  }
0x1e: {  	[tilespmem:s3+$0x300] =	vst v0  }
0x1f: {  	[tilespmem:s3+$0x310] =	vst v0  }
0x20: {  	[tilespmem:s3+$0x320] =	vst v0  }
0x21: {  	[tilespmem:s3+$0x330] =	vst v0  }
0x22: {  	[tilespmem:s3+$0x340] =	vst v0  }
0x23: {  	[tilespmem:s3+$0x350] =	vst v0  }
0x24: {  	[tilespmem:s3+$0x360] =	vst v0  }
0x25: {  	[spmem:s4] =	stream.linear.scatter [tilespmem:s15], [sflag:$0x7], $0x4000, $0x38;
	[tilespmem:$0x1FF00] =	vst v63  }
0x26: {  	_ =	swait.ge [sflag:s16], $0x4000  }
0x27: {  	[sflag:s16] =	ssyncset.done $0x0  }
0x28: {  	s6 =	rddreg [dreg:$0x4];
	[sflag:s16] =	ssyncadd.s32 $0xFFFFC000  }
0x29: {  	[spmem:s6] =	stream.linear.scatter [tilespmem:s15], [sflag:$0x7], $0x4000, $0x38;
	[tilespmem:$0x1FF00] =	vst v63  }
0x2a: {  	_ =	swait.ge [sflag:s16], $0x4000  }
0x2b: {  	[sflag:s16] =	ssyncset.done $0x0  }
0x2c: {  	s5 =	rddreg [dreg:$0x5];
	[sflag:s16] =	ssyncadd.s32 $0xFFFFC000  }
0x2d: {  	[spmem:s5] =	stream.linear.scatter [tilespmem:s15], [sflag:$0x7], $0x4000, $0x38;
	[tilespmem:$0x1FF00] =	vst v63  }
0x2e: {  	_ =	swait.ge [sflag:s16], $0x4000  }
0x2f: {  	[sflag:s16] =	ssyncset.done $0x0  }
0x30: {  	[sflag:s16] =	ssyncadd.s32 $0xFFFFC000  }
0x31: {  	[spmem:s8] =	stream.linear.scatter [tilespmem:s15], [sflag:$0x7], $0x4000, $0x38;
	[tilespmem:$0x1FF00] =	vst v63  }
0x32: {  	_ =	swait.ge [sflag:s16], $0x4000  }
0x33: {  	[sflag:s16] =	ssyncset.done $0x0  }
0x34: {  	[sflag:s16] =	ssyncadd.s32 $0xFFFFC000  }
0x35: {  	[spmem:s9] =	stream.linear.scatter [tilespmem:s15], [sflag:$0x7], $0x3C00, $0x38;
	[tilespmem:$0x1FF00] =	vst v63  }
0x36: {  	_ =	swait.ge [sflag:s16], $0x3C00  }
0x37: {  	[sflag:s16] =	ssyncset.done $0x0  }
0x38: {  	[sflag:s16] =	ssyncadd.s32 $0xFFFFC400  }
0x39: {  	[bflag:$0x0] =	sbarrier.arrive $0xFFFF  }
0x3a: {  	[tilespmem:s2], [sflag:$0x1] =	stream.linear.gather [hbm4b:s7+s2], $0x100, $0x38;
	[tilespmem:$0x1FF00] =	vst v63  }
0x3b: {  	_ = 	snop  }
0x3c: {  	[tilespmem:s17], [sflag:$0x2] =	stream.linear.gather [hbm4b:s10+s2], $0x100, $0x38;
	[tilespmem:$0x1FF00] =	vst v63  }
0x3d: {  	_ = 	snop  }
0x3e: {  	[tilespmem:s18], [sflag:$0x3] =	stream.linear.gather [hbm4b:s11+s2], $0x100, $0x38;
	[tilespmem:$0x1FF00] =	vst v63  }
0x3f: {  	_ =	swait.ge [sflag:s19], $0x100  }
0x40: {  	[sflag:s19] =	ssyncset.done $0x0  }
0x41: {  	[sflag:s19] =	ssyncadd.s32 $0xFFFFFF00  }
0x42: {  	[tilespmem:s15], [sflag:$0x4] =	stream.indirect.gather [hbm4b:s12+s20], $0x80, s2, s20, $0xb8;
	[tilespmem:$0x1FF00] =	vst v63  }
0x43: {  	_ =	swait.ge [sflag:s21], $0x100  }
0x44: {  	[sflag:s21] =	ssyncset.done $0x0  }
0x45: {  	[sflag:s21] =	ssyncadd.s32 $0xFFFFFF00  }
0x46: {  	[tilespmem:s22], [sflag:$0x5] =	stream.indirect.gather [hbm4b:s12+s20], $0x80, s17, s20, $0xb8;
	[tilespmem:$0x1FF00] =	vst v63  }
0x47: {  	_ =	swait.ge [sflag:s23], $0x4000  }
0x48: {  	[sflag:s23] =	ssyncset.done $0x0  }
0x49: {  	[sflag:s23] =	ssyncadd.s32 $0xFFFFC000  }
0x4a: {  	[spmem:s1] =	stream.indirect.scatter.add.f32 [tilespmem:s15], [sflag:$0x7], $0x80, s20, s20, $0xb8;
	[tilespmem:$0x1FF00] =	vst v63  }
0x4b: {  	_ =	swait.ge [sflag:s16], $0x4000  }
0x4c: {  	s3 =	sadd.s32 $0xFFFFEC80, s14;
	[sflag:s16] =	ssyncset.done $0x0  }
0x4d: {  	s5 =	sadd.s32 $0x13E0, s3;
	[sflag:s16] =	ssyncadd.s32 $0xFFFFC000  }
0x4e: {  	[tilespmem:s2], [sflag:$0x1] =	stream.linear.gather [hbm4b:s5+s2], $0x100, $0x38;
	[tilespmem:$0x1FF00] =	vst v63  }
0x4f: {  	_ =	swait.ge [sflag:s25], $0x100  }
0x50: {  	[sflag:s25] =	ssyncset.done $0x0  }
0x51: {  	[sflag:s25] =	ssyncadd.s32 $0xFFFFFF00  }
0x52: {  	[tilespmem:s26], [sflag:$0x6] =	stream.indirect.gather [hbm4b:s12+s20], $0x80, s18, s20, $0xb8;
	[tilespmem:$0x1FF00] =	vst v63  }
0x53: {  	_ =	swait.ge [sflag:s28], $0x4000  }
0x54: {  	[sflag:s28] =	ssyncset.done $0x0  }
0x55: {  	[sflag:s28] =	ssyncadd.s32 $0xFFFFC000  }
0x56: {  	[spmem:s1] =	stream.indirect.scatter.add.f32 [tilespmem:s22], [sflag:$0x7], $0x80, s29, s20, $0xb8;
	[tilespmem:$0x1FF00] =	vst v63  }
0x57: {  	_ =	swait.ge [sflag:s16], $0x4000  }
0x58: {  	[sflag:s16] =	ssyncset.done $0x0  }
0x59: {  	s6 =	sadd.s32 $0x1400, s3;
	[sflag:s16] =	ssyncadd.s32 $0xFFFFC000  }
0x5a: {  	[tilespmem:s17], [sflag:$0x2] =	stream.linear.gather [hbm4b:s6+s2], $0x100, $0x38;
	[tilespmem:$0x1FF00] =	vst v63  }
0x5b: {  	_ =	swait.ge [sflag:s19], $0x100  }
0x5c: {  	[sflag:s19] =	ssyncset.done $0x0  }
0x5d: {  	[sflag:s19] =	ssyncadd.s32 $0xFFFFFF00  }
0x5e: {  	[tilespmem:s15], [sflag:$0x4] =	stream.indirect.gather [hbm4b:s12+s20], $0x80, s2, s20, $0xb8;
	[tilespmem:$0x1FF00] =	vst v63  }
0x5f: {  	_ =	swait.ge [sflag:s30], $0x4000  }
0x60: {  	[sflag:s30] =	ssyncset.done $0x0  }
0x61: {  	[sflag:s30] =	ssyncadd.s32 $0xFFFFC000  }
0x62: {  	[spmem:s1] =	stream.indirect.scatter.add.f32 [tilespmem:s26], [sflag:$0x7], $0x80, s31, s20, $0xb8;
	[tilespmem:$0x1FF00] =	vst v63  }
0x63: {  	_ =	swait.ge [sflag:s16], $0x4000  }
0x64: {  	[sflag:s16] =	ssyncset.done $0x0  }
0x65: {  	s3 =	sadd.s32 $0x1420, s3;
	[sflag:s16] =	ssyncadd.s32 $0xFFFFC000  }
0x66: {  	[tilespmem:s18], [sflag:$0x3] =	stream.linear.gather [hbm4b:s3+s2], $0x100, $0x38;
	[tilespmem:$0x1FF00] =	vst v63  }
0x67: {  	_ =	swait.ge [sflag:s21], $0x100  }
0x68: {  	[sflag:s21] =	ssyncset.done $0x0  }
0x69: {  	s3 =	simm.s32 $0xFFFFECE0;
	[sflag:s21] =	ssyncadd.s32 $0xFFFFFF00  }
.LBB2_4:
0x6a: {  	[tilespmem:s22], [sflag:$0x5] =	stream.indirect.gather [hbm4b:s12+s20], $0x80, s17, s20, $0xb8;
	[tilespmem:$0x1FF00] =	vst v63  }
0x6b: {  	s5 =	smov.u32 s3  }
0x6c: {  	p0 =	sne.s32 s3, $0xFFFFFFA0;
	s3 =	sadd.s32 $0x60, s3;
	_ =	swait.ge [sflag:s23], $0x4000  }
0x6d: {  	[sflag:s23] =	ssyncset.done $0x0  }
0x6e: {  	[sflag:s23] =	ssyncadd.s32 $0xFFFFC000  }
0x6f: {  	[spmem:s1] =	stream.indirect.scatter.add.f32 [tilespmem:s15], [sflag:$0x7], $0x80, s20, s20, $0xb8;
	[tilespmem:$0x1FF00] =	vst v63  }
0x70: {  	_ =	swait.ge [sflag:s16], $0x4000  }
0x71: {  	s5 =	sadd.s32 s5, s14;
	[sflag:s16] =	ssyncset.done $0x0  }
0x72: {  	s6 =	sadd.s32 $0x13E0, s5;
	[sflag:s16] =	ssyncadd.s32 $0xFFFFC000  }
0x73: {  	[tilespmem:s2], [sflag:$0x1] =	stream.linear.gather [hbm4b:s6+s2], $0x100, $0x38;
	[tilespmem:$0x1FF00] =	vst v63  }
0x74: {  	_ =	swait.ge [sflag:s25], $0x100  }
0x75: {  	[sflag:s25] =	ssyncset.done $0x0  }
0x76: {  	[sflag:s25] =	ssyncadd.s32 $0xFFFFFF00  }
0x77: {  	[tilespmem:s26], [sflag:$0x6] =	stream.indirect.gather [hbm4b:s12+s20], $0x80, s18, s20, $0xb8;
	[tilespmem:$0x1FF00] =	vst v63  }
0x78: {  	_ =	swait.ge [sflag:s28], $0x4000  }
0x79: {  	[sflag:s28] =	ssyncset.done $0x0  }
0x7a: {  	[sflag:s28] =	ssyncadd.s32 $0xFFFFC000  }
0x7b: {  	[spmem:s1] =	stream.indirect.scatter.add.f32 [tilespmem:s22], [sflag:$0x7], $0x80, s29, s20, $0xb8;
	[tilespmem:$0x1FF00] =	vst v63  }
0x7c: {  	_ =	swait.ge [sflag:s16], $0x4000  }
0x7d: {  	[sflag:s16] =	ssyncset.done $0x0  }
0x7e: {  	s6 =	sadd.s32 $0x1400, s5;
	[sflag:s16] =	ssyncadd.s32 $0xFFFFC000  }
0x7f: {  	[tilespmem:s17], [sflag:$0x2] =	stream.linear.gather [hbm4b:s6+s2], $0x100, $0x38;
	[tilespmem:$0x1FF00] =	vst v63  }
0x80: {  	_ =	swait.ge [sflag:s19], $0x100  }
0x81: {  	[sflag:s19] =	ssyncset.done $0x0  }
0x82: {  	[sflag:s19] =	ssyncadd.s32 $0xFFFFFF00  }
0x83: {  	[tilespmem:s15], [sflag:$0x4] =	stream.indirect.gather [hbm4b:s12+s20], $0x80, s2, s20, $0xb8;
	[tilespmem:$0x1FF00] =	vst v63  }
0x84: {  	_ =	swait.ge [sflag:s30], $0x4000  }
0x85: {  	[sflag:s30] =	ssyncset.done $0x0  }
0x86: {  	[sflag:s30] =	ssyncadd.s32 $0xFFFFC000  }
0x87: {  	[spmem:s1] =	stream.indirect.scatter.add.f32 [tilespmem:s26], [sflag:$0x7], $0x80, s31, s20, $0xb8;
	[tilespmem:$0x1FF00] =	vst v63  }
0x88: {  	_ =	swait.ge [sflag:s16], $0x4000  }
0x89: {  	[sflag:s16] =	ssyncset.done $0x0  }
.Ltmp1:
0x8a: {  	s5 =	sadd.s32 $0x1420, s5;
	[sflag:s16] =	ssyncadd.s32 $0xFFFFC000;
	(pc) =	sbr.rel @p0 .LBB2_4-.Ltmp1, $4  }
0x8b: {  	[tilespmem:s18], [sflag:$0x3] =	stream.linear.gather [hbm4b:s5+s2], $0x100, $0x38;
	[tilespmem:$0x1FF00] =	vst v63  }
0x8c: {  	_ =	swait.ge [sflag:s21], $0x100  }
0x8d: {  	[sflag:s21] =	ssyncset.done $0x0  }
0x8e: {  	[sflag:s21] =	ssyncadd.s32 $0xFFFFFF00  }
0x8f: {  	[tilespmem:s22], [sflag:$0x5] =	stream.indirect.gather [hbm4b:s12+s20], $0x80, s17, s20, $0xb8;
	[tilespmem:$0x1FF00] =	vst v63  }
0x90: {  	_ =	swait.ge [sflag:s23], $0x4000  }
0x91: {  	[sflag:s23] =	ssyncset.done $0x0  }
0x92: {  	[sflag:s23] =	ssyncadd.s32 $0xFFFFC000  }
0x93: {  	[spmem:s1] =	stream.indirect.scatter.add.f32 [tilespmem:s15], [sflag:$0x7], $0x80, s20, s20, $0xb8;
	[tilespmem:$0x1FF00] =	vst v63  }
0x94: {  	_ =	swait.ge [sflag:s16], $0x4000  }
0x95: {  	[sflag:s16] =	ssyncset.done $0x0  }
0x96: {  	[sflag:s16] =	ssyncadd.s32 $0xFFFFC000  }
0x97: {  	_ =	swait.ge [sflag:s25], $0x100  }
0x98: {  	[sflag:s25] =	ssyncset.done $0x0  }
0x99: {  	[sflag:s25] =	ssyncadd.s32 $0xFFFFFF00  }
0x9a: {  	[tilespmem:s26], [sflag:$0x6] =	stream.indirect.gather [hbm4b:s12+s20], $0x80, s18, s20, $0xb8;
	[tilespmem:$0x1FF00] =	vst v63  }
0x9b: {  	_ =	swait.ge [sflag:s28], $0x4000  }
0x9c: {  	[sflag:s28] =	ssyncset.done $0x0  }
0x9d: {  	[sflag:s28] =	ssyncadd.s32 $0xFFFFC000  }
0x9e: {  	[spmem:s1] =	stream.indirect.scatter.add.f32 [tilespmem:s22], [sflag:$0x7], $0x80, s29, s20, $0xb8;
	[tilespmem:$0x1FF00] =	vst v63  }
0x9f: {  	_ =	swait.ge [sflag:s16], $0x4000  }
0xa0: {  	[sflag:s16] =	ssyncset.done $0x0  }
0xa1: {  	[sflag:s16] =	ssyncadd.s32 $0xFFFFC000  }
0xa2: {  	_ =	swait.ge [sflag:s30], $0x4000  }
0xa3: {  	[sflag:s30] =	ssyncset.done $0x0  }
0xa4: {  	[sflag:s30] =	ssyncadd.s32 $0xFFFFC000  }
0xa5: {  	[spmem:s1] =	stream.indirect.scatter.add.f32 [tilespmem:s26], [sflag:$0x7], $0x80, s31, s20, $0xb8;
	[tilespmem:$0x1FF00] =	vst v63  }
0xa6: {  	s3 =	stileid.u32;
	_ =	swait.ge [sflag:s16], $0x4000  }
0xa7: {  	s5 =	sshrl.u32 s4, $0x3;
	s0 =	sadd.s32 $0x1, s0;
	[sflag:s16] =	ssyncset.done $0x0  }
0xa8: {  	s3 =	sshll.u32 s3, $0x6;
	p0 =	sne.s32 s0, s13;
	[sflag:s16] =	ssyncadd.s32 $0xFFFFC000  }
.Ltmp2:
0xa9: {  	s3 =	sor.u32 $0x1C07, s3;
	[bflag:$0x0] =	sbarrier.arrive $0xFFFF;
	(pc) =	sbr.rel @p0 .LBB2_1-.Ltmp2, $4  }
0xaa: {  	[hbm:s24], [sflag:s3] =	dma.local [spmem:s5], $0x2780  }
0xab: {  	_ =	swait.ge [sflag:s16], $0x2780  }
0xac: {  	[sflag:s16] =	ssyncset.done $0x0  }
0xad: {  	[sflag:s16] =	ssyncadd.s32 $0xFFFFD880  }
0xae: {  	_ =	sfence.sel $0x180000  }
0xaf: {  	[bflag:$0x0] =	sbarrier.arrive $0xFFFF  }
0xb0: {  	_ =	strace $0x9000004D  }
0xb1: {  	s0 =	stileid.u32;
	[bflag:$0x2] =	sbarrier.arrive $0xFFFF  }
0xb2: {  	p0 =	sne.s32 s0, $0x0;
	s0 =	rddreg [dreg:$0x3]  }
0xb3: {  	s0 =	sadd.s32 @!p0 $0x100000, s0  }
0xb4: {  	[sflag:s0] =	ssyncadd.tile.s32 @!p0 $0x1;
	_ =	shalt  }
.Lfunc_end2:
_tile_overlayer_lowered:
.L_overlay_start_2:
0xb5: {  	(tag) =	ssettag $0x2  }
0xb6: {  	s0 =	rddreg [dreg:$0x0];
	s2 =	stileid.u32  }
0xb7: {  	s1 =	rddreg [dreg:$0x1];
	p0 =	sne.s32 s2, $0x0  }
0xb8: {  	s3 =	rddreg [dreg:$0x2];
	[bflag:$0x3] =	sbarrier.arrive $0xFFFF;
	s2 =	simm.s32 @!p0 $0x1C07  }
0xb9: {  	[timem:s3], [sflag:s2] =	dma.local @!p0 [hbm:s0], s1  }
0xba: {  	s0 =	simm.s32 @!p0 $0x7  }
0xbb: {  	_ =	swait.ge @!p0 [sflag:s0], s1  }
0xbc: {  	s1 =	ssub.s32 @!p0 $0x0, s1;
	[sflag:s0] =	ssyncset.done @!p0 $0x0  }
0xbd: {  	[sflag:s0] =	ssyncadd.s32 @!p0 s1  }
0xbe: {  	[bflag:$0x3] =	sbarrier.arrive $0xFFFF  }
0xbf: {  	_ =	shalt  }

</sc_bundles>
